<compile_context>
chip_gen: v7x
topology: tpu7x:2x2x1
jax: 0.10.2.dev20260603
libtpu: 0.0.44.dev20260713+nightly
codegen_flags: <defaults>
</compile_context>

<pallas_src>
import functools

import jax
import jax.numpy as jnp
from jax import lax
from jax.experimental import pallas as pl
from jax.experimental.pallas import tpu as pltpu
from jax.experimental.pallas import tpu_sc as plsc

_B, _CIN, _N, _K, _M, _CO = 8, 3, 1024, 20, 8, 64
_R = _B * _N
_E = _R * _K
_NW = 32
_EPW = _E // _NW
_NPW = _R // _NW
_GN = 2
_NG = _NPW // _GN
_NEG = -3.0e38
_EPS = 1e-5


def _knn_body(ct_ref, idx_ref):
    ct = ct_ref[0]
    ctb = ct.astype(jnp.bfloat16)
    g = lax.dot_general(ctb, ctb, (((1,), (1,)), ((), ())),
                        preferred_element_type=jnp.float32)
    sq = ct * ct
    xcol = jnp.sum(sq, axis=1, keepdims=True)
    xrow = lax.dot_general(jnp.ones((1, 16), jnp.float32), sq,
                           (((1,), (1,)), ((), ())),
                           preferred_element_type=jnp.float32,
                           precision=lax.Precision.HIGHEST)
    p0 = 2.0 * g - xcol - xrow
    base = pl.program_id(0) * _N
    iota = lax.broadcasted_iota(jnp.int32, (_N, _N), 1)

    def step(k, p):
        rmax = jnp.max(p, axis=1, keepdims=True)
        msk = p == rmax
        sel = jnp.min(jnp.where(msk, iota, _N), axis=1)
        idx_ref[0, k, :] = sel + base
        return jnp.where(iota == sel[:, None], _NEG, p)

    lax.fori_loop(0, _K, step, p0)


def _knn(coords_t16):
    return pl.pallas_call(
        _knn_body,
        grid=(_B,),
        in_specs=[pl.BlockSpec((1, _N, 16), lambda b: (b, 0, 0))],
        out_specs=pl.BlockSpec((1, _K, _N), lambda b: (b, 0, 0)),
        out_shape=jax.ShapeDtypeStruct((_B, _K, _N), jnp.int32),
    )(coords_t16)


def _feat_body(ft_ref, m1_ref, pt_ref, ctr_ref):
    ft = ft_ref[...]
    m1 = m1_ref[...]
    wsum = m1[0:3] + m1[3:6]
    dn = (((1,), (0,)), ((), ()))
    pt_ref[...] = lax.dot_general(ft, wsum, dn,
                                  preferred_element_type=jnp.float32,
                                  precision=lax.Precision.HIGHEST)
    ctr_ref[...] = lax.dot_general(ft, m1[0:3], dn,
                                   preferred_element_type=jnp.float32,
                                   precision=lax.Precision.HIGHEST)


def _feat(ft, m1):
    rb = 2048
    d = _M * _CO
    return pl.pallas_call(
        _feat_body,
        grid=(_R // rb,),
        in_specs=[pl.BlockSpec((rb, 3), lambda i: (i, 0)),
                  pl.BlockSpec((6, d), lambda i: (0, 0))],
        out_specs=[pl.BlockSpec((rb, d), lambda i: (i, 0)),
                   pl.BlockSpec((rb, d), lambda i: (i, 0))],
        out_shape=[jax.ShapeDtypeStruct((_R, d), jnp.float32),
                   jax.ShapeDtypeStruct((_R, d), jnp.float32)],
    )(ft, m1)


def _sc_mesh():
    return plsc.VectorSubcoreMesh(core_axis_name="c", subcore_axis_name="s")


def _sc_coords_body(tab_hbm, idx_hbm, out_hbm, tab_v, idx_v, out_v):
    wid = lax.axis_index("s") * 2 + lax.axis_index("c")
    base = wid * _EPW
    pltpu.sync_copy(tab_hbm, tab_v)
    pltpu.sync_copy(idx_hbm.at[pl.ds(base, _EPW)], idx_v)

    def step(e, _):
        idxv = idx_v[pl.ds(e, 16)] * 4
        for c in range(3):
            v = plsc.load_gather(tab_v, [idxv + c])
            out_v[c, pl.ds(e, 16)] = v
        return 0

    lax.fori_loop(0, _EPW // 16, lambda i, _: step(i * 16, _), 0, unroll=4)
    for c in range(3):
        pltpu.sync_copy(out_v.at[c], out_hbm.at[c, pl.ds(base, _EPW)])


def _sc_coords(tab4, idx_flat):
    k = functools.partial(
        pl.kernel,
        out_type=jax.ShapeDtypeStruct((4, _E), jnp.float32),
        mesh=_sc_mesh(),
        compiler_params=pltpu.CompilerParams(needs_layout_passes=False),
        scratch_types=[pltpu.VMEM((_R * 4,), jnp.float32),
                       pltpu.VMEM((_EPW,), jnp.int32),
                       pltpu.VMEM((4, _EPW), jnp.float32)],
    )(_sc_coords_body)
    return k(tab4, idx_flat)


def _s1_mats(w1):
    w1t = w1.T
    z = jnp.zeros((1, 16), jnp.float32)
    a4 = jnp.concatenate([w1t[0:3] + w1t[3:6], z], axis=0)
    b4 = jnp.concatenate([-w1t[0:3], z], axis=0)
    return a4, b4


def _s1_of(nbr4, ctr4, a4, b4):
    return (lax.dot_general(a4, nbr4, (((0,), (0,)), ((), ())),
                            preferred_element_type=jnp.float32,
                            precision=lax.Precision.HIGHEST)
            + lax.dot_general(b4, ctr4, (((0,), (0,)), ((), ())),
                              preferred_element_type=jnp.float32,
                              precision=lax.Precision.HIGHEST))


def _score_stats_body(nbr_ref, ctr_ref, w1_ref, acc_ref):
    a4, b4 = _s1_mats(w1_ref[...])
    s1 = _s1_of(nbr_ref[...], ctr_ref[...], a4, b4)
    us = jnp.sum(s1, axis=1, keepdims=True)
    us2 = jnp.sum(s1 * s1, axis=1, keepdims=True)
    upd = jnp.concatenate(
        [us, us2, jnp.zeros((16, 126), jnp.float32)], axis=1)

    @pl.when(pl.program_id(0) == 0)
    def _():
        acc_ref[...] = upd

    @pl.when(pl.program_id(0) != 0)
    def _():
        acc_ref[...] = acc_ref[...] + upd


def _score_apply_body(nbr_ref, ctr_ref, w1_ref, w2_ref, bs2_ref, g1_ref,
                      b1_ref, acc_ref, sc_ref):
    a4, b4 = _s1_mats(w1_ref[...])
    s1 = _s1_of(nbr_ref[...], ctr_ref[...], a4, b4)
    cnt = jnp.float32(_E)
    mean = acc_ref[:, 0:1] / cnt
    var = acc_ref[:, 1:2] / cnt - mean * mean
    scale = g1_ref[...] / jnp.sqrt(var + _EPS)
    shift = b1_ref[...] - mean * scale
    s1r = jnp.maximum(s1 * scale + shift, 0.0)
    s2 = lax.dot_general(w2_ref[...], s1r, (((1,), (0,)), ((), ())),
                         preferred_element_type=jnp.float32,
                         precision=lax.Precision.HIGHEST)
    s2 = s2 + bs2_ref[...]
    mx = jnp.max(s2, axis=0, keepdims=True)
    e = jnp.exp(s2 - mx)
    sm = e / jnp.sum(e, axis=0, keepdims=True) + 0.5
    sc_ref[...] = sm.T


def _score(nbrc, ctr4p, w1, w2, bs2, g1, b1):
    rb = 2560
    grid = (_E // rb,)
    ns = [pl.BlockSpec((4, rb), lambda i: (0, i)),
          pl.BlockSpec((4, rb), lambda i: (0, i)),
          pl.BlockSpec((16, 6), lambda i: (0, 0))]
    acc = pl.pallas_call(
        _score_stats_body,
        grid=grid,
        in_specs=ns,
        out_specs=pl.BlockSpec((16, 128), lambda i: (0, 0)),
        out_shape=jax.ShapeDtypeStruct((16, 128), jnp.float32),
    )(nbrc, ctr4p, w1)
    score = pl.pallas_call(
        _score_apply_body,
        grid=grid,
        in_specs=ns + [pl.BlockSpec((8, 16), lambda i: (0, 0)),
                       pl.BlockSpec((8, 1), lambda i: (0, 0)),
                       pl.BlockSpec((16, 1), lambda i: (0, 0)),
                       pl.BlockSpec((16, 1), lambda i: (0, 0)),
                       pl.BlockSpec((16, 128), lambda i: (0, 0))],
        out_specs=pl.BlockSpec((rb, 8), lambda i: (i, 0)),
        out_shape=jax.ShapeDtypeStruct((_E, 8), jnp.float32),
    )(nbrc, ctr4p, w1, w2, bs2, g1, b1, acc)
    return score


def _sc_aggr_body(pt_hbm, idx_hbm, sc_hbm, out_hbm,
                  idx_v, sc_v0, sc_v1, rows_v, out_v, sem0, sem1):
    wid = lax.axis_index("s") * 2 + lax.axis_index("c")
    nbase = wid * _NPW
    pltpu.sync_copy(idx_hbm.at[pl.ds(nbase * _K, _NPW * _K)], idx_v)
    sems = (sem0, sem1)
    scs = (sc_v0, sc_v1)
    gsc = _GN * _K * 8

    def start(g, b):
        pltpu.async_copy(
            pt_hbm.at[idx_v.at[pl.ds(g * (_GN * _K), _GN * _K)]],
            rows_v.at[b], sems[b])
        pltpu.async_copy(
            sc_hbm.at[pl.ds(nbase * _K * 8 + g * gsc, gsc)],
            scs[b], sems[b])

    def wait(b):
        pltpu.make_async_copy(
            pt_hbm.at[pl.ds(0, _GN * _K)], rows_v.at[b], sems[b]).wait()
        pltpu.make_async_copy(
            sc_hbm.at[pl.ds(0, gsc)], scs[b], sems[b]).wait()

    for b in range(2):
        start(jnp.int32(b), b)

    def go_body(go, _):
        for b in range(2):
            g = go * 2 + b
            wait(b)
            for nl in range(_GN):
                def kstep(k, accs):
                    r = nl * _K + k
                    accs = list(accs)
                    for m in range(_M):
                        sv = plsc.load_gather(
                            scs[b],
                            [jnp.full((16,), nl * (_K * 8) + k * 8 + m,
                                      jnp.int32)])
                        for c in range(4):
                            accs[c] = accs[c] + sv * rows_v[
                                b, r, pl.ds(m * _CO + c * 16, 16)]
                    return tuple(accs)

                accs = tuple(jnp.zeros((16,), jnp.float32)
                             for _ in range(4))
                accs = lax.fori_loop(0, _K, kstep, accs)
                nrow = g * _GN + nl
                for c in range(4):
                    out_v[nrow, pl.ds(c * 16, 16)] = accs[c]

            @pl.when(g + 2 < _NG)
            def _():
                start(g + 2, b)
        return 0

    lax.fori_loop(0, _NG // 2, go_body, 0)
    pltpu.sync_copy(out_v, out_hbm.at[pl.ds(nbase, _NPW)])


def _sc_aggr(pt, idx_flat, score_flat):
    k = functools.partial(
        pl.kernel,
        out_type=jax.ShapeDtypeStruct((_R, _CO), jnp.float32),
        mesh=_sc_mesh(),
        compiler_params=pltpu.CompilerParams(needs_layout_passes=False),
        scratch_types=[pltpu.VMEM((_NPW * _K,), jnp.int32),
                       pltpu.VMEM((_GN * _K * 8,), jnp.float32),
                       pltpu.VMEM((_GN * _K * 8,), jnp.float32),
                       pltpu.VMEM((2, _GN * _K, _M * _CO), jnp.float32),
                       pltpu.VMEM((_NPW, _CO), jnp.float32),
                       pltpu.SemaphoreType.DMA,
                       pltpu.SemaphoreType.DMA],
    )(_sc_aggr_body)
    return k(pt, idx_flat, score_flat)


def _fin_stats_body(sc2_ref, ctrf_ref, o1_ref, d_ref, acc_ref):
    sc2 = sc2_ref[...]
    ctrf = ctrf_ref[...]
    ss = sc2[:, 0:8]
    for k in range(1, _K):
        ss = ss + sc2[:, k * 8:(k + 1) * 8]
    out2 = ss[:, 0:1] * ctrf[:, 0:_CO]
    for m in range(1, _M):
        out2 = out2 + ss[:, m:m + 1] * ctrf[:, m * _CO:(m + 1) * _CO]
    dd = o1_ref[...] - out2
    d_ref[...] = dd
    us = jnp.sum(dd, axis=0, keepdims=True)
    us2 = jnp.sum(dd * dd, axis=0, keepdims=True)
    zl = jnp.zeros((1, 64), jnp.float32)
    upd = jnp.concatenate(
        [jnp.concatenate([us, zl], axis=1),
         jnp.concatenate([us2, zl], axis=1),
         jnp.zeros((6, 128), jnp.float32)], axis=0)

    @pl.when(pl.program_id(0) == 0)
    def _():
        acc_ref[...] = upd

    @pl.when(pl.program_id(0) != 0)
    def _():
        acc_ref[...] = acc_ref[...] + upd


def _fin_apply_body(d_ref, acc_ref, g_ref, b_ref, out_ref):
    cnt = jnp.float32(_R)
    mean = acc_ref[0:1, 0:_CO] / cnt
    var = acc_ref[1:2, 0:_CO] / cnt - mean * mean
    scale = g_ref[...] / jnp.sqrt(var + _EPS)
    shift = b_ref[...] - mean * scale
    y = jnp.maximum(d_ref[...] * scale + shift, 0.0)
    out_ref[0] = y.T


def _finalize(score2d, ctrf, out1, bn1_g, bn1_b):
    rb = 512
    d_arr, acc = pl.pallas_call(
        _fin_stats_body,
        grid=(_R // rb,),
        in_specs=[pl.BlockSpec((rb, _K * 8), lambda i: (i, 0)),
                  pl.BlockSpec((rb, _M * _CO), lambda i: (i, 0)),
                  pl.BlockSpec((rb, _CO), lambda i: (i, 0))],
        out_specs=[pl.BlockSpec((rb, _CO), lambda i: (i, 0)),
                   pl.BlockSpec((8, 128), lambda i: (0, 0))],
        out_shape=[jax.ShapeDtypeStruct((_R, _CO), jnp.float32),
                   jax.ShapeDtypeStruct((8, 128), jnp.float32)],
    )(score2d, ctrf, out1)
    nb = _N // rb
    out = pl.pallas_call(
        _fin_apply_body,
        grid=(_B, nb),
        in_specs=[pl.BlockSpec((rb, _CO), lambda b, j: (b * nb + j, 0)),
                  pl.BlockSpec((8, 128), lambda b, j: (0, 0)),
                  pl.BlockSpec((1, _CO), lambda b, j: (0, 0)),
                  pl.BlockSpec((1, _CO), lambda b, j: (0, 0))],
        out_specs=pl.BlockSpec((1, _CO, rb), lambda b, j: (b, 0, j)),
        out_shape=jax.ShapeDtypeStruct((_B, _CO, _N), jnp.float32),
    )(d_arr, acc, bn1_g, bn1_b)
    return out


def kernel(features, coords, matrice1, w_s1, bn_s1_gamma, bn_s1_beta,
           w_s2, b_s2, bn1_gamma, bn1_beta):
    coords_t = jnp.transpose(coords, (0, 2, 1))
    ct16 = jnp.pad(coords_t, ((0, 0), (0, 0), (0, 13)))

    idx_bkn = _knn(ct16)
    idx_flat = jnp.transpose(idx_bkn, (0, 2, 1)).reshape(_E)

    ft = jnp.transpose(features, (0, 2, 1)).reshape(_R, _CIN)
    point, ctrf = _feat(ft, matrice1)

    ctab4 = jnp.pad(coords_t, ((0, 0), (0, 0), (0, 1))).reshape(_R, 4)
    nbrc = _sc_coords(ctab4.reshape(_R * 4), idx_flat)
    ctr4p = jnp.broadcast_to(
        ctab4.T[:, :, None], (4, _R, _K)).reshape(4, _E)

    score = _score(nbrc, ctr4p, w_s1, w_s2,
                   b_s2.reshape(8, 1), bn_s1_gamma.reshape(16, 1),
                   bn_s1_beta.reshape(16, 1))

    out1 = _sc_aggr(point, idx_flat, score.reshape(_E * 8))

    out = _finalize(score.reshape(_R, _K * 8), ctrf, out1,
                    bn1_gamma.reshape(1, _CO), bn1_beta.reshape(1, _CO))
    return out

# --- scband reference (transcript-rebuilt; emitter-appended) ---
"""Pipeline reference for scband-dgcnn-paconv-37933151158908 (READ-ONLY COPY).

The authoritative reference and input builder live on the scoring server;
editing this copy changes nothing except your own understanding.
"""

import jax, jax.numpy as jnp
import numpy as np

B, CIN, N, K, M, COUT = 8, 3, 1024, 20, 8, 64


def setup_inputs(seed: int = 0):
    key = jax.random.key(seed)
    ks = jax.random.split(key, 8)
    return {
        "features": jax.random.normal(ks[0], (B, CIN, N), dtype=jnp.float32),
        "coords": jax.random.uniform(ks[1], (B, 3, N), dtype=jnp.float32),
        "matrice1": jax.random.normal(ks[2], (CIN * 2, M * COUT), dtype=jnp.float32) * (2.0 / (CIN * 2)) ** 0.5,
        "w_s1": jax.random.normal(ks[3], (16, 6), dtype=jnp.float32) * 0.3,
        "bn_s1_gamma": jnp.ones((16,), jnp.float32),
        "bn_s1_beta": jnp.zeros((16,), jnp.float32),
        "w_s2": jax.random.normal(ks[4], (M, 16), dtype=jnp.float32) * 0.3,
        "b_s2": jnp.zeros((M,), jnp.float32),
        "bn1_gamma": jnp.ones((COUT,), jnp.float32),
        "bn1_beta": jnp.zeros((COUT,), jnp.float32),
    }


def _knn_idx(coords, k):
    # coords: [B, 3, N]; torch: pairwise = -xx - (-2 x^T x) - xx^T = -||xi-xj||^2; topk largest = nearest
    inner = -2.0 * jnp.einsum('bcn,bcm->bnm', coords, coords)
    xx = jnp.sum(coords ** 2, axis=1)  # [B, N]
    pairwise = -xx[:, :, None] - inner - xx[:, None, :]
    _, idx = jax.lax.top_k(pairwise, k)  # [B, N, K]
    return idx


def _gather_neighbors(x, idx):
    # x: [B, N, ...], idx: [B, N, K] int -> [B, N, K, ...]
    return jax.vmap(lambda xb, ib: xb[ib])(x, idx)


def _bn(x, gamma, beta, axes, eps=1e-5):
    # training-mode batch norm over given axes; channel axis = 1
    mean = jnp.mean(x, axis=axes, keepdims=True)
    var = jnp.mean((x - mean) ** 2, axis=axes, keepdims=True)
    xh = (x - mean) / jnp.sqrt(var + eps)
    shape = [1] * x.ndim
    shape[1] = x.shape[1]
    return xh * gamma.reshape(shape) + beta.reshape(shape)


def _forward(features, coords, matrice1, w_s1, g1, b1, w_s2, bs2, bn1_g, bn1_b):
    idx = _knn_idx(coords, K)
    # get_scorenet_input: xyz = concat(neighbor - center, neighbor) -> [B, 6, N, K]
    coords_t = jnp.transpose(coords, (0, 2, 1))  # [B, N, 3]
    neighbor = _gather_neighbors(coords_t, idx)  # [B, N, K, 3]
    center = coords_t[:, :, None, :]
    xyz = jnp.concatenate([neighbor - center, neighbor], axis=3)
    xyz = jnp.transpose(xyz, (0, 3, 1, 2))  # [B, 6, N, K]

    # feat_trans_dgcnn
    ft = jnp.transpose(features, (0, 2, 1))  # [B, N, CIN]
    ft2 = jnp.concatenate([ft, ft], axis=2)  # repeat(1,1,2)
    point = jnp.einsum('bnc,cd->bnd', ft2, matrice1).reshape(B, N, M, COUT)
    center_f = jnp.einsum('bnc,cd->bnd', ft, matrice1[:CIN]).reshape(B, N, M, COUT)

    # ScoreNet: 1x1 convs 6->16 (no bias) + BN + ReLU, 16->m (bias), softmax over channel, +0.5
    s = jnp.einsum('oc,bcnk->bonk', w_s1, xyz)
    s = jax.nn.relu(_bn(s, g1, b1, (0, 2, 3)))
    s = jnp.einsum('oc,bcnk->bonk', w_s2, s) + bs2[None, :, None, None]
    s = jax.nn.softmax(s, axis=1) + 0.5
    score = jnp.transpose(s, (0, 2, 3, 1))  # [B, N, K, M]

    # assemble_dgcnn (assign_score_withk, aggregate='sum'):
    # out[b,o,n] = sum_{k,m} score[b,n,k,m] * (point[b, idx[b,n,k], m, o] - center_f[b,n,m,o])
    nbr = _gather_neighbors(point, idx)  # [B, N, K, M, COUT]
    diff = nbr - center_f[:, :, None, :, :]
    out = jnp.einsum('bnkm,bnkmo->bon', score, diff)  # [B, COUT, N]

    out = jax.nn.relu(_bn(out, bn1_g, bn1_b, (0, 2)))
    return out


def reference(features, coords, matrice1, w_s1, bn_s1_gamma, bn_s1_beta, w_s2, b_s2, bn1_gamma, bn1_beta):
    return _forward(features, coords, matrice1, w_s1, bn_s1_gamma, bn_s1_beta, w_s2, b_s2, bn1_gamma, bn1_beta)

if __name__ == "__main__":
    import jax
    _d = setup_inputs()
    print(jax.jit(kernel)(*tuple(_d.values())))

</pallas_src>

<mosaic_0001>
#map = affine_map<(d0, d1) -> (0)>
#map1 = affine_map<(d0, d1) -> (0, 0)>
module attributes {stable_mosaic.version = 14 : i64} {
  func.func @_sc_coords_body(%arg0: i32, %arg1: i32, %arg2: memref<32768xf32, #tpu.memory_space<hbm>>, %arg3: memref<163840xi32, #tpu.memory_space<hbm>>, %arg4: memref<4x163840xf32, #tpu.memory_space<hbm>>, %arg5: memref<32768xf32, #tpu.memory_space<vmem>>, %arg6: memref<5120xi32, #tpu.memory_space<vmem>>, %arg7: memref<4x5120xf32, #tpu.memory_space<vmem>>) attributes {dimension_semantics = [#tpu.dimension_semantics<core_parallel>, #tpu.dimension_semantics<subcore_parallel>], iteration_bounds = array<i64: 2, 16>, scalar_prefetch = 0 : i64, scratch_operands = 3 : i64, tpu.core_type = #tpu.core_type<sc_vector_subcore>, window_params = [{transform_indices = #map}, {transform_indices = #map}, {transform_indices = #map1}]} {
    %mul3A = arith.constant 2 : i32
    %mul3A_0 = arith.muli %arg1, %mul3A : i32
    %add3A = arith.addi %mul3A_0, %arg0 : i32
    %mul3A_1 = arith.constant 5120 : i32
    %mul3A_2 = arith.muli %add3A, %mul3A_1 : i32
    "tpu.region"() ({
      %run_scoped3A_14 = tpu.sem_alloc : memref<!tpu.dma_semaphore, #tpu.memory_space<semaphore_mem>>
      tpu.enqueue_dma source(%arg2 : memref<32768xf32, #tpu.memory_space<hbm>>) target(%arg5 : memref<32768xf32, #tpu.memory_space<vmem>>) target_semaphore(%run_scoped3A_14 : memref<!tpu.dma_semaphore, #tpu.memory_space<semaphore_mem>>)
      tpu.wait_dma2 semaphore(%run_scoped3A_14 : memref<!tpu.dma_semaphore, #tpu.memory_space<semaphore_mem>>) src(%arg2 : memref<32768xf32, #tpu.memory_space<hbm>>) dst(%arg5 : memref<32768xf32, #tpu.memory_space<vmem>>)
      tpu.yield
    }) : () -> ()
    "tpu.region"() ({
      %run_scoped3A_14 = tpu.sem_alloc : memref<!tpu.dma_semaphore, #tpu.memory_space<semaphore_mem>>
      %dma_start3A = tpu.memref_slice %arg3[%mul3A_2] : memref<163840xi32, #tpu.memory_space<hbm>> -> memref<5120xi32, #tpu.memory_space<hbm>>
      %dma_start3A_15 = tpu.memref_slice %arg3[%mul3A_2] : memref<163840xi32, #tpu.memory_space<hbm>> -> memref<5120xi32, #tpu.memory_space<hbm>>
      tpu.enqueue_dma source(%dma_start3A_15 : memref<5120xi32, #tpu.memory_space<hbm>>) target(%arg6 : memref<5120xi32, #tpu.memory_space<vmem>>) target_semaphore(%run_scoped3A_14 : memref<!tpu.dma_semaphore, #tpu.memory_space<semaphore_mem>>)
      %dma_wait3A = tpu.memref_slice %arg3[%mul3A_2] : memref<163840xi32, #tpu.memory_space<hbm>> -> memref<5120xi32, #tpu.memory_space<hbm>>
      %dma_wait3A_16 = tpu.memref_slice %arg3[%mul3A_2] : memref<163840xi32, #tpu.memory_space<hbm>> -> memref<5120xi32, #tpu.memory_space<hbm>>
      tpu.wait_dma2 semaphore(%run_scoped3A_14 : memref<!tpu.dma_semaphore, #tpu.memory_space<semaphore_mem>>) src(%dma_wait3A_16 : memref<5120xi32, #tpu.memory_space<hbm>>) dst(%arg6 : memref<5120xi32, #tpu.memory_space<vmem>>)
      tpu.yield
    }) : () -> ()
    %scan3A = arith.constant 0 : i32
    %scan3A_3 = arith.constant 0 : i32
    %scan3A_4 = arith.constant 320 : i32
    %scan3A_5 = arith.addi %scan3A_3, %scan3A_4 : i32
    %scan3A_6 = arith.constant 4 : i32
    %scan3A_7 = scf.for %scan3A_14 = %scan3A_3 to %scan3A_5 step %scan3A_6 iter_args(%scan3A_15 = %scan3A) -> (i32)  : i32 {
      %mul3A_16 = arith.constant 16 : i32
      %mul3A_17 = arith.muli %scan3A_14, %mul3A_16 : i32
      %get3A = arith.index_cast %mul3A_17 : i32 to index
      %get3A_18 = tpu.vector_load %arg6[%get3A] {strides = array<i32>} : memref<5120xi32, #tpu.memory_space<vmem>>, vector<16xi32>,
      %mul3A_19 = arith.constant 4 : i32
      %mul3A_20 = vector.broadcast %mul3A_19 : i32 to vector<16xi32>
      %mul3A_21 = arith.muli %get3A_18, %mul3A_20 : vector<16xi32>
      %add3A_22 = arith.constant 0 : i32
      %add3A_23 = vector.broadcast %add3A_22 : i32 to vector<16xi32>
      %add3A_24 = arith.addi %mul3A_21, %add3A_23 : vector<16xi32>
      %gather3A = tpu.vector_load_idx %arg5[%add3A_24] : memref<32768xf32, #tpu.memory_space<vmem>>[vector<16xi32>], vector<16xf32>,
      %swap3A = arith.constant 0 : i32
      %swap3A_25 = arith.index_cast %swap3A : i32 to index
      %swap3A_26 = arith.index_cast %mul3A_17 : i32 to index
      %swap3A_27 = tpu.vector_load %arg7[%swap3A_25, %swap3A_26] {strides = array<i32>} : memref<4x5120xf32, #tpu.memory_space<vmem>>, vector<16xf32>,
      tpu.vector_store %arg7[%swap3A_25, %swap3A_26], %gather3A {strides = array<i32>} : memref<4x5120xf32, #tpu.memory_space<vmem>>, vector<16xf32>,
      %add3A_28 = arith.constant 1 : i32
      %add3A_29 = vector.broadcast %add3A_28 : i32 to vector<16xi32>
      %add3A_30 = arith.addi %mul3A_21, %add3A_29 : vector<16xi32>
      %gather3A_31 = tpu.vector_load_idx %arg5[%add3A_30] : memref<32768xf32, #tpu.memory_space<vmem>>[vector<16xi32>], vector<16xf32>,
      %swap3A_32 = arith.constant 1 : i32
      %swap3A_33 = arith.index_cast %swap3A_32 : i32 to index
      %swap3A_34 = arith.index_cast %mul3A_17 : i32 to index
      %swap3A_35 = tpu.vector_load %arg7[%swap3A_33, %swap3A_34] {strides = array<i32>} : memref<4x5120xf32, #tpu.memory_space<vmem>>, vector<16xf32>,
      tpu.vector_store %arg7[%swap3A_33, %swap3A_34], %gather3A_31 {strides = array<i32>} : memref<4x5120xf32, #tpu.memory_space<vmem>>, vector<16xf32>,
      %add3A_36 = arith.constant 2 : i32
      %add3A_37 = vector.broadcast %add3A_36 : i32 to vector<16xi32>
      %add3A_38 = arith.addi %mul3A_21, %add3A_37 : vector<16xi32>
      %gather3A_39 = tpu.vector_load_idx %arg5[%add3A_38] : memref<32768xf32, #tpu.memory_space<vmem>>[vector<16xi32>], vector<16xf32>,
      %swap3A_40 = arith.constant 2 : i32
      %swap3A_41 = arith.index_cast %swap3A_40 : i32 to index
      %swap3A_42 = arith.index_cast %mul3A_17 : i32 to index
      %swap3A_43 = tpu.vector_load %arg7[%swap3A_41, %swap3A_42] {strides = array<i32>} : memref<4x5120xf32, #tpu.memory_space<vmem>>, vector<16xf32>,
      tpu.vector_store %arg7[%swap3A_41, %swap3A_42], %gather3A_39 {strides = array<i32>} : memref<4x5120xf32, #tpu.memory_space<vmem>>, vector<16xf32>,
      %scan3A_44 = arith.constant 0 : i32
      %scan3A_45 = arith.constant 1 : i32
      %scan3A_46 = arith.addi %scan3A_14, %scan3A_45 : i32
      %mul3A_47 = arith.constant 16 : i32
      %mul3A_48 = arith.muli %scan3A_46, %mul3A_47 : i32
      %get3A_49 = arith.index_cast %mul3A_48 : i32 to index
      %get3A_50 = tpu.vector_load %arg6[%get3A_49] {strides = array<i32>} : memref<5120xi32, #tpu.memory_space<vmem>>, vector<16xi32>,
      %mul3A_51 = arith.constant 4 : i32
      %mul3A_52 = vector.broadcast %mul3A_51 : i32 to vector<16xi32>
      %mul3A_53 = arith.muli %get3A_50, %mul3A_52 : vector<16xi32>
      %add3A_54 = arith.constant 0 : i32
      %add3A_55 = vector.broadcast %add3A_54 : i32 to vector<16xi32>
      %add3A_56 = arith.addi %mul3A_53, %add3A_55 : vector<16xi32>
      %gather3A_57 = tpu.vector_load_idx %arg5[%add3A_56] : memref<32768xf32, #tpu.memory_space<vmem>>[vector<16xi32>], vector<16xf32>,
      %swap3A_58 = arith.constant 0 : i32
      %swap3A_59 = arith.index_cast %swap3A_58 : i32 to index
      %swap3A_60 = arith.index_cast %mul3A_48 : i32 to index
      %swap3A_61 = tpu.vector_load %arg7[%swap3A_59, %swap3A_60] {strides = array<i32>} : memref<4x5120xf32, #tpu.memory_space<vmem>>, vector<16xf32>,
      tpu.vector_store %arg7[%swap3A_59, %swap3A_60], %gather3A_57 {strides = array<i32>} : memref<4x5120xf32, #tpu.memory_space<vmem>>, vector<16xf32>,
      %add3A_62 = arith.constant 1 : i32
      %add3A_63 = vector.broadcast %add3A_62 : i32 to vector<16xi32>
      %add3A_64 = arith.addi %mul3A_53, %add3A_63 : vector<16xi32>
      %gather3A_65 = tpu.vector_load_idx %arg5[%add3A_64] : memref<32768xf32, #tpu.memory_space<vmem>>[vector<16xi32>], vector<16xf32>,
      %swap3A_66 = arith.constant 1 : i32
      %swap3A_67 = arith.index_cast %swap3A_66 : i32 to index
      %swap3A_68 = arith.index_cast %mul3A_48 : i32 to index
      %swap3A_69 = tpu.vector_load %arg7[%swap3A_67, %swap3A_68] {strides = array<i32>} : memref<4x5120xf32, #tpu.memory_space<vmem>>, vector<16xf32>,
      tpu.vector_store %arg7[%swap3A_67, %swap3A_68], %gather3A_65 {strides = array<i32>} : memref<4x5120xf32, #tpu.memory_space<vmem>>, vector<16xf32>,
      %add3A_70 = arith.constant 2 : i32
      %add3A_71 = vector.broadcast %add3A_70 : i32 to vector<16xi32>
      %add3A_72 = arith.addi %mul3A_53, %add3A_71 : vector<16xi32>
      %gather3A_73 = tpu.vector_load_idx %arg5[%add3A_72] : memref<32768xf32, #tpu.memory_space<vmem>>[vector<16xi32>], vector<16xf32>,
      %swap3A_74 = arith.constant 2 : i32
      %swap3A_75 = arith.index_cast %swap3A_74 : i32 to index
      %swap3A_76 = arith.index_cast %mul3A_48 : i32 to index
      %swap3A_77 = tpu.vector_load %arg7[%swap3A_75, %swap3A_76] {strides = array<i32>} : memref<4x5120xf32, #tpu.memory_space<vmem>>, vector<16xf32>,
      tpu.vector_store %arg7[%swap3A_75, %swap3A_76], %gather3A_73 {strides = array<i32>} : memref<4x5120xf32, #tpu.memory_space<vmem>>, vector<16xf32>,
      %scan3A_78 = arith.constant 0 : i32
      %scan3A_79 = arith.constant 2 : i32
      %scan3A_80 = arith.addi %scan3A_14, %scan3A_79 : i32
      %mul3A_81 = arith.constant 16 : i32
      %mul3A_82 = arith.muli %scan3A_80, %mul3A_81 : i32
      %get3A_83 = arith.index_cast %mul3A_82 : i32 to index
      %get3A_84 = tpu.vector_load %arg6[%get3A_83] {strides = array<i32>} : memref<5120xi32, #tpu.memory_space<vmem>>, vector<16xi32>,
      %mul3A_85 = arith.constant 4 : i32
      %mul3A_86 = vector.broadcast %mul3A_85 : i32 to vector<16xi32>
      %mul3A_87 = arith.muli %get3A_84, %mul3A_86 : vector<16xi32>
      %add3A_88 = arith.constant 0 : i32
      %add3A_89 = vector.broadcast %add3A_88 : i32 to vector<16xi32>
      %add3A_90 = arith.addi %mul3A_87, %add3A_89 : vector<16xi32>
      %gather3A_91 = tpu.vector_load_idx %arg5[%add3A_90] : memref<32768xf32, #tpu.memory_space<vmem>>[vector<16xi32>], vector<16xf32>,
      %swap3A_92 = arith.constant 0 : i32
      %swap3A_93 = arith.index_cast %swap3A_92 : i32 to index
      %swap3A_94 = arith.index_cast %mul3A_82 : i32 to index
      %swap3A_95 = tpu.vector_load %arg7[%swap3A_93, %swap3A_94] {strides = array<i32>} : memref<4x5120xf32, #tpu.memory_space<vmem>>, vector<16xf32>,
      tpu.vector_store %arg7[%swap3A_93, %swap3A_94], %gather3A_91 {strides = array<i32>} : memref<4x5120xf32, #tpu.memory_space<vmem>>, vector<16xf32>,
      %add3A_96 = arith.constant 1 : i32
      %add3A_97 = vector.broadcast %add3A_96 : i32 to vector<16xi32>
      %add3A_98 = arith.addi %mul3A_87, %add3A_97 : vector<16xi32>
      %gather3A_99 = tpu.vector_load_idx %arg5[%add3A_98] : memref<32768xf32, #tpu.memory_space<vmem>>[vector<16xi32>], vector<16xf32>,
      %swap3A_100 = arith.constant 1 : i32
      %swap3A_101 = arith.index_cast %swap3A_100 : i32 to index
      %swap3A_102 = arith.index_cast %mul3A_82 : i32 to index
      %swap3A_103 = tpu.vector_load %arg7[%swap3A_101, %swap3A_102] {strides = array<i32>} : memref<4x5120xf32, #tpu.memory_space<vmem>>, vector<16xf32>,
      tpu.vector_store %arg7[%swap3A_101, %swap3A_102], %gather3A_99 {strides = array<i32>} : memref<4x5120xf32, #tpu.memory_space<vmem>>, vector<16xf32>,
      %add3A_104 = arith.constant 2 : i32
      %add3A_105 = vector.broadcast %add3A_104 : i32 to vector<16xi32>
      %add3A_106 = arith.addi %mul3A_87, %add3A_105 : vector<16xi32>
      %gather3A_107 = tpu.vector_load_idx %arg5[%add3A_106] : memref<32768xf32, #tpu.memory_space<vmem>>[vector<16xi32>], vector<16xf32>,
      %swap3A_108 = arith.constant 2 : i32
      %swap3A_109 = arith.index_cast %swap3A_108 : i32 to index
      %swap3A_110 = arith.index_cast %mul3A_82 : i32 to index
      %swap3A_111 = tpu.vector_load %arg7[%swap3A_109, %swap3A_110] {strides = array<i32>} : memref<4x5120xf32, #tpu.memory_space<vmem>>, vector<16xf32>,
      tpu.vector_store %arg7[%swap3A_109, %swap3A_110], %gather3A_107 {strides = array<i32>} : memref<4x5120xf32, #tpu.memory_space<vmem>>, vector<16xf32>,
      %scan3A_112 = arith.constant 0 : i32
      %scan3A_113 = arith.constant 3 : i32
      %scan3A_114 = arith.addi %scan3A_14, %scan3A_113 : i32
      %mul3A_115 = arith.constant 16 : i32
      %mul3A_116 = arith.muli %scan3A_114, %mul3A_115 : i32
      %get3A_117 = arith.index_cast %mul3A_116 : i32 to index
      %get3A_118 = tpu.vector_load %arg6[%get3A_117] {strides = array<i32>} : memref<5120xi32, #tpu.memory_space<vmem>>, vector<16xi32>,
      %mul3A_119 = arith.constant 4 : i32
      %mul3A_120 = vector.broadcast %mul3A_119 : i32 to vector<16xi32>
      %mul3A_121 = arith.muli %get3A_118, %mul3A_120 : vector<16xi32>
      %add3A_122 = arith.constant 0 : i32
      %add3A_123 = vector.broadcast %add3A_122 : i32 to vector<16xi32>
      %add3A_124 = arith.addi %mul3A_121, %add3A_123 : vector<16xi32>
      %gather3A_125 = tpu.vector_load_idx %arg5[%add3A_124] : memref<32768xf32, #tpu.memory_space<vmem>>[vector<16xi32>], vector<16xf32>,
      %swap3A_126 = arith.constant 0 : i32
      %swap3A_127 = arith.index_cast %swap3A_126 : i32 to index
      %swap3A_128 = arith.index_cast %mul3A_116 : i32 to index
      %swap3A_129 = tpu.vector_load %arg7[%swap3A_127, %swap3A_128] {strides = array<i32>} : memref<4x5120xf32, #tpu.memory_space<vmem>>, vector<16xf32>,
      tpu.vector_store %arg7[%swap3A_127, %swap3A_128], %gather3A_125 {strides = array<i32>} : memref<4x5120xf32, #tpu.memory_space<vmem>>, vector<16xf32>,
      %add3A_130 = arith.constant 1 : i32
      %add3A_131 = vector.broadcast %add3A_130 : i32 to vector<16xi32>
      %add3A_132 = arith.addi %mul3A_121, %add3A_131 : vector<16xi32>
      %gather3A_133 = tpu.vector_load_idx %arg5[%add3A_132] : memref<32768xf32, #tpu.memory_space<vmem>>[vector<16xi32>], vector<16xf32>,
      %swap3A_134 = arith.constant 1 : i32
      %swap3A_135 = arith.index_cast %swap3A_134 : i32 to index
      %swap3A_136 = arith.index_cast %mul3A_116 : i32 to index
      %swap3A_137 = tpu.vector_load %arg7[%swap3A_135, %swap3A_136] {strides = array<i32>} : memref<4x5120xf32, #tpu.memory_space<vmem>>, vector<16xf32>,
      tpu.vector_store %arg7[%swap3A_135, %swap3A_136], %gather3A_133 {strides = array<i32>} : memref<4x5120xf32, #tpu.memory_space<vmem>>, vector<16xf32>,
      %add3A_138 = arith.constant 2 : i32
      %add3A_139 = vector.broadcast %add3A_138 : i32 to vector<16xi32>
      %add3A_140 = arith.addi %mul3A_121, %add3A_139 : vector<16xi32>
      %gather3A_141 = tpu.vector_load_idx %arg5[%add3A_140] : memref<32768xf32, #tpu.memory_space<vmem>>[vector<16xi32>], vector<16xf32>,
      %swap3A_142 = arith.constant 2 : i32
      %swap3A_143 = arith.index_cast %swap3A_142 : i32 to index
      %swap3A_144 = arith.index_cast %mul3A_116 : i32 to index
      %swap3A_145 = tpu.vector_load %arg7[%swap3A_143, %swap3A_144] {strides = array<i32>} : memref<4x5120xf32, #tpu.memory_space<vmem>>, vector<16xf32>,
      tpu.vector_store %arg7[%swap3A_143, %swap3A_144], %gather3A_141 {strides = array<i32>} : memref<4x5120xf32, #tpu.memory_space<vmem>>, vector<16xf32>,
      %scan3A_146 = arith.constant 0 : i32
      scf.yield %scan3A_146 : i32
    }
    %scan3A_8 = arith.constant 320 : i32
    %run_scoped3A = arith.constant 0 : i32
    %run_scoped3A_9 = arith.constant 0 : i32
    "tpu.region"() ({
      %run_scoped3A_14 = tpu.sem_alloc : memref<!tpu.dma_semaphore, #tpu.memory_space<semaphore_mem>>
      %dma_start3A = arith.constant 0 : i32
      %dma_start3A_15 = tpu.memref_slice %arg7[%run_scoped3A, %dma_start3A] : memref<4x5120xf32, #tpu.memory_space<vmem>> -> memref<1x5120xf32, #tpu.memory_space<vmem>>
      %dma_start3A_16 = tpu.memref_squeeze %dma_start3A_15 : memref<1x5120xf32, #tpu.memory_space<vmem>> -> memref<5120xf32, #tpu.memory_space<vmem>>
      %dma_start3A_17 = tpu.memref_slice %arg4[%run_scoped3A_9, %mul3A_2] : memref<4x163840xf32, #tpu.memory_space<hbm>> -> memref<1x5120xf32, #tpu.memory_space<hbm>>
      %dma_start3A_18 = tpu.memref_squeeze %dma_start3A_17 : memref<1x5120xf32, #tpu.memory_space<hbm>> -> memref<5120xf32, #tpu.memory_space<hbm>>
      %dma_start3A_19 = tpu.memref_slice %arg4[%run_scoped3A_9, %mul3A_2] : memref<4x163840xf32, #tpu.memory_space<hbm>> -> memref<1x5120xf32, #tpu.memory_space<hbm>>
      %dma_start3A_20 = tpu.memref_squeeze %dma_start3A_19 : memref<1x5120xf32, #tpu.memory_space<hbm>> -> memref<5120xf32, #tpu.memory_space<hbm>>
      %dma_start3A_21 = arith.constant 0 : i32
      %dma_start3A_22 = tpu.memref_slice %arg7[%run_scoped3A, %dma_start3A_21] : memref<4x5120xf32, #tpu.memory_space<vmem>> -> memref<1x5120xf32, #tpu.memory_space<vmem>>
      %dma_start3A_23 = tpu.memref_squeeze %dma_start3A_22 : memref<1x5120xf32, #tpu.memory_space<vmem>> -> memref<5120xf32, #tpu.memory_space<vmem>>
      tpu.enqueue_dma source(%dma_start3A_23 : memref<5120xf32, #tpu.memory_space<vmem>>) target(%dma_start3A_20 : memref<5120xf32, #tpu.memory_space<hbm>>) target_semaphore(%run_scoped3A_14 : memref<!tpu.dma_semaphore, #tpu.memory_space<semaphore_mem>>)
      %dma_wait3A = arith.constant 0 : i32
      %dma_wait3A_24 = tpu.memref_slice %arg7[%run_scoped3A, %dma_wait3A] : memref<4x5120xf32, #tpu.memory_space<vmem>> -> memref<1x5120xf32, #tpu.memory_space<vmem>>
      %dma_wait3A_25 = tpu.memref_squeeze %dma_wait3A_24 : memref<1x5120xf32, #tpu.memory_space<vmem>> -> memref<5120xf32, #tpu.memory_space<vmem>>
      %dma_wait3A_26 = tpu.memref_slice %arg4[%run_scoped3A_9, %mul3A_2] : memref<4x163840xf32, #tpu.memory_space<hbm>> -> memref<1x5120xf32, #tpu.memory_space<hbm>>
      %dma_wait3A_27 = tpu.memref_squeeze %dma_wait3A_26 : memref<1x5120xf32, #tpu.memory_space<hbm>> -> memref<5120xf32, #tpu.memory_space<hbm>>
      %dma_wait3A_28 = tpu.memref_slice %arg4[%run_scoped3A_9, %mul3A_2] : memref<4x163840xf32, #tpu.memory_space<hbm>> -> memref<1x5120xf32, #tpu.memory_space<hbm>>
      %dma_wait3A_29 = tpu.memref_squeeze %dma_wait3A_28 : memref<1x5120xf32, #tpu.memory_space<hbm>> -> memref<5120xf32, #tpu.memory_space<hbm>>
      %dma_wait3A_30 = arith.constant 0 : i32
      %dma_wait3A_31 = tpu.memref_slice %arg7[%run_scoped3A, %dma_wait3A_30] : memref<4x5120xf32, #tpu.memory_space<vmem>> -> memref<1x5120xf32, #tpu.memory_space<vmem>>
      %dma_wait3A_32 = tpu.memref_squeeze %dma_wait3A_31 : memref<1x5120xf32, #tpu.memory_space<vmem>> -> memref<5120xf32, #tpu.memory_space<vmem>>
      tpu.wait_dma2 semaphore(%run_scoped3A_14 : memref<!tpu.dma_semaphore, #tpu.memory_space<semaphore_mem>>) src(%dma_wait3A_32 : memref<5120xf32, #tpu.memory_space<vmem>>) dst(%dma_wait3A_29 : memref<5120xf32, #tpu.memory_space<hbm>>)
      tpu.yield
    }) : () -> ()
    %run_scoped3A_10 = arith.constant 1 : i32
    %run_scoped3A_11 = arith.constant 1 : i32
    "tpu.region"() ({
      %run_scoped3A_14 = tpu.sem_alloc : memref<!tpu.dma_semaphore, #tpu.memory_space<semaphore_mem>>
      %dma_start3A = arith.constant 0 : i32
      %dma_start3A_15 = tpu.memref_slice %arg7[%run_scoped3A_10, %dma_start3A] : memref<4x5120xf32, #tpu.memory_space<vmem>> -> memref<1x5120xf32, #tpu.memory_space<vmem>>
      %dma_start3A_16 = tpu.memref_squeeze %dma_start3A_15 : memref<1x5120xf32, #tpu.memory_space<vmem>> -> memref<5120xf32, #tpu.memory_space<vmem>>
      %dma_start3A_17 = tpu.memref_slice %arg4[%run_scoped3A_11, %mul3A_2] : memref<4x163840xf32, #tpu.memory_space<hbm>> -> memref<1x5120xf32, #tpu.memory_space<hbm>>
      %dma_start3A_18 = tpu.memref_squeeze %dma_start3A_17 : memref<1x5120xf32, #tpu.memory_space<hbm>> -> memref<5120xf32, #tpu.memory_space<hbm>>
      %dma_start3A_19 = tpu.memref_slice %arg4[%run_scoped3A_11, %mul3A_2] : memref<4x163840xf32, #tpu.memory_space<hbm>> -> memref<1x5120xf32, #tpu.memory_space<hbm>>
      %dma_start3A_20 = tpu.memref_squeeze %dma_start3A_19 : memref<1x5120xf32, #tpu.memory_space<hbm>> -> memref<5120xf32, #tpu.memory_space<hbm>>
      %dma_start3A_21 = arith.constant 0 : i32
      %dma_start3A_22 = tpu.memref_slice %arg7[%run_scoped3A_10, %dma_start3A_21] : memref<4x5120xf32, #tpu.memory_space<vmem>> -> memref<1x5120xf32, #tpu.memory_space<vmem>>
      %dma_start3A_23 = tpu.memref_squeeze %dma_start3A_22 : memref<1x5120xf32, #tpu.memory_space<vmem>> -> memref<5120xf32, #tpu.memory_space<vmem>>
      tpu.enqueue_dma source(%dma_start3A_23 : memref<5120xf32, #tpu.memory_space<vmem>>) target(%dma_start3A_20 : memref<5120xf32, #tpu.memory_space<hbm>>) target_semaphore(%run_scoped3A_14 : memref<!tpu.dma_semaphore, #tpu.memory_space<semaphore_mem>>)
      %dma_wait3A = arith.constant 0 : i32
      %dma_wait3A_24 = tpu.memref_slice %arg7[%run_scoped3A_10, %dma_wait3A] : memref<4x5120xf32, #tpu.memory_space<vmem>> -> memref<1x5120xf32, #tpu.memory_space<vmem>>
      %dma_wait3A_25 = tpu.memref_squeeze %dma_wait3A_24 : memref<1x5120xf32, #tpu.memory_space<vmem>> -> memref<5120xf32, #tpu.memory_space<vmem>>
      %dma_wait3A_26 = tpu.memref_slice %arg4[%run_scoped3A_11, %mul3A_2] : memref<4x163840xf32, #tpu.memory_space<hbm>> -> memref<1x5120xf32, #tpu.memory_space<hbm>>
      %dma_wait3A_27 = tpu.memref_squeeze %dma_wait3A_26 : memref<1x5120xf32, #tpu.memory_space<hbm>> -> memref<5120xf32, #tpu.memory_space<hbm>>
      %dma_wait3A_28 = tpu.memref_slice %arg4[%run_scoped3A_11, %mul3A_2] : memref<4x163840xf32, #tpu.memory_space<hbm>> -> memref<1x5120xf32, #tpu.memory_space<hbm>>
      %dma_wait3A_29 = tpu.memref_squeeze %dma_wait3A_28 : memref<1x5120xf32, #tpu.memory_space<hbm>> -> memref<5120xf32, #tpu.memory_space<hbm>>
      %dma_wait3A_30 = arith.constant 0 : i32
      %dma_wait3A_31 = tpu.memref_slice %arg7[%run_scoped3A_10, %dma_wait3A_30] : memref<4x5120xf32, #tpu.memory_space<vmem>> -> memref<1x5120xf32, #tpu.memory_space<vmem>>
      %dma_wait3A_32 = tpu.memref_squeeze %dma_wait3A_31 : memref<1x5120xf32, #tpu.memory_space<vmem>> -> memref<5120xf32, #tpu.memory_space<vmem>>
      tpu.wait_dma2 semaphore(%run_scoped3A_14 : memref<!tpu.dma_semaphore, #tpu.memory_space<semaphore_mem>>) src(%dma_wait3A_32 : memref<5120xf32, #tpu.memory_space<vmem>>) dst(%dma_wait3A_29 : memref<5120xf32, #tpu.memory_space<hbm>>)
      tpu.yield
    }) : () -> ()
    %run_scoped3A_12 = arith.constant 2 : i32
    %run_scoped3A_13 = arith.constant 2 : i32
    "tpu.region"() ({
      %run_scoped3A_14 = tpu.sem_alloc : memref<!tpu.dma_semaphore, #tpu.memory_space<semaphore_mem>>
      %dma_start3A = arith.constant 0 : i32
      %dma_start3A_15 = tpu.memref_slice %arg7[%run_scoped3A_12, %dma_start3A] : memref<4x5120xf32, #tpu.memory_space<vmem>> -> memref<1x5120xf32, #tpu.memory_space<vmem>>
      %dma_start3A_16 = tpu.memref_squeeze %dma_start3A_15 : memref<1x5120xf32, #tpu.memory_space<vmem>> -> memref<5120xf32, #tpu.memory_space<vmem>>
      %dma_start3A_17 = tpu.memref_slice %arg4[%run_scoped3A_13, %mul3A_2] : memref<4x163840xf32, #tpu.memory_space<hbm>> -> memref<1x5120xf32, #tpu.memory_space<hbm>>
      %dma_start3A_18 = tpu.memref_squeeze %dma_start3A_17 : memref<1x5120xf32, #tpu.memory_space<hbm>> -> memref<5120xf32, #tpu.memory_space<hbm>>
      %dma_start3A_19 = tpu.memref_slice %arg4[%run_scoped3A_13, %mul3A_2] : memref<4x163840xf32, #tpu.memory_space<hbm>> -> memref<1x5120xf32, #tpu.memory_space<hbm>>
      %dma_start3A_20 = tpu.memref_squeeze %dma_start3A_19 : memref<1x5120xf32, #tpu.memory_space<hbm>> -> memref<5120xf32, #tpu.memory_space<hbm>>
      %dma_start3A_21 = arith.constant 0 : i32
      %dma_start3A_22 = tpu.memref_slice %arg7[%run_scoped3A_12, %dma_start3A_21] : memref<4x5120xf32, #tpu.memory_space<vmem>> -> memref<1x5120xf32, #tpu.memory_space<vmem>>
      %dma_start3A_23 = tpu.memref_squeeze %dma_start3A_22 : memref<1x5120xf32, #tpu.memory_space<vmem>> -> memref<5120xf32, #tpu.memory_space<vmem>>
      tpu.enqueue_dma source(%dma_start3A_23 : memref<5120xf32, #tpu.memory_space<vmem>>) target(%dma_start3A_20 : memref<5120xf32, #tpu.memory_space<hbm>>) target_semaphore(%run_scoped3A_14 : memref<!tpu.dma_semaphore, #tpu.memory_space<semaphore_mem>>)
      %dma_wait3A = arith.constant 0 : i32
      %dma_wait3A_24 = tpu.memref_slice %arg7[%run_scoped3A_12, %dma_wait3A] : memref<4x5120xf32, #tpu.memory_space<vmem>> -> memref<1x5120xf32, #tpu.memory_space<vmem>>
      %dma_wait3A_25 = tpu.memref_squeeze %dma_wait3A_24 : memref<1x5120xf32, #tpu.memory_space<vmem>> -> memref<5120xf32, #tpu.memory_space<vmem>>
      %dma_wait3A_26 = tpu.memref_slice %arg4[%run_scoped3A_13, %mul3A_2] : memref<4x163840xf32, #tpu.memory_space<hbm>> -> memref<1x5120xf32, #tpu.memory_space<hbm>>
      %dma_wait3A_27 = tpu.memref_squeeze %dma_wait3A_26 : memref<1x5120xf32, #tpu.memory_space<hbm>> -> memref<5120xf32, #tpu.memory_space<hbm>>
      %dma_wait3A_28 = tpu.memref_slice %arg4[%run_scoped3A_13, %mul3A_2] : memref<4x163840xf32, #tpu.memory_space<hbm>> -> memref<1x5120xf32, #tpu.memory_space<hbm>>
      %dma_wait3A_29 = tpu.memref_squeeze %dma_wait3A_28 : memref<1x5120xf32, #tpu.memory_space<hbm>> -> memref<5120xf32, #tpu.memory_space<hbm>>
      %dma_wait3A_30 = arith.constant 0 : i32
      %dma_wait3A_31 = tpu.memref_slice %arg7[%run_scoped3A_12, %dma_wait3A_30] : memref<4x5120xf32, #tpu.memory_space<vmem>> -> memref<1x5120xf32, #tpu.memory_space<vmem>>
      %dma_wait3A_32 = tpu.memref_squeeze %dma_wait3A_31 : memref<1x5120xf32, #tpu.memory_space<vmem>> -> memref<5120xf32, #tpu.memory_space<vmem>>
      tpu.wait_dma2 semaphore(%run_scoped3A_14 : memref<!tpu.dma_semaphore, #tpu.memory_space<semaphore_mem>>) src(%dma_wait3A_32 : memref<5120xf32, #tpu.memory_space<vmem>>) dst(%dma_wait3A_29 : memref<5120xf32, #tpu.memory_space<hbm>>)
      tpu.yield
    }) : () -> ()
    return
  }
}

#map = affine_map<(d0, d1) -> (0, 0)>
#map1 = affine_map<(d0, d1) -> (0)>
module attributes {stable_mosaic.version = 14 : i64} {
  func.func @_sc_aggr_body(%arg0: i32, %arg1: i32, %arg2: memref<8192x512xf32, #tpu.memory_space<hbm>>, %arg3: memref<163840xi32, #tpu.memory_space<hbm>>, %arg4: memref<1310720xf32, #tpu.memory_space<hbm>>, %arg5: memref<8192x64xf32, #tpu.memory_space<hbm>>, %arg6: memref<5120xi32, #tpu.memory_space<vmem>>, %arg7: memref<320xf32, #tpu.memory_space<vmem>>, %arg8: memref<320xf32, #tpu.memory_space<vmem>>, %arg9: memref<2x40x512xf32, #tpu.memory_space<vmem>>, %arg10: memref<256x64xf32, #tpu.memory_space<vmem>>, %arg11: memref<!tpu.dma_semaphore, #tpu.memory_space<semaphore_mem>>, %arg12: memref<!tpu.dma_semaphore, #tpu.memory_space<semaphore_mem>>) attributes {dimension_semantics = [#tpu.dimension_semantics<core_parallel>, #tpu.dimension_semantics<subcore_parallel>], iteration_bounds = array<i64: 2, 16>, scalar_prefetch = 0 : i64, scratch_operands = 7 : i64, tpu.core_type = #tpu.core_type<sc_vector_subcore>, window_params = [{transform_indices = #map}, {transform_indices = #map1}, {transform_indices = #map1}, {transform_indices = #map}]} {
    %mul3A = arith.constant 2 : i32
    %mul3A_0 = arith.muli %arg1, %mul3A : i32
    %add3A = arith.addi %mul3A_0, %arg0 : i32
    %mul3A_1 = arith.constant 256 : i32
    %mul3A_2 = arith.muli %add3A, %mul3A_1 : i32
    %mul3A_3 = arith.constant 20 : i32
    %mul3A_4 = arith.muli %mul3A_2, %mul3A_3 : i32
    "tpu.region"() ({
      %run_scoped3A = tpu.sem_alloc : memref<!tpu.dma_semaphore, #tpu.memory_space<semaphore_mem>>
      %dma_start3A_54 = tpu.memref_slice %arg3[%mul3A_4] : memref<163840xi32, #tpu.memory_space<hbm>> -> memref<5120xi32, #tpu.memory_space<hbm>>
      %dma_start3A_55 = tpu.memref_slice %arg3[%mul3A_4] : memref<163840xi32, #tpu.memory_space<hbm>> -> memref<5120xi32, #tpu.memory_space<hbm>>
      tpu.enqueue_dma source(%dma_start3A_55 : memref<5120xi32, #tpu.memory_space<hbm>>) target(%arg6 : memref<5120xi32, #tpu.memory_space<vmem>>) target_semaphore(%run_scoped3A : memref<!tpu.dma_semaphore, #tpu.memory_space<semaphore_mem>>)
      %dma_wait3A = tpu.memref_slice %arg3[%mul3A_4] : memref<163840xi32, #tpu.memory_space<hbm>> -> memref<5120xi32, #tpu.memory_space<hbm>>
      %dma_wait3A_56 = tpu.memref_slice %arg3[%mul3A_4] : memref<163840xi32, #tpu.memory_space<hbm>> -> memref<5120xi32, #tpu.memory_space<hbm>>
      tpu.wait_dma2 semaphore(%run_scoped3A : memref<!tpu.dma_semaphore, #tpu.memory_space<semaphore_mem>>) src(%dma_wait3A_56 : memref<5120xi32, #tpu.memory_space<hbm>>) dst(%arg6 : memref<5120xi32, #tpu.memory_space<vmem>>)
      tpu.yield
    }) : () -> ()
    %mul3A_5 = arith.constant 0 : i32
    %mul3A_6 = arith.constant 40 : i32
    %mul3A_7 = arith.muli %mul3A_5, %mul3A_6 : i32
    %dma_start3A = arith.constant 0 : i32
    %dma_start3A_8 = arith.constant 0 : i32
    %dma_start3A_9 = arith.constant 0 : i32
    %dma_start3A_10 = tpu.memref_slice %arg9[%dma_start3A, %dma_start3A_8, %dma_start3A_9] : memref<2x40x512xf32, #tpu.memory_space<vmem>> -> memref<1x40x512xf32, #tpu.memory_space<vmem>>
    %dma_start3A_11 = tpu.memref_squeeze %dma_start3A_10 : memref<1x40x512xf32, #tpu.memory_space<vmem>> -> memref<40x512xf32, #tpu.memory_space<vmem>>
    %dma_start3A_12 = tpu.memref_slice %arg6[%mul3A_7] : memref<5120xi32, #tpu.memory_space<vmem>> -> memref<40xi32, #tpu.memory_space<vmem>>
    %dma_start3A_13 = arith.constant 0 : i32
    %dma_start3A_14 = arith.constant 0 : i32
    %dma_start3A_15 = tpu.memref_slice %arg2[%dma_start3A_13, %dma_start3A_14] : memref<8192x512xf32, #tpu.memory_space<hbm>> -> memref<8192x512xf32, #tpu.memory_space<hbm>>
    tpu.enqueue_indirect_dma source(%dma_start3A_15 : memref<8192x512xf32, #tpu.memory_space<hbm>>) target(%dma_start3A_11 : memref<40x512xf32, #tpu.memory_space<vmem>>) offsets(%dma_start3A_12 : memref<40xi32, #tpu.memory_space<vmem>>) semaphore(%arg11 : memref<!tpu.dma_semaphore, #tpu.memory_space<semaphore_mem>>)
    %mul3A_16 = arith.constant 20 : i32
    %mul3A_17 = arith.muli %mul3A_2, %mul3A_16 : i32
    %mul3A_18 = arith.constant 8 : i32
    %mul3A_19 = arith.muli %mul3A_17, %mul3A_18 : i32
    %mul3A_20 = arith.constant 0 : i32
    %mul3A_21 = arith.constant 320 : i32
    %mul3A_22 = arith.muli %mul3A_20, %mul3A_21 : i32
    %add3A_23 = arith.addi %mul3A_19, %mul3A_22 : i32
    %dma_start3A_24 = tpu.memref_slice %arg4[%add3A_23] : memref<1310720xf32, #tpu.memory_space<hbm>> -> memref<320xf32, #tpu.memory_space<hbm>>
    %dma_start3A_25 = tpu.memref_slice %arg4[%add3A_23] : memref<1310720xf32, #tpu.memory_space<hbm>> -> memref<320xf32, #tpu.memory_space<hbm>>
    tpu.enqueue_dma source(%dma_start3A_25 : memref<320xf32, #tpu.memory_space<hbm>>) target(%arg7 : memref<320xf32, #tpu.memory_space<vmem>>) target_semaphore(%arg11 : memref<!tpu.dma_semaphore, #tpu.memory_space<semaphore_mem>>)
    %mul3A_26 = arith.constant 1 : i32
    %mul3A_27 = arith.constant 40 : i32
    %mul3A_28 = arith.muli %mul3A_26, %mul3A_27 : i32
    %dma_start3A_29 = arith.constant 1 : i32
    %dma_start3A_30 = arith.constant 0 : i32
    %dma_start3A_31 = arith.constant 0 : i32
    %dma_start3A_32 = tpu.memref_slice %arg9[%dma_start3A_29, %dma_start3A_30, %dma_start3A_31] : memref<2x40x512xf32, #tpu.memory_space<vmem>> -> memref<1x40x512xf32, #tpu.memory_space<vmem>>
    %dma_start3A_33 = tpu.memref_squeeze %dma_start3A_32 : memref<1x40x512xf32, #tpu.memory_space<vmem>> -> memref<40x512xf32, #tpu.memory_space<vmem>>
    %dma_start3A_34 = tpu.memref_slice %arg6[%mul3A_28] : memref<5120xi32, #tpu.memory_space<vmem>> -> memref<40xi32, #tpu.memory_space<vmem>>
    %dma_start3A_35 = arith.constant 0 : i32
    %dma_start3A_36 = arith.constant 0 : i32
    %dma_start3A_37 = tpu.memref_slice %arg2[%dma_start3A_35, %dma_start3A_36] : memref<8192x512xf32, #tpu.memory_space<hbm>> -> memref<8192x512xf32, #tpu.memory_space<hbm>>
    tpu.enqueue_indirect_dma source(%dma_start3A_37 : memref<8192x512xf32, #tpu.memory_space<hbm>>) target(%dma_start3A_33 : memref<40x512xf32, #tpu.memory_space<vmem>>) offsets(%dma_start3A_34 : memref<40xi32, #tpu.memory_space<vmem>>) semaphore(%arg12 : memref<!tpu.dma_semaphore, #tpu.memory_space<semaphore_mem>>)
    %mul3A_38 = arith.constant 20 : i32
    %mul3A_39 = arith.muli %mul3A_2, %mul3A_38 : i32
    %mul3A_40 = arith.constant 8 : i32
    %mul3A_41 = arith.muli %mul3A_39, %mul3A_40 : i32
    %mul3A_42 = arith.constant 1 : i32
    %mul3A_43 = arith.constant 320 : i32
    %mul3A_44 = arith.muli %mul3A_42, %mul3A_43 : i32
    %add3A_45 = arith.addi %mul3A_41, %mul3A_44 : i32
    %dma_start3A_46 = tpu.memref_slice %arg4[%add3A_45] : memref<1310720xf32, #tpu.memory_space<hbm>> -> memref<320xf32, #tpu.memory_space<hbm>>
    %dma_start3A_47 = tpu.memref_slice %arg4[%add3A_45] : memref<1310720xf32, #tpu.memory_space<hbm>> -> memref<320xf32, #tpu.memory_space<hbm>>
    tpu.enqueue_dma source(%dma_start3A_47 : memref<320xf32, #tpu.memory_space<hbm>>) target(%arg8 : memref<320xf32, #tpu.memory_space<vmem>>) target_semaphore(%arg12 : memref<!tpu.dma_semaphore, #tpu.memory_space<semaphore_mem>>)
    %scan3A = arith.constant 0 : i32
    %scan3A_48 = arith.constant 0 : i32
    %scan3A_49 = arith.constant 64 : i32
    %scan3A_50 = arith.addi %scan3A_48, %scan3A_49 : i32
    %scan3A_51 = arith.constant 1 : i32
    %scan3A_52 = scf.for %scan3A_54 = %scan3A_48 to %scan3A_50 step %scan3A_51 iter_args(%scan3A_55 = %scan3A) -> (i32)  : i32 {
      %mul3A_56 = arith.constant 2 : i32
      %mul3A_57 = arith.muli %scan3A_54, %mul3A_56 : i32
      %add3A_58 = arith.constant 0 : i32
      %add3A_59 = arith.addi %mul3A_57, %add3A_58 : i32
      %dma_wait3A = arith.constant 0 : i32
      %dma_wait3A_60 = arith.constant 0 : i32
      %dma_wait3A_61 = arith.constant 0 : i32
      %dma_wait3A_62 = tpu.memref_slice %arg9[%dma_wait3A, %dma_wait3A_60, %dma_wait3A_61] : memref<2x40x512xf32, #tpu.memory_space<vmem>> -> memref<1x40x512xf32, #tpu.memory_space<vmem>>
      %dma_wait3A_63 = tpu.memref_squeeze %dma_wait3A_62 : memref<1x40x512xf32, #tpu.memory_space<vmem>> -> memref<40x512xf32, #tpu.memory_space<vmem>>
      %dma_wait3A_64 = arith.constant 0 : i32
      %dma_wait3A_65 = arith.constant 0 : i32
      %dma_wait3A_66 = tpu.memref_slice %arg2[%dma_wait3A_64, %dma_wait3A_65] : memref<8192x512xf32, #tpu.memory_space<hbm>> -> memref<40x512xf32, #tpu.memory_space<hbm>>
      %dma_wait3A_67 = arith.constant 0 : i32
      %dma_wait3A_68 = arith.constant 0 : i32
      %dma_wait3A_69 = tpu.memref_slice %arg9[%dma_wait3A, %dma_wait3A_67, %dma_wait3A_68] : memref<2x40x512xf32, #tpu.memory_space<vmem>> -> memref<1x40x512xf32, #tpu.memory_space<vmem>>
      %dma_wait3A_70 = tpu.memref_squeeze %dma_wait3A_69 : memref<1x40x512xf32, #tpu.memory_space<vmem>> -> memref<40x512xf32, #tpu.memory_space<vmem>>
      %dma_wait3A_71 = arith.constant 0 : i32
      %dma_wait3A_72 = arith.constant 0 : i32
      %dma_wait3A_73 = tpu.memref_slice %arg2[%dma_wait3A_71, %dma_wait3A_72] : memref<8192x512xf32, #tpu.memory_space<hbm>> -> memref<40x512xf32, #tpu.memory_space<hbm>>
      tpu.wait_dma2 semaphore(%arg11 : memref<!tpu.dma_semaphore, #tpu.memory_space<semaphore_mem>>) src(%dma_wait3A_73 : memref<40x512xf32, #tpu.memory_space<hbm>>) dst(%dma_wait3A_70 : memref<40x512xf32, #tpu.memory_space<vmem>>)
      %dma_wait3A_74 = arith.constant 0 : i32
      %dma_wait3A_75 = tpu.memref_slice %arg4[%dma_wait3A_74] : memref<1310720xf32, #tpu.memory_space<hbm>> -> memref<320xf32, #tpu.memory_space<hbm>>
      %dma_wait3A_76 = arith.constant 0 : i32
      %dma_wait3A_77 = tpu.memref_slice %arg4[%dma_wait3A_76] : memref<1310720xf32, #tpu.memory_space<hbm>> -> memref<320xf32, #tpu.memory_space<hbm>>
      tpu.wait_dma2 semaphore(%arg11 : memref<!tpu.dma_semaphore, #tpu.memory_space<semaphore_mem>>) src(%dma_wait3A_77 : memref<320xf32, #tpu.memory_space<hbm>>) dst(%arg7 : memref<320xf32, #tpu.memory_space<vmem>>)
      %broadcast_in_dim3A = arith.constant 0.000000e+00 : f32
      %broadcast_in_dim3A_78 = vector.broadcast %broadcast_in_dim3A : f32 to vector<16xf32>
      %broadcast_in_dim3A_79 = arith.constant 0.000000e+00 : f32
      %broadcast_in_dim3A_80 = vector.broadcast %broadcast_in_dim3A_79 : f32 to vector<16xf32>
      %broadcast_in_dim3A_81 = arith.constant 0.000000e+00 : f32
      %broadcast_in_dim3A_82 = vector.broadcast %broadcast_in_dim3A_81 : f32 to vector<16xf32>
      %broadcast_in_dim3A_83 = arith.constant 0.000000e+00 : f32
      %broadcast_in_dim3A_84 = vector.broadcast %broadcast_in_dim3A_83 : f32 to vector<16xf32>
      %scan3A_85 = arith.constant 0 : i32
      %scan3A_86 = arith.constant 20 : i32
      %scan3A_87 = arith.addi %scan3A_85, %scan3A_86 : i32
      %scan3A_88 = arith.constant 1 : i32
      %scan3A_89:4 = scf.for %scan3A_231 = %scan3A_85 to %scan3A_87 step %scan3A_88 iter_args(%scan3A_232 = %broadcast_in_dim3A_78, %scan3A_233 = %broadcast_in_dim3A_80, %scan3A_234 = %broadcast_in_dim3A_82, %scan3A_235 = %broadcast_in_dim3A_84) -> (vector<16xf32>, vector<16xf32>, vector<16xf32>, vector<16xf32>)  : i32 {
        %add3A_236 = arith.constant 0 : i32
        %add3A_237 = arith.addi %add3A_236, %scan3A_231 : i32
        %mul3A_238 = arith.constant 8 : i32
        %mul3A_239 = arith.muli %scan3A_231, %mul3A_238 : i32
        %add3A_240 = arith.constant 0 : i32
        %add3A_241 = arith.addi %add3A_240, %mul3A_239 : i32
        %add3A_242 = arith.constant 0 : i32
        %add3A_243 = arith.addi %add3A_241, %add3A_242 : i32
        %broadcast_in_dim3A_244 = vector.broadcast %add3A_243 : i32 to vector<16xi32>
        %gather3A = tpu.vector_load_idx %arg7[%broadcast_in_dim3A_244] : memref<320xf32, #tpu.memory_space<vmem>>[vector<16xi32>], vector<16xf32>,
        %get3A = arith.constant 0 : i32
        %get3A_245 = arith.index_cast %get3A : i32 to index
        %get3A_246 = arith.index_cast %add3A_237 : i32 to index
        %get3A_247 = arith.constant 0 : index
        %get3A_248 = tpu.vector_load %arg9[%get3A_245, %get3A_246, %get3A_247] {strides = array<i32>} : memref<2x40x512xf32, #tpu.memory_space<vmem>>, vector<16xf32>,
        %mul3A_249 = arith.mulf %gather3A, %get3A_248 : vector<16xf32>
        %add3A_250 = arith.addf %scan3A_232, %mul3A_249 : vector<16xf32>
        %get3A_251 = arith.constant 0 : i32
        %get3A_252 = arith.index_cast %get3A_251 : i32 to index
        %get3A_253 = arith.index_cast %add3A_237 : i32 to index
        %get3A_254 = arith.constant 16 : index
        %get3A_255 = tpu.vector_load %arg9[%get3A_252, %get3A_253, %get3A_254] {strides = array<i32>} : memref<2x40x512xf32, #tpu.memory_space<vmem>>, vector<16xf32>,
        %mul3A_256 = arith.mulf %gather3A, %get3A_255 : vector<16xf32>
        %add3A_257 = arith.addf %scan3A_233, %mul3A_256 : vector<16xf32>
        %get3A_258 = arith.constant 0 : i32
        %get3A_259 = arith.index_cast %get3A_258 : i32 to index
        %get3A_260 = arith.index_cast %add3A_237 : i32 to index
        %get3A_261 = arith.constant 32 : index
        %get3A_262 = tpu.vector_load %arg9[%get3A_259, %get3A_260, %get3A_261] {strides = array<i32>} : memref<2x40x512xf32, #tpu.memory_space<vmem>>, vector<16xf32>,
        %mul3A_263 = arith.mulf %gather3A, %get3A_262 : vector<16xf32>
        %add3A_264 = arith.addf %scan3A_234, %mul3A_263 : vector<16xf32>
        %get3A_265 = arith.constant 0 : i32
        %get3A_266 = arith.index_cast %get3A_265 : i32 to index
        %get3A_267 = arith.index_cast %add3A_237 : i32 to index
        %get3A_268 = arith.constant 48 : index
        %get3A_269 = tpu.vector_load %arg9[%get3A_266, %get3A_267, %get3A_268] {strides = array<i32>} : memref<2x40x512xf32, #tpu.memory_space<vmem>>, vector<16xf32>,
        %mul3A_270 = arith.mulf %gather3A, %get3A_269 : vector<16xf32>
        %add3A_271 = arith.addf %scan3A_235, %mul3A_270 : vector<16xf32>
        %mul3A_272 = arith.constant 8 : i32
        %mul3A_273 = arith.muli %scan3A_231, %mul3A_272 : i32
        %add3A_274 = arith.constant 0 : i32
        %add3A_275 = arith.addi %add3A_274, %mul3A_273 : i32
        %add3A_276 = arith.constant 1 : i32
        %add3A_277 = arith.addi %add3A_275, %add3A_276 : i32
        %broadcast_in_dim3A_278 = vector.broadcast %add3A_277 : i32 to vector<16xi32>
        %gather3A_279 = tpu.vector_load_idx %arg7[%broadcast_in_dim3A_278] : memref<320xf32, #tpu.memory_space<vmem>>[vector<16xi32>], vector<16xf32>,
        %get3A_280 = arith.constant 0 : i32
        %get3A_281 = arith.index_cast %get3A_280 : i32 to index
        %get3A_282 = arith.index_cast %add3A_237 : i32 to index
        %get3A_283 = arith.constant 64 : index
        %get3A_284 = tpu.vector_load %arg9[%get3A_281, %get3A_282, %get3A_283] {strides = array<i32>} : memref<2x40x512xf32, #tpu.memory_space<vmem>>, vector<16xf32>,
        %mul3A_285 = arith.mulf %gather3A_279, %get3A_284 : vector<16xf32>
        %add3A_286 = arith.addf %add3A_250, %mul3A_285 : vector<16xf32>
        %get3A_287 = arith.constant 0 : i32
        %get3A_288 = arith.index_cast %get3A_287 : i32 to index
        %get3A_289 = arith.index_cast %add3A_237 : i32 to index
        %get3A_290 = arith.constant 80 : index
        %get3A_291 = tpu.vector_load %arg9[%get3A_288, %get3A_289, %get3A_290] {strides = array<i32>} : memref<2x40x512xf32, #tpu.memory_space<vmem>>, vector<16xf32>,
        %mul3A_292 = arith.mulf %gather3A_279, %get3A_291 : vector<16xf32>
        %add3A_293 = arith.addf %add3A_257, %mul3A_292 : vector<16xf32>
        %get3A_294 = arith.constant 0 : i32
        %get3A_295 = arith.index_cast %get3A_294 : i32 to index
        %get3A_296 = arith.index_cast %add3A_237 : i32 to index
        %get3A_297 = arith.constant 96 : index
        %get3A_298 = tpu.vector_load %arg9[%get3A_295, %get3A_296, %get3A_297] {strides = array<i32>} : memref<2x40x512xf32, #tpu.memory_space<vmem>>, vector<16xf32>,
        %mul3A_299 = arith.mulf %gather3A_279, %get3A_298 : vector<16xf32>
        %add3A_300 = arith.addf %add3A_264, %mul3A_299 : vector<16xf32>
        %get3A_301 = arith.constant 0 : i32
        %get3A_302 = arith.index_cast %get3A_301 : i32 to index
        %get3A_303 = arith.index_cast %add3A_237 : i32 to index
        %get3A_304 = arith.constant 112 : index
        %get3A_305 = tpu.vector_load %arg9[%get3A_302, %get3A_303, %get3A_304] {strides = array<i32>} : memref<2x40x512xf32, #tpu.memory_space<vmem>>, vector<16xf32>,
        %mul3A_306 = arith.mulf %gather3A_279, %get3A_305 : vector<16xf32>
        %add3A_307 = arith.addf %add3A_271, %mul3A_306 : vector<16xf32>
        %mul3A_308 = arith.constant 8 : i32
        %mul3A_309 = arith.muli %scan3A_231, %mul3A_308 : i32
        %add3A_310 = arith.constant 0 : i32
        %add3A_311 = arith.addi %add3A_310, %mul3A_309 : i32
        %add3A_312 = arith.constant 2 : i32
        %add3A_313 = arith.addi %add3A_311, %add3A_312 : i32
        %broadcast_in_dim3A_314 = vector.broadcast %add3A_313 : i32 to vector<16xi32>
        %gather3A_315 = tpu.vector_load_idx %arg7[%broadcast_in_dim3A_314] : memref<320xf32, #tpu.memory_space<vmem>>[vector<16xi32>], vector<16xf32>,
        %get3A_316 = arith.constant 0 : i32
        %get3A_317 = arith.index_cast %get3A_316 : i32 to index
        %get3A_318 = arith.index_cast %add3A_237 : i32 to index
        %get3A_319 = arith.constant 128 : index
        %get3A_320 = tpu.vector_load %arg9[%get3A_317, %get3A_318, %get3A_319] {strides = array<i32>} : memref<2x40x512xf32, #tpu.memory_space<vmem>>, vector<16xf32>,
        %mul3A_321 = arith.mulf %gather3A_315, %get3A_320 : vector<16xf32>
        %add3A_322 = arith.addf %add3A_286, %mul3A_321 : vector<16xf32>
        %get3A_323 = arith.constant 0 : i32
        %get3A_324 = arith.index_cast %get3A_323 : i32 to index
        %get3A_325 = arith.index_cast %add3A_237 : i32 to index
        %get3A_326 = arith.constant 144 : index
        %get3A_327 = tpu.vector_load %arg9[%get3A_324, %get3A_325, %get3A_326] {strides = array<i32>} : memref<2x40x512xf32, #tpu.memory_space<vmem>>, vector<16xf32>,
        %mul3A_328 = arith.mulf %gather3A_315, %get3A_327 : vector<16xf32>
        %add3A_329 = arith.addf %add3A_293, %mul3A_328 : vector<16xf32>
        %get3A_330 = arith.constant 0 : i32
        %get3A_331 = arith.index_cast %get3A_330 : i32 to index
        %get3A_332 = arith.index_cast %add3A_237 : i32 to index
        %get3A_333 = arith.constant 160 : index
        %get3A_334 = tpu.vector_load %arg9[%get3A_331, %get3A_332, %get3A_333] {strides = array<i32>} : memref<2x40x512xf32, #tpu.memory_space<vmem>>, vector<16xf32>,
        %mul3A_335 = arith.mulf %gather3A_315, %get3A_334 : vector<16xf32>
        %add3A_336 = arith.addf %add3A_300, %mul3A_335 : vector<16xf32>
        %get3A_337 = arith.constant 0 : i32
        %get3A_338 = arith.index_cast %get3A_337 : i32 to index
        %get3A_339 = arith.index_cast %add3A_237 : i32 to index
        %get3A_340 = arith.constant 176 : index
        %get3A_341 = tpu.vector_load %arg9[%get3A_338, %get3A_339, %get3A_340] {strides = array<i32>} : memref<2x40x512xf32, #tpu.memory_space<vmem>>, vector<16xf32>,
        %mul3A_342 = arith.mulf %gather3A_315, %get3A_341 : vector<16xf32>
        %add3A_343 = arith.addf %add3A_307, %mul3A_342 : vector<16xf32>
        %mul3A_344 = arith.constant 8 : i32
        %mul3A_345 = arith.muli %scan3A_231, %mul3A_344 : i32
        %add3A_346 = arith.constant 0 : i32
        %add3A_347 = arith.addi %add3A_346, %mul3A_345 : i32
        %add3A_348 = arith.constant 3 : i32
        %add3A_349 = arith.addi %add3A_347, %add3A_348 : i32
        %broadcast_in_dim3A_350 = vector.broadcast %add3A_349 : i32 to vector<16xi32>
        %gather3A_351 = tpu.vector_load_idx %arg7[%broadcast_in_dim3A_350] : memref<320xf32, #tpu.memory_space<vmem>>[vector<16xi32>], vector<16xf32>,
        %get3A_352 = arith.constant 0 : i32
        %get3A_353 = arith.index_cast %get3A_352 : i32 to index
        %get3A_354 = arith.index_cast %add3A_237 : i32 to index
        %get3A_355 = arith.constant 192 : index
        %get3A_356 = tpu.vector_load %arg9[%get3A_353, %get3A_354, %get3A_355] {strides = array<i32>} : memref<2x40x512xf32, #tpu.memory_space<vmem>>, vector<16xf32>,
        %mul3A_357 = arith.mulf %gather3A_351, %get3A_356 : vector<16xf32>
        %add3A_358 = arith.addf %add3A_322, %mul3A_357 : vector<16xf32>
        %get3A_359 = arith.constant 0 : i32
        %get3A_360 = arith.index_cast %get3A_359 : i32 to index
        %get3A_361 = arith.index_cast %add3A_237 : i32 to index
        %get3A_362 = arith.constant 208 : index
        %get3A_363 = tpu.vector_load %arg9[%get3A_360, %get3A_361, %get3A_362] {strides = array<i32>} : memref<2x40x512xf32, #tpu.memory_space<vmem>>, vector<16xf32>,
        %mul3A_364 = arith.mulf %gather3A_351, %get3A_363 : vector<16xf32>
        %add3A_365 = arith.addf %add3A_329, %mul3A_364 : vector<16xf32>
        %get3A_366 = arith.constant 0 : i32
        %get3A_367 = arith.index_cast %get3A_366 : i32 to index
        %get3A_368 = arith.index_cast %add3A_237 : i32 to index
        %get3A_369 = arith.constant 224 : index
        %get3A_370 = tpu.vector_load %arg9[%get3A_367, %get3A_368, %get3A_369] {strides = array<i32>} : memref<2x40x512xf32, #tpu.memory_space<vmem>>, vector<16xf32>,
        %mul3A_371 = arith.mulf %gather3A_351, %get3A_370 : vector<16xf32>
        %add3A_372 = arith.addf %add3A_336, %mul3A_371 : vector<16xf32>
        %get3A_373 = arith.constant 0 : i32
        %get3A_374 = arith.index_cast %get3A_373 : i32 to index
        %get3A_375 = arith.index_cast %add3A_237 : i32 to index
        %get3A_376 = arith.constant 240 : index
        %get3A_377 = tpu.vector_load %arg9[%get3A_374, %get3A_375, %get3A_376] {strides = array<i32>} : memref<2x40x512xf32, #tpu.memory_space<vmem>>, vector<16xf32>,
        %mul3A_378 = arith.mulf %gather3A_351, %get3A_377 : vector<16xf32>
        %add3A_379 = arith.addf %add3A_343, %mul3A_378 : vector<16xf32>
        %mul3A_380 = arith.constant 8 : i32
        %mul3A_381 = arith.muli %scan3A_231, %mul3A_380 : i32
        %add3A_382 = arith.constant 0 : i32
        %add3A_383 = arith.addi %add3A_382, %mul3A_381 : i32
        %add3A_384 = arith.constant 4 : i32
        %add3A_385 = arith.addi %add3A_383, %add3A_384 : i32
        %broadcast_in_dim3A_386 = vector.broadcast %add3A_385 : i32 to vector<16xi32>
        %gather3A_387 = tpu.vector_load_idx %arg7[%broadcast_in_dim3A_386] : memref<320xf32, #tpu.memory_space<vmem>>[vector<16xi32>], vector<16xf32>,
        %get3A_388 = arith.constant 0 : i32
        %get3A_389 = arith.index_cast %get3A_388 : i32 to index
        %get3A_390 = arith.index_cast %add3A_237 : i32 to index
        %get3A_391 = arith.constant 256 : index
        %get3A_392 = tpu.vector_load %arg9[%get3A_389, %get3A_390, %get3A_391] {strides = array<i32>} : memref<2x40x512xf32, #tpu.memory_space<vmem>>, vector<16xf32>,
        %mul3A_393 = arith.mulf %gather3A_387, %get3A_392 : vector<16xf32>
        %add3A_394 = arith.addf %add3A_358, %mul3A_393 : vector<16xf32>
        %get3A_395 = arith.constant 0 : i32
        %get3A_396 = arith.index_cast %get3A_395 : i32 to index
        %get3A_397 = arith.index_cast %add3A_237 : i32 to index
        %get3A_398 = arith.constant 272 : index
        %get3A_399 = tpu.vector_load %arg9[%get3A_396, %get3A_397, %get3A_398] {strides = array<i32>} : memref<2x40x512xf32, #tpu.memory_space<vmem>>, vector<16xf32>,
        %mul3A_400 = arith.mulf %gather3A_387, %get3A_399 : vector<16xf32>
        %add3A_401 = arith.addf %add3A_365, %mul3A_400 : vector<16xf32>
        %get3A_402 = arith.constant 0 : i32
        %get3A_403 = arith.index_cast %get3A_402 : i32 to index
        %get3A_404 = arith.index_cast %add3A_237 : i32 to index
        %get3A_405 = arith.constant 288 : index
        %get3A_406 = tpu.vector_load %arg9[%get3A_403, %get3A_404, %get3A_405] {strides = array<i32>} : memref<2x40x512xf32, #tpu.memory_space<vmem>>, vector<16xf32>,
        %mul3A_407 = arith.mulf %gather3A_387, %get3A_406 : vector<16xf32>
        %add3A_408 = arith.addf %add3A_372, %mul3A_407 : vector<16xf32>
        %get3A_409 = arith.constant 0 : i32
        %get3A_410 = arith.index_cast %get3A_409 : i32 to index
        %get3A_411 = arith.index_cast %add3A_237 : i32 to index
        %get3A_412 = arith.constant 304 : index
        %get3A_413 = tpu.vector_load %arg9[%get3A_410, %get3A_411, %get3A_412] {strides = array<i32>} : memref<2x40x512xf32, #tpu.memory_space<vmem>>, vector<16xf32>,
        %mul3A_414 = arith.mulf %gather3A_387, %get3A_413 : vector<16xf32>
        %add3A_415 = arith.addf %add3A_379, %mul3A_414 : vector<16xf32>
        %mul3A_416 = arith.constant 8 : i32
        %mul3A_417 = arith.muli %scan3A_231, %mul3A_416 : i32
        %add3A_418 = arith.constant 0 : i32
        %add3A_419 = arith.addi %add3A_418, %mul3A_417 : i32
        %add3A_420 = arith.constant 5 : i32
        %add3A_421 = arith.addi %add3A_419, %add3A_420 : i32
        %broadcast_in_dim3A_422 = vector.broadcast %add3A_421 : i32 to vector<16xi32>
        %gather3A_423 = tpu.vector_load_idx %arg7[%broadcast_in_dim3A_422] : memref<320xf32, #tpu.memory_space<vmem>>[vector<16xi32>], vector<16xf32>,
        %get3A_424 = arith.constant 0 : i32
        %get3A_425 = arith.index_cast %get3A_424 : i32 to index
        %get3A_426 = arith.index_cast %add3A_237 : i32 to index
        %get3A_427 = arith.constant 320 : index
        %get3A_428 = tpu.vector_load %arg9[%get3A_425, %get3A_426, %get3A_427] {strides = array<i32>} : memref<2x40x512xf32, #tpu.memory_space<vmem>>, vector<16xf32>,
        %mul3A_429 = arith.mulf %gather3A_423, %get3A_428 : vector<16xf32>
        %add3A_430 = arith.addf %add3A_394, %mul3A_429 : vector<16xf32>
        %get3A_431 = arith.constant 0 : i32
        %get3A_432 = arith.index_cast %get3A_431 : i32 to index
        %get3A_433 = arith.index_cast %add3A_237 : i32 to index
        %get3A_434 = arith.constant 336 : index
        %get3A_435 = tpu.vector_load %arg9[%get3A_432, %get3A_433, %get3A_434] {strides = array<i32>} : memref<2x40x512xf32, #tpu.memory_space<vmem>>, vector<16xf32>,
        %mul3A_436 = arith.mulf %gather3A_423, %get3A_435 : vector<16xf32>
        %add3A_437 = arith.addf %add3A_401, %mul3A_436 : vector<16xf32>
        %get3A_438 = arith.constant 0 : i32
        %get3A_439 = arith.index_cast %get3A_438 : i32 to index
        %get3A_440 = arith.index_cast %add3A_237 : i32 to index
        %get3A_441 = arith.constant 352 : index
        %get3A_442 = tpu.vector_load %arg9[%get3A_439, %get3A_440, %get3A_441] {strides = array<i32>} : memref<2x40x512xf32, #tpu.memory_space<vmem>>, vector<16xf32>,
        %mul3A_443 = arith.mulf %gather3A_423, %get3A_442 : vector<16xf32>
        %add3A_444 = arith.addf %add3A_408, %mul3A_443 : vector<16xf32>
        %get3A_445 = arith.constant 0 : i32
        %get3A_446 = arith.index_cast %get3A_445 : i32 to index
        %get3A_447 = arith.index_cast %add3A_237 : i32 to index
        %get3A_448 = arith.constant 368 : index
        %get3A_449 = tpu.vector_load %arg9[%get3A_446, %get3A_447, %get3A_448] {strides = array<i32>} : memref<2x40x512xf32, #tpu.memory_space<vmem>>, vector<16xf32>,
        %mul3A_450 = arith.mulf %gather3A_423, %get3A_449 : vector<16xf32>
        %add3A_451 = arith.addf %add3A_415, %mul3A_450 : vector<16xf32>
        %mul3A_452 = arith.constant 8 : i32
        %mul3A_453 = arith.muli %scan3A_231, %mul3A_452 : i32
        %add3A_454 = arith.constant 0 : i32
        %add3A_455 = arith.addi %add3A_454, %mul3A_453 : i32
        %add3A_456 = arith.constant 6 : i32
        %add3A_457 = arith.addi %add3A_455, %add3A_456 : i32
        %broadcast_in_dim3A_458 = vector.broadcast %add3A_457 : i32 to vector<16xi32>
        %gather3A_459 = tpu.vector_load_idx %arg7[%broadcast_in_dim3A_458] : memref<320xf32, #tpu.memory_space<vmem>>[vector<16xi32>], vector<16xf32>,
        %get3A_460 = arith.constant 0 : i32
        %get3A_461 = arith.index_cast %get3A_460 : i32 to index
        %get3A_462 = arith.index_cast %add3A_237 : i32 to index
        %get3A_463 = arith.constant 384 : index
        %get3A_464 = tpu.vector_load %arg9[%get3A_461, %get3A_462, %get3A_463] {strides = array<i32>} : memref<2x40x512xf32, #tpu.memory_space<vmem>>, vector<16xf32>,
        %mul3A_465 = arith.mulf %gather3A_459, %get3A_464 : vector<16xf32>
        %add3A_466 = arith.addf %add3A_430, %mul3A_465 : vector<16xf32>
        %get3A_467 = arith.constant 0 : i32
        %get3A_468 = arith.index_cast %get3A_467 : i32 to index
        %get3A_469 = arith.index_cast %add3A_237 : i32 to index
        %get3A_470 = arith.constant 400 : index
        %get3A_471 = tpu.vector_load %arg9[%get3A_468, %get3A_469, %get3A_470] {strides = array<i32>} : memref<2x40x512xf32, #tpu.memory_space<vmem>>, vector<16xf32>,
        %mul3A_472 = arith.mulf %gather3A_459, %get3A_471 : vector<16xf32>
        %add3A_473 = arith.addf %add3A_437, %mul3A_472 : vector<16xf32>
        %get3A_474 = arith.constant 0 : i32
        %get3A_475 = arith.index_cast %get3A_474 : i32 to index
        %get3A_476 = arith.index_cast %add3A_237 : i32 to index
        %get3A_477 = arith.constant 416 : index
        %get3A_478 = tpu.vector_load %arg9[%get3A_475, %get3A_476, %get3A_477] {strides = array<i32>} : memref<2x40x512xf32, #tpu.memory_space<vmem>>, vector<16xf32>,
        %mul3A_479 = arith.mulf %gather3A_459, %get3A_478 : vector<16xf32>
        %add3A_480 = arith.addf %add3A_444, %mul3A_479 : vector<16xf32>
        %get3A_481 = arith.constant 0 : i32
        %get3A_482 = arith.index_cast %get3A_481 : i32 to index
        %get3A_483 = arith.index_cast %add3A_237 : i32 to index
        %get3A_484 = arith.constant 432 : index
        %get3A_485 = tpu.vector_load %arg9[%get3A_482, %get3A_483, %get3A_484] {strides = array<i32>} : memref<2x40x512xf32, #tpu.memory_space<vmem>>, vector<16xf32>,
        %mul3A_486 = arith.mulf %gather3A_459, %get3A_485 : vector<16xf32>
        %add3A_487 = arith.addf %add3A_451, %mul3A_486 : vector<16xf32>
        %mul3A_488 = arith.constant 8 : i32
        %mul3A_489 = arith.muli %scan3A_231, %mul3A_488 : i32
        %add3A_490 = arith.constant 0 : i32
        %add3A_491 = arith.addi %add3A_490, %mul3A_489 : i32
        %add3A_492 = arith.constant 7 : i32
        %add3A_493 = arith.addi %add3A_491, %add3A_492 : i32
        %broadcast_in_dim3A_494 = vector.broadcast %add3A_493 : i32 to vector<16xi32>
        %gather3A_495 = tpu.vector_load_idx %arg7[%broadcast_in_dim3A_494] : memref<320xf32, #tpu.memory_space<vmem>>[vector<16xi32>], vector<16xf32>,
        %get3A_496 = arith.constant 0 : i32
        %get3A_497 = arith.index_cast %get3A_496 : i32 to index
        %get3A_498 = arith.index_cast %add3A_237 : i32 to index
        %get3A_499 = arith.constant 448 : index
        %get3A_500 = tpu.vector_load %arg9[%get3A_497, %get3A_498, %get3A_499] {strides = array<i32>} : memref<2x40x512xf32, #tpu.memory_space<vmem>>, vector<16xf32>,
        %mul3A_501 = arith.mulf %gather3A_495, %get3A_500 : vector<16xf32>
        %add3A_502 = arith.addf %add3A_466, %mul3A_501 : vector<16xf32>
        %get3A_503 = arith.constant 0 : i32
        %get3A_504 = arith.index_cast %get3A_503 : i32 to index
        %get3A_505 = arith.index_cast %add3A_237 : i32 to index
        %get3A_506 = arith.constant 464 : index
        %get3A_507 = tpu.vector_load %arg9[%get3A_504, %get3A_505, %get3A_506] {strides = array<i32>} : memref<2x40x512xf32, #tpu.memory_space<vmem>>, vector<16xf32>,
        %mul3A_508 = arith.mulf %gather3A_495, %get3A_507 : vector<16xf32>
        %add3A_509 = arith.addf %add3A_473, %mul3A_508 : vector<16xf32>
        %get3A_510 = arith.constant 0 : i32
        %get3A_511 = arith.index_cast %get3A_510 : i32 to index
        %get3A_512 = arith.index_cast %add3A_237 : i32 to index
        %get3A_513 = arith.constant 480 : index
        %get3A_514 = tpu.vector_load %arg9[%get3A_511, %get3A_512, %get3A_513] {strides = array<i32>} : memref<2x40x512xf32, #tpu.memory_space<vmem>>, vector<16xf32>,
        %mul3A_515 = arith.mulf %gather3A_495, %get3A_514 : vector<16xf32>
        %add3A_516 = arith.addf %add3A_480, %mul3A_515 : vector<16xf32>
        %get3A_517 = arith.constant 0 : i32
        %get3A_518 = arith.index_cast %get3A_517 : i32 to index
        %get3A_519 = arith.index_cast %add3A_237 : i32 to index
        %get3A_520 = arith.constant 496 : index
        %get3A_521 = tpu.vector_load %arg9[%get3A_518, %get3A_519, %get3A_520] {strides = array<i32>} : memref<2x40x512xf32, #tpu.memory_space<vmem>>, vector<16xf32>,
        %mul3A_522 = arith.mulf %gather3A_495, %get3A_521 : vector<16xf32>
        %add3A_523 = arith.addf %add3A_487, %mul3A_522 : vector<16xf32>
        scf.yield %add3A_502, %add3A_509, %add3A_516, %add3A_523 : vector<16xf32>, vector<16xf32>, vector<16xf32>, vector<16xf32>
      }
      %scan3A_90 = arith.constant 20 : i32
      %mul3A_91 = arith.constant 2 : i32
      %mul3A_92 = arith.muli %add3A_59, %mul3A_91 : i32
      %add3A_93 = arith.constant 0 : i32
      %add3A_94 = arith.addi %mul3A_92, %add3A_93 : i32
      %swap3A = arith.index_cast %add3A_94 : i32 to index
      %swap3A_95 = arith.constant 0 : index
      %swap3A_96 = tpu.vector_load %arg10[%swap3A, %swap3A_95] {strides = array<i32>} : memref<256x64xf32, #tpu.memory_space<vmem>>, vector<16xf32>,
      tpu.vector_store %arg10[%swap3A, %swap3A_95], %scan3A_89#0 {strides = array<i32>} : memref<256x64xf32, #tpu.memory_space<vmem>>, vector<16xf32>,
      %swap3A_97 = arith.index_cast %add3A_94 : i32 to index
      %swap3A_98 = arith.constant 16 : index
      %swap3A_99 = tpu.vector_load %arg10[%swap3A_97, %swap3A_98] {strides = array<i32>} : memref<256x64xf32, #tpu.memory_space<vmem>>, vector<16xf32>,
      tpu.vector_store %arg10[%swap3A_97, %swap3A_98], %scan3A_89#1 {strides = array<i32>} : memref<256x64xf32, #tpu.memory_space<vmem>>, vector<16xf32>,
      %swap3A_100 = arith.index_cast %add3A_94 : i32 to index
      %swap3A_101 = arith.constant 32 : index
      %swap3A_102 = tpu.vector_load %arg10[%swap3A_100, %swap3A_101] {strides = array<i32>} : memref<256x64xf32, #tpu.memory_space<vmem>>, vector<16xf32>,
      tpu.vector_store %arg10[%swap3A_100, %swap3A_101], %scan3A_89#2 {strides = array<i32>} : memref<256x64xf32, #tpu.memory_space<vmem>>, vector<16xf32>,
      %swap3A_103 = arith.index_cast %add3A_94 : i32 to index
      %swap3A_104 = arith.constant 48 : index
      %swap3A_105 = tpu.vector_load %arg10[%swap3A_103, %swap3A_104] {strides = array<i32>} : memref<256x64xf32, #tpu.memory_space<vmem>>, vector<16xf32>,
      tpu.vector_store %arg10[%swap3A_103, %swap3A_104], %scan3A_89#3 {strides = array<i32>} : memref<256x64xf32, #tpu.memory_space<vmem>>, vector<16xf32>,
      %broadcast_in_dim3A_106 = arith.constant 0.000000e+00 : f32
      %broadcast_in_dim3A_107 = vector.broadcast %broadcast_in_dim3A_106 : f32 to vector<16xf32>
      %broadcast_in_dim3A_108 = arith.constant 0.000000e+00 : f32
      %broadcast_in_dim3A_109 = vector.broadcast %broadcast_in_dim3A_108 : f32 to vector<16xf32>
      %broadcast_in_dim3A_110 = arith.constant 0.000000e+00 : f32
      %broadcast_in_dim3A_111 = vector.broadcast %broadcast_in_dim3A_110 : f32 to vector<16xf32>
      %broadcast_in_dim3A_112 = arith.constant 0.000000e+00 : f32
      %broadcast_in_dim3A_113 = vector.broadcast %broadcast_in_dim3A_112 : f32 to vector<16xf32>
      %scan3A_114 = arith.constant 0 : i32
      %scan3A_115 = arith.constant 20 : i32
      %scan3A_116 = arith.addi %scan3A_114, %scan3A_115 : i32
      %scan3A_117 = arith.constant 1 : i32
      %scan3A_118:4 = scf.for %scan3A_231 = %scan3A_114 to %scan3A_116 step %scan3A_117 iter_args(%scan3A_232 = %broadcast_in_dim3A_107, %scan3A_233 = %broadcast_in_dim3A_109, %scan3A_234 = %broadcast_in_dim3A_111, %scan3A_235 = %broadcast_in_dim3A_113) -> (vector<16xf32>, vector<16xf32>, vector<16xf32>, vector<16xf32>)  : i32 {
        %add3A_236 = arith.constant 20 : i32
        %add3A_237 = arith.addi %add3A_236, %scan3A_231 : i32
        %mul3A_238 = arith.constant 8 : i32
        %mul3A_239 = arith.muli %scan3A_231, %mul3A_238 : i32
        %add3A_240 = arith.constant 160 : i32
        %add3A_241 = arith.addi %add3A_240, %mul3A_239 : i32
        %add3A_242 = arith.constant 0 : i32
        %add3A_243 = arith.addi %add3A_241, %add3A_242 : i32
        %broadcast_in_dim3A_244 = vector.broadcast %add3A_243 : i32 to vector<16xi32>
        %gather3A = tpu.vector_load_idx %arg7[%broadcast_in_dim3A_244] : memref<320xf32, #tpu.memory_space<vmem>>[vector<16xi32>], vector<16xf32>,
        %get3A = arith.constant 0 : i32
        %get3A_245 = arith.index_cast %get3A : i32 to index
        %get3A_246 = arith.index_cast %add3A_237 : i32 to index
        %get3A_247 = arith.constant 0 : index
        %get3A_248 = tpu.vector_load %arg9[%get3A_245, %get3A_246, %get3A_247] {strides = array<i32>} : memref<2x40x512xf32, #tpu.memory_space<vmem>>, vector<16xf32>,
        %mul3A_249 = arith.mulf %gather3A, %get3A_248 : vector<16xf32>
        %add3A_250 = arith.addf %scan3A_232, %mul3A_249 : vector<16xf32>
        %get3A_251 = arith.constant 0 : i32
        %get3A_252 = arith.index_cast %get3A_251 : i32 to index
        %get3A_253 = arith.index_cast %add3A_237 : i32 to index
        %get3A_254 = arith.constant 16 : index
        %get3A_255 = tpu.vector_load %arg9[%get3A_252, %get3A_253, %get3A_254] {strides = array<i32>} : memref<2x40x512xf32, #tpu.memory_space<vmem>>, vector<16xf32>,
        %mul3A_256 = arith.mulf %gather3A, %get3A_255 : vector<16xf32>
        %add3A_257 = arith.addf %scan3A_233, %mul3A_256 : vector<16xf32>
        %get3A_258 = arith.constant 0 : i32
        %get3A_259 = arith.index_cast %get3A_258 : i32 to index
        %get3A_260 = arith.index_cast %add3A_237 : i32 to index
        %get3A_261 = arith.constant 32 : index
        %get3A_262 = tpu.vector_load %arg9[%get3A_259, %get3A_260, %get3A_261] {strides = array<i32>} : memref<2x40x512xf32, #tpu.memory_space<vmem>>, vector<16xf32>,
        %mul3A_263 = arith.mulf %gather3A, %get3A_262 : vector<16xf32>
        %add3A_264 = arith.addf %scan3A_234, %mul3A_263 : vector<16xf32>
        %get3A_265 = arith.constant 0 : i32
        %get3A_266 = arith.index_cast %get3A_265 : i32 to index
        %get3A_267 = arith.index_cast %add3A_237 : i32 to index
        %get3A_268 = arith.constant 48 : index
        %get3A_269 = tpu.vector_load %arg9[%get3A_266, %get3A_267, %get3A_268] {strides = array<i32>} : memref<2x40x512xf32, #tpu.memory_space<vmem>>, vector<16xf32>,
        %mul3A_270 = arith.mulf %gather3A, %get3A_269 : vector<16xf32>
        %add3A_271 = arith.addf %scan3A_235, %mul3A_270 : vector<16xf32>
        %mul3A_272 = arith.constant 8 : i32
        %mul3A_273 = arith.muli %scan3A_231, %mul3A_272 : i32
        %add3A_274 = arith.constant 160 : i32
        %add3A_275 = arith.addi %add3A_274, %mul3A_273 : i32
        %add3A_276 = arith.constant 1 : i32
        %add3A_277 = arith.addi %add3A_275, %add3A_276 : i32
        %broadcast_in_dim3A_278 = vector.broadcast %add3A_277 : i32 to vector<16xi32>
        %gather3A_279 = tpu.vector_load_idx %arg7[%broadcast_in_dim3A_278] : memref<320xf32, #tpu.memory_space<vmem>>[vector<16xi32>], vector<16xf32>,
        %get3A_280 = arith.constant 0 : i32
        %get3A_281 = arith.index_cast %get3A_280 : i32 to index
        %get3A_282 = arith.index_cast %add3A_237 : i32 to index
        %get3A_283 = arith.constant 64 : index
        %get3A_284 = tpu.vector_load %arg9[%get3A_281, %get3A_282, %get3A_283] {strides = array<i32>} : memref<2x40x512xf32, #tpu.memory_space<vmem>>, vector<16xf32>,
        %mul3A_285 = arith.mulf %gather3A_279, %get3A_284 : vector<16xf32>
        %add3A_286 = arith.addf %add3A_250, %mul3A_285 : vector<16xf32>
        %get3A_287 = arith.constant 0 : i32
        %get3A_288 = arith.index_cast %get3A_287 : i32 to index
        %get3A_289 = arith.index_cast %add3A_237 : i32 to index
        %get3A_290 = arith.constant 80 : index
        %get3A_291 = tpu.vector_load %arg9[%get3A_288, %get3A_289, %get3A_290] {strides = array<i32>} : memref<2x40x512xf32, #tpu.memory_space<vmem>>, vector<16xf32>,
        %mul3A_292 = arith.mulf %gather3A_279, %get3A_291 : vector<16xf32>
        %add3A_293 = arith.addf %add3A_257, %mul3A_292 : vector<16xf32>
        %get3A_294 = arith.constant 0 : i32
        %get3A_295 = arith.index_cast %get3A_294 : i32 to index
        %get3A_296 = arith.index_cast %add3A_237 : i32 to index
        %get3A_297 = arith.constant 96 : index
        %get3A_298 = tpu.vector_load %arg9[%get3A_295, %get3A_296, %get3A_297] {strides = array<i32>} : memref<2x40x512xf32, #tpu.memory_space<vmem>>, vector<16xf32>,
        %mul3A_299 = arith.mulf %gather3A_279, %get3A_298 : vector<16xf32>
        %add3A_300 = arith.addf %add3A_264, %mul3A_299 : vector<16xf32>
        %get3A_301 = arith.constant 0 : i32
        %get3A_302 = arith.index_cast %get3A_301 : i32 to index
        %get3A_303 = arith.index_cast %add3A_237 : i32 to index
        %get3A_304 = arith.constant 112 : index
        %get3A_305 = tpu.vector_load %arg9[%get3A_302, %get3A_303, %get3A_304] {strides = array<i32>} : memref<2x40x512xf32, #tpu.memory_space<vmem>>, vector<16xf32>,
        %mul3A_306 = arith.mulf %gather3A_279, %get3A_305 : vector<16xf32>
        %add3A_307 = arith.addf %add3A_271, %mul3A_306 : vector<16xf32>
        %mul3A_308 = arith.constant 8 : i32
        %mul3A_309 = arith.muli %scan3A_231, %mul3A_308 : i32
        %add3A_310 = arith.constant 160 : i32
        %add3A_311 = arith.addi %add3A_310, %mul3A_309 : i32
        %add3A_312 = arith.constant 2 : i32
        %add3A_313 = arith.addi %add3A_311, %add3A_312 : i32
        %broadcast_in_dim3A_314 = vector.broadcast %add3A_313 : i32 to vector<16xi32>
        %gather3A_315 = tpu.vector_load_idx %arg7[%broadcast_in_dim3A_314] : memref<320xf32, #tpu.memory_space<vmem>>[vector<16xi32>], vector<16xf32>,
        %get3A_316 = arith.constant 0 : i32
        %get3A_317 = arith.index_cast %get3A_316 : i32 to index
        %get3A_318 = arith.index_cast %add3A_237 : i32 to index
        %get3A_319 = arith.constant 128 : index
        %get3A_320 = tpu.vector_load %arg9[%get3A_317, %get3A_318, %get3A_319] {strides = array<i32>} : memref<2x40x512xf32, #tpu.memory_space<vmem>>, vector<16xf32>,
        %mul3A_321 = arith.mulf %gather3A_315, %get3A_320 : vector<16xf32>
        %add3A_322 = arith.addf %add3A_286, %mul3A_321 : vector<16xf32>
        %get3A_323 = arith.constant 0 : i32
        %get3A_324 = arith.index_cast %get3A_323 : i32 to index
        %get3A_325 = arith.index_cast %add3A_237 : i32 to index
        %get3A_326 = arith.constant 144 : index
        %get3A_327 = tpu.vector_load %arg9[%get3A_324, %get3A_325, %get3A_326] {strides = array<i32>} : memref<2x40x512xf32, #tpu.memory_space<vmem>>, vector<16xf32>,
        %mul3A_328 = arith.mulf %gather3A_315, %get3A_327 : vector<16xf32>
        %add3A_329 = arith.addf %add3A_293, %mul3A_328 : vector<16xf32>
        %get3A_330 = arith.constant 0 : i32
        %get3A_331 = arith.index_cast %get3A_330 : i32 to index
        %get3A_332 = arith.index_cast %add3A_237 : i32 to index
        %get3A_333 = arith.constant 160 : index
        %get3A_334 = tpu.vector_load %arg9[%get3A_331, %get3A_332, %get3A_333] {strides = array<i32>} : memref<2x40x512xf32, #tpu.memory_space<vmem>>, vector<16xf32>,
        %mul3A_335 = arith.mulf %gather3A_315, %get3A_334 : vector<16xf32>
        %add3A_336 = arith.addf %add3A_300, %mul3A_335 : vector<16xf32>
        %get3A_337 = arith.constant 0 : i32
        %get3A_338 = arith.index_cast %get3A_337 : i32 to index
        %get3A_339 = arith.index_cast %add3A_237 : i32 to index
        %get3A_340 = arith.constant 176 : index
        %get3A_341 = tpu.vector_load %arg9[%get3A_338, %get3A_339, %get3A_340] {strides = array<i32>} : memref<2x40x512xf32, #tpu.memory_space<vmem>>, vector<16xf32>,
        %mul3A_342 = arith.mulf %gather3A_315, %get3A_341 : vector<16xf32>
        %add3A_343 = arith.addf %add3A_307, %mul3A_342 : vector<16xf32>
        %mul3A_344 = arith.constant 8 : i32
        %mul3A_345 = arith.muli %scan3A_231, %mul3A_344 : i32
        %add3A_346 = arith.constant 160 : i32
        %add3A_347 = arith.addi %add3A_346, %mul3A_345 : i32
        %add3A_348 = arith.constant 3 : i32
        %add3A_349 = arith.addi %add3A_347, %add3A_348 : i32
        %broadcast_in_dim3A_350 = vector.broadcast %add3A_349 : i32 to vector<16xi32>
        %gather3A_351 = tpu.vector_load_idx %arg7[%broadcast_in_dim3A_350] : memref<320xf32, #tpu.memory_space<vmem>>[vector<16xi32>], vector<16xf32>,
        %get3A_352 = arith.constant 0 : i32
        %get3A_353 = arith.index_cast %get3A_352 : i32 to index
        %get3A_354 = arith.index_cast %add3A_237 : i32 to index
        %get3A_355 = arith.constant 192 : index
        %get3A_356 = tpu.vector_load %arg9[%get3A_353, %get3A_354, %get3A_355] {strides = array<i32>} : memref<2x40x512xf32, #tpu.memory_space<vmem>>, vector<16xf32>,
        %mul3A_357 = arith.mulf %gather3A_351, %get3A_356 : vector<16xf32>
        %add3A_358 = arith.addf %add3A_322, %mul3A_357 : vector<16xf32>
        %get3A_359 = arith.constant 0 : i32
        %get3A_360 = arith.index_cast %get3A_359 : i32 to index
        %get3A_361 = arith.index_cast %add3A_237 : i32 to index
        %get3A_362 = arith.constant 208 : index
        %get3A_363 = tpu.vector_load %arg9[%get3A_360, %get3A_361, %get3A_362] {strides = array<i32>} : memref<2x40x512xf32, #tpu.memory_space<vmem>>, vector<16xf32>,
        %mul3A_364 = arith.mulf %gather3A_351, %get3A_363 : vector<16xf32>
        %add3A_365 = arith.addf %add3A_329, %mul3A_364 : vector<16xf32>
        %get3A_366 = arith.constant 0 : i32
        %get3A_367 = arith.index_cast %get3A_366 : i32 to index
        %get3A_368 = arith.index_cast %add3A_237 : i32 to index
        %get3A_369 = arith.constant 224 : index
        %get3A_370 = tpu.vector_load %arg9[%get3A_367, %get3A_368, %get3A_369] {strides = array<i32>} : memref<2x40x512xf32, #tpu.memory_space<vmem>>, vector<16xf32>,
        %mul3A_371 = arith.mulf %gather3A_351, %get3A_370 : vector<16xf32>
        %add3A_372 = arith.addf %add3A_336, %mul3A_371 : vector<16xf32>
        %get3A_373 = arith.constant 0 : i32
        %get3A_374 = arith.index_cast %get3A_373 : i32 to index
        %get3A_375 = arith.index_cast %add3A_237 : i32 to index
        %get3A_376 = arith.constant 240 : index
        %get3A_377 = tpu.vector_load %arg9[%get3A_374, %get3A_375, %get3A_376] {strides = array<i32>} : memref<2x40x512xf32, #tpu.memory_space<vmem>>, vector<16xf32>,
        %mul3A_378 = arith.mulf %gather3A_351, %get3A_377 : vector<16xf32>
        %add3A_379 = arith.addf %add3A_343, %mul3A_378 : vector<16xf32>
        %mul3A_380 = arith.constant 8 : i32
        %mul3A_381 = arith.muli %scan3A_231, %mul3A_380 : i32
        %add3A_382 = arith.constant 160 : i32
        %add3A_383 = arith.addi %add3A_382, %mul3A_381 : i32
        %add3A_384 = arith.constant 4 : i32
        %add3A_385 = arith.addi %add3A_383, %add3A_384 : i32
        %broadcast_in_dim3A_386 = vector.broadcast %add3A_385 : i32 to vector<16xi32>
        %gather3A_387 = tpu.vector_load_idx %arg7[%broadcast_in_dim3A_386] : memref<320xf32, #tpu.memory_space<vmem>>[vector<16xi32>], vector<16xf32>,
        %get3A_388 = arith.constant 0 : i32
        %get3A_389 = arith.index_cast %get3A_388 : i32 to index
        %get3A_390 = arith.index_cast %add3A_237 : i32 to index
        %get3A_391 = arith.constant 256 : index
        %get3A_392 = tpu.vector_load %arg9[%get3A_389, %get3A_390, %get3A_391] {strides = array<i32>} : memref<2x40x512xf32, #tpu.memory_space<vmem>>, vector<16xf32>,
        %mul3A_393 = arith.mulf %gather3A_387, %get3A_392 : vector<16xf32>
        %add3A_394 = arith.addf %add3A_358, %mul3A_393 : vector<16xf32>
        %get3A_395 = arith.constant 0 : i32
        %get3A_396 = arith.index_cast %get3A_395 : i32 to index
        %get3A_397 = arith.index_cast %add3A_237 : i32 to index
        %get3A_398 = arith.constant 272 : index
        %get3A_399 = tpu.vector_load %arg9[%get3A_396, %get3A_397, %get3A_398] {strides = array<i32>} : memref<2x40x512xf32, #tpu.memory_space<vmem>>, vector<16xf32>,
        %mul3A_400 = arith.mulf %gather3A_387, %get3A_399 : vector<16xf32>
        %add3A_401 = arith.addf %add3A_365, %mul3A_400 : vector<16xf32>
        %get3A_402 = arith.constant 0 : i32
        %get3A_403 = arith.index_cast %get3A_402 : i32 to index
        %get3A_404 = arith.index_cast %add3A_237 : i32 to index
        %get3A_405 = arith.constant 288 : index
        %get3A_406 = tpu.vector_load %arg9[%get3A_403, %get3A_404, %get3A_405] {strides = array<i32>} : memref<2x40x512xf32, #tpu.memory_space<vmem>>, vector<16xf32>,
        %mul3A_407 = arith.mulf %gather3A_387, %get3A_406 : vector<16xf32>
        %add3A_408 = arith.addf %add3A_372, %mul3A_407 : vector<16xf32>
        %get3A_409 = arith.constant 0 : i32
        %get3A_410 = arith.index_cast %get3A_409 : i32 to index
        %get3A_411 = arith.index_cast %add3A_237 : i32 to index
        %get3A_412 = arith.constant 304 : index
        %get3A_413 = tpu.vector_load %arg9[%get3A_410, %get3A_411, %get3A_412] {strides = array<i32>} : memref<2x40x512xf32, #tpu.memory_space<vmem>>, vector<16xf32>,
        %mul3A_414 = arith.mulf %gather3A_387, %get3A_413 : vector<16xf32>
        %add3A_415 = arith.addf %add3A_379, %mul3A_414 : vector<16xf32>
        %mul3A_416 = arith.constant 8 : i32
        %mul3A_417 = arith.muli %scan3A_231, %mul3A_416 : i32
        %add3A_418 = arith.constant 160 : i32
        %add3A_419 = arith.addi %add3A_418, %mul3A_417 : i32
        %add3A_420 = arith.constant 5 : i32
        %add3A_421 = arith.addi %add3A_419, %add3A_420 : i32
        %broadcast_in_dim3A_422 = vector.broadcast %add3A_421 : i32 to vector<16xi32>
        %gather3A_423 = tpu.vector_load_idx %arg7[%broadcast_in_dim3A_422] : memref<320xf32, #tpu.memory_space<vmem>>[vector<16xi32>], vector<16xf32>,
        %get3A_424 = arith.constant 0 : i32
        %get3A_425 = arith.index_cast %get3A_424 : i32 to index
        %get3A_426 = arith.index_cast %add3A_237 : i32 to index
        %get3A_427 = arith.constant 320 : index
        %get3A_428 = tpu.vector_load %arg9[%get3A_425, %get3A_426, %get3A_427] {strides = array<i32>} : memref<2x40x512xf32, #tpu.memory_space<vmem>>, vector<16xf32>,
        %mul3A_429 = arith.mulf %gather3A_423, %get3A_428 : vector<16xf32>
        %add3A_430 = arith.addf %add3A_394, %mul3A_429 : vector<16xf32>
        %get3A_431 = arith.constant 0 : i32
        %get3A_432 = arith.index_cast %get3A_431 : i32 to index
        %get3A_433 = arith.index_cast %add3A_237 : i32 to index
        %get3A_434 = arith.constant 336 : index
        %get3A_435 = tpu.vector_load %arg9[%get3A_432, %get3A_433, %get3A_434] {strides = array<i32>} : memref<2x40x512xf32, #tpu.memory_space<vmem>>, vector<16xf32>,
        %mul3A_436 = arith.mulf %gather3A_423, %get3A_435 : vector<16xf32>
        %add3A_437 = arith.addf %add3A_401, %mul3A_436 : vector<16xf32>
        %get3A_438 = arith.constant 0 : i32
        %get3A_439 = arith.index_cast %get3A_438 : i32 to index
        %get3A_440 = arith.index_cast %add3A_237 : i32 to index
        %get3A_441 = arith.constant 352 : index
        %get3A_442 = tpu.vector_load %arg9[%get3A_439, %get3A_440, %get3A_441] {strides = array<i32>} : memref<2x40x512xf32, #tpu.memory_space<vmem>>, vector<16xf32>,
        %mul3A_443 = arith.mulf %gather3A_423, %get3A_442 : vector<16xf32>
        %add3A_444 = arith.addf %add3A_408, %mul3A_443 : vector<16xf32>
        %get3A_445 = arith.constant 0 : i32
        %get3A_446 = arith.index_cast %get3A_445 : i32 to index
        %get3A_447 = arith.index_cast %add3A_237 : i32 to index
        %get3A_448 = arith.constant 368 : index
        %get3A_449 = tpu.vector_load %arg9[%get3A_446, %get3A_447, %get3A_448] {strides = array<i32>} : memref<2x40x512xf32, #tpu.memory_space<vmem>>, vector<16xf32>,
        %mul3A_450 = arith.mulf %gather3A_423, %get3A_449 : vector<16xf32>
        %add3A_451 = arith.addf %add3A_415, %mul3A_450 : vector<16xf32>
        %mul3A_452 = arith.constant 8 : i32
        %mul3A_453 = arith.muli %scan3A_231, %mul3A_452 : i32
        %add3A_454 = arith.constant 160 : i32
        %add3A_455 = arith.addi %add3A_454, %mul3A_453 : i32
        %add3A_456 = arith.constant 6 : i32
        %add3A_457 = arith.addi %add3A_455, %add3A_456 : i32
        %broadcast_in_dim3A_458 = vector.broadcast %add3A_457 : i32 to vector<16xi32>
        %gather3A_459 = tpu.vector_load_idx %arg7[%broadcast_in_dim3A_458] : memref<320xf32, #tpu.memory_space<vmem>>[vector<16xi32>], vector<16xf32>,
        %get3A_460 = arith.constant 0 : i32
        %get3A_461 = arith.index_cast %get3A_460 : i32 to index
        %get3A_462 = arith.index_cast %add3A_237 : i32 to index
        %get3A_463 = arith.constant 384 : index
        %get3A_464 = tpu.vector_load %arg9[%get3A_461, %get3A_462, %get3A_463] {strides = array<i32>} : memref<2x40x512xf32, #tpu.memory_space<vmem>>, vector<16xf32>,
        %mul3A_465 = arith.mulf %gather3A_459, %get3A_464 : vector<16xf32>
        %add3A_466 = arith.addf %add3A_430, %mul3A_465 : vector<16xf32>
        %get3A_467 = arith.constant 0 : i32
        %get3A_468 = arith.index_cast %get3A_467 : i32 to index
        %get3A_469 = arith.index_cast %add3A_237 : i32 to index
        %get3A_470 = arith.constant 400 : index
        %get3A_471 = tpu.vector_load %arg9[%get3A_468, %get3A_469, %get3A_470] {strides = array<i32>} : memref<2x40x512xf32, #tpu.memory_space<vmem>>, vector<16xf32>,
        %mul3A_472 = arith.mulf %gather3A_459, %get3A_471 : vector<16xf32>
        %add3A_473 = arith.addf %add3A_437, %mul3A_472 : vector<16xf32>
        %get3A_474 = arith.constant 0 : i32
        %get3A_475 = arith.index_cast %get3A_474 : i32 to index
        %get3A_476 = arith.index_cast %add3A_237 : i32 to index
        %get3A_477 = arith.constant 416 : index
        %get3A_478 = tpu.vector_load %arg9[%get3A_475, %get3A_476, %get3A_477] {strides = array<i32>} : memref<2x40x512xf32, #tpu.memory_space<vmem>>, vector<16xf32>,
        %mul3A_479 = arith.mulf %gather3A_459, %get3A_478 : vector<16xf32>
        %add3A_480 = arith.addf %add3A_444, %mul3A_479 : vector<16xf32>
        %get3A_481 = arith.constant 0 : i32
        %get3A_482 = arith.index_cast %get3A_481 : i32 to index
        %get3A_483 = arith.index_cast %add3A_237 : i32 to index
        %get3A_484 = arith.constant 432 : index
        %get3A_485 = tpu.vector_load %arg9[%get3A_482, %get3A_483, %get3A_484] {strides = array<i32>} : memref<2x40x512xf32, #tpu.memory_space<vmem>>, vector<16xf32>,
        %mul3A_486 = arith.mulf %gather3A_459, %get3A_485 : vector<16xf32>
        %add3A_487 = arith.addf %add3A_451, %mul3A_486 : vector<16xf32>
        %mul3A_488 = arith.constant 8 : i32
        %mul3A_489 = arith.muli %scan3A_231, %mul3A_488 : i32
        %add3A_490 = arith.constant 160 : i32
        %add3A_491 = arith.addi %add3A_490, %mul3A_489 : i32
        %add3A_492 = arith.constant 7 : i32
        %add3A_493 = arith.addi %add3A_491, %add3A_492 : i32
        %broadcast_in_dim3A_494 = vector.broadcast %add3A_493 : i32 to vector<16xi32>
        %gather3A_495 = tpu.vector_load_idx %arg7[%broadcast_in_dim3A_494] : memref<320xf32, #tpu.memory_space<vmem>>[vector<16xi32>], vector<16xf32>,
        %get3A_496 = arith.constant 0 : i32
        %get3A_497 = arith.index_cast %get3A_496 : i32 to index
        %get3A_498 = arith.index_cast %add3A_237 : i32 to index
        %get3A_499 = arith.constant 448 : index
        %get3A_500 = tpu.vector_load %arg9[%get3A_497, %get3A_498, %get3A_499] {strides = array<i32>} : memref<2x40x512xf32, #tpu.memory_space<vmem>>, vector<16xf32>,
        %mul3A_501 = arith.mulf %gather3A_495, %get3A_500 : vector<16xf32>
        %add3A_502 = arith.addf %add3A_466, %mul3A_501 : vector<16xf32>
        %get3A_503 = arith.constant 0 : i32
        %get3A_504 = arith.index_cast %get3A_503 : i32 to index
        %get3A_505 = arith.index_cast %add3A_237 : i32 to index
        %get3A_506 = arith.constant 464 : index
        %get3A_507 = tpu.vector_load %arg9[%get3A_504, %get3A_505, %get3A_506] {strides = array<i32>} : memref<2x40x512xf32, #tpu.memory_space<vmem>>, vector<16xf32>,
        %mul3A_508 = arith.mulf %gather3A_495, %get3A_507 : vector<16xf32>
        %add3A_509 = arith.addf %add3A_473, %mul3A_508 : vector<16xf32>
        %get3A_510 = arith.constant 0 : i32
        %get3A_511 = arith.index_cast %get3A_510 : i32 to index
        %get3A_512 = arith.index_cast %add3A_237 : i32 to index
        %get3A_513 = arith.constant 480 : index
        %get3A_514 = tpu.vector_load %arg9[%get3A_511, %get3A_512, %get3A_513] {strides = array<i32>} : memref<2x40x512xf32, #tpu.memory_space<vmem>>, vector<16xf32>,
        %mul3A_515 = arith.mulf %gather3A_495, %get3A_514 : vector<16xf32>
        %add3A_516 = arith.addf %add3A_480, %mul3A_515 : vector<16xf32>
        %get3A_517 = arith.constant 0 : i32
        %get3A_518 = arith.index_cast %get3A_517 : i32 to index
        %get3A_519 = arith.index_cast %add3A_237 : i32 to index
        %get3A_520 = arith.constant 496 : index
        %get3A_521 = tpu.vector_load %arg9[%get3A_518, %get3A_519, %get3A_520] {strides = array<i32>} : memref<2x40x512xf32, #tpu.memory_space<vmem>>, vector<16xf32>,
        %mul3A_522 = arith.mulf %gather3A_495, %get3A_521 : vector<16xf32>
        %add3A_523 = arith.addf %add3A_487, %mul3A_522 : vector<16xf32>
        scf.yield %add3A_502, %add3A_509, %add3A_516, %add3A_523 : vector<16xf32>, vector<16xf32>, vector<16xf32>, vector<16xf32>
      }
      %scan3A_119 = arith.constant 20 : i32
      %mul3A_120 = arith.constant 2 : i32
      %mul3A_121 = arith.muli %add3A_59, %mul3A_120 : i32
      %add3A_122 = arith.constant 1 : i32
      %add3A_123 = arith.addi %mul3A_121, %add3A_122 : i32
      %swap3A_124 = arith.index_cast %add3A_123 : i32 to index
      %swap3A_125 = arith.constant 0 : index
      %swap3A_126 = tpu.vector_load %arg10[%swap3A_124, %swap3A_125] {strides = array<i32>} : memref<256x64xf32, #tpu.memory_space<vmem>>, vector<16xf32>,
      tpu.vector_store %arg10[%swap3A_124, %swap3A_125], %scan3A_118#0 {strides = array<i32>} : memref<256x64xf32, #tpu.memory_space<vmem>>, vector<16xf32>,
      %swap3A_127 = arith.index_cast %add3A_123 : i32 to index
      %swap3A_128 = arith.constant 16 : index
      %swap3A_129 = tpu.vector_load %arg10[%swap3A_127, %swap3A_128] {strides = array<i32>} : memref<256x64xf32, #tpu.memory_space<vmem>>, vector<16xf32>,
      tpu.vector_store %arg10[%swap3A_127, %swap3A_128], %scan3A_118#1 {strides = array<i32>} : memref<256x64xf32, #tpu.memory_space<vmem>>, vector<16xf32>,
      %swap3A_130 = arith.index_cast %add3A_123 : i32 to index
      %swap3A_131 = arith.constant 32 : index
      %swap3A_132 = tpu.vector_load %arg10[%swap3A_130, %swap3A_131] {strides = array<i32>} : memref<256x64xf32, #tpu.memory_space<vmem>>, vector<16xf32>,
      tpu.vector_store %arg10[%swap3A_130, %swap3A_131], %scan3A_118#2 {strides = array<i32>} : memref<256x64xf32, #tpu.memory_space<vmem>>, vector<16xf32>,
      %swap3A_133 = arith.index_cast %add3A_123 : i32 to index
      %swap3A_134 = arith.constant 48 : index
      %swap3A_135 = tpu.vector_load %arg10[%swap3A_133, %swap3A_134] {strides = array<i32>} : memref<256x64xf32, #tpu.memory_space<vmem>>, vector<16xf32>,
      tpu.vector_store %arg10[%swap3A_133, %swap3A_134], %scan3A_118#3 {strides = array<i32>} : memref<256x64xf32, #tpu.memory_space<vmem>>, vector<16xf32>,
      %add3A_136 = arith.constant 2 : i32
      %add3A_137 = arith.addi %add3A_59, %add3A_136 : i32
      %lt3A = arith.constant 128 : i32
      %lt3A_138 = arith.cmpi slt, %add3A_137, %lt3A : i32
      %convert_element_type3A = arith.extui %lt3A_138 : i1 to i32
      %cond3A = arith.constant 0 : i32
      %cond3A_139 = arith.cmpi ne, %convert_element_type3A, %cond3A : i32
      scf.if %cond3A_139 {
        %add3A_231 = arith.constant 2 : i32
        %add3A_232 = arith.addi %add3A_59, %add3A_231 : i32
        %mul3A_233 = arith.constant 40 : i32
        %mul3A_234 = arith.muli %add3A_232, %mul3A_233 : i32
        %dma_start3A_235 = arith.constant 0 : i32
        %dma_start3A_236 = arith.constant 0 : i32
        %dma_start3A_237 = arith.constant 0 : i32
        %dma_start3A_238 = tpu.memref_slice %arg9[%dma_start3A_235, %dma_start3A_236, %dma_start3A_237] : memref<2x40x512xf32, #tpu.memory_space<vmem>> -> memref<1x40x512xf32, #tpu.memory_space<vmem>>
        %dma_start3A_239 = tpu.memref_squeeze %dma_start3A_238 : memref<1x40x512xf32, #tpu.memory_space<vmem>> -> memref<40x512xf32, #tpu.memory_space<vmem>>
        %dma_start3A_240 = tpu.memref_slice %arg6[%mul3A_234] : memref<5120xi32, #tpu.memory_space<vmem>> -> memref<40xi32, #tpu.memory_space<vmem>>
        %dma_start3A_241 = arith.constant 0 : i32
        %dma_start3A_242 = arith.constant 0 : i32
        %dma_start3A_243 = tpu.memref_slice %arg2[%dma_start3A_241, %dma_start3A_242] : memref<8192x512xf32, #tpu.memory_space<hbm>> -> memref<8192x512xf32, #tpu.memory_space<hbm>>
        tpu.enqueue_indirect_dma source(%dma_start3A_243 : memref<8192x512xf32, #tpu.memory_space<hbm>>) target(%dma_start3A_239 : memref<40x512xf32, #tpu.memory_space<vmem>>) offsets(%dma_start3A_240 : memref<40xi32, #tpu.memory_space<vmem>>) semaphore(%arg11 : memref<!tpu.dma_semaphore, #tpu.memory_space<semaphore_mem>>)
        %mul3A_244 = arith.constant 20 : i32
        %mul3A_245 = arith.muli %mul3A_2, %mul3A_244 : i32
        %mul3A_246 = arith.constant 8 : i32
        %mul3A_247 = arith.muli %mul3A_245, %mul3A_246 : i32
        %mul3A_248 = arith.constant 320 : i32
        %mul3A_249 = arith.muli %add3A_232, %mul3A_248 : i32
        %add3A_250 = arith.addi %mul3A_247, %mul3A_249 : i32
        %dma_start3A_251 = tpu.memref_slice %arg4[%add3A_250] : memref<1310720xf32, #tpu.memory_space<hbm>> -> memref<320xf32, #tpu.memory_space<hbm>>
        %dma_start3A_252 = tpu.memref_slice %arg4[%add3A_250] : memref<1310720xf32, #tpu.memory_space<hbm>> -> memref<320xf32, #tpu.memory_space<hbm>>
        tpu.enqueue_dma source(%dma_start3A_252 : memref<320xf32, #tpu.memory_space<hbm>>) target(%arg7 : memref<320xf32, #tpu.memory_space<vmem>>) target_semaphore(%arg11 : memref<!tpu.dma_semaphore, #tpu.memory_space<semaphore_mem>>)
      } else {
      }
      %mul3A_140 = arith.constant 2 : i32
      %mul3A_141 = arith.muli %scan3A_54, %mul3A_140 : i32
      %add3A_142 = arith.constant 1 : i32
      %add3A_143 = arith.addi %mul3A_141, %add3A_142 : i32
      %dma_wait3A_144 = arith.constant 1 : i32
      %dma_wait3A_145 = arith.constant 0 : i32
      %dma_wait3A_146 = arith.constant 0 : i32
      %dma_wait3A_147 = tpu.memref_slice %arg9[%dma_wait3A_144, %dma_wait3A_145, %dma_wait3A_146] : memref<2x40x512xf32, #tpu.memory_space<vmem>> -> memref<1x40x512xf32, #tpu.memory_space<vmem>>
      %dma_wait3A_148 = tpu.memref_squeeze %dma_wait3A_147 : memref<1x40x512xf32, #tpu.memory_space<vmem>> -> memref<40x512xf32, #tpu.memory_space<vmem>>
      %dma_wait3A_149 = arith.constant 0 : i32
      %dma_wait3A_150 = arith.constant 0 : i32
      %dma_wait3A_151 = tpu.memref_slice %arg2[%dma_wait3A_149, %dma_wait3A_150] : memref<8192x512xf32, #tpu.memory_space<hbm>> -> memref<40x512xf32, #tpu.memory_space<hbm>>
      %dma_wait3A_152 = arith.constant 0 : i32
      %dma_wait3A_153 = arith.constant 0 : i32
      %dma_wait3A_154 = tpu.memref_slice %arg9[%dma_wait3A_144, %dma_wait3A_152, %dma_wait3A_153] : memref<2x40x512xf32, #tpu.memory_space<vmem>> -> memref<1x40x512xf32, #tpu.memory_space<vmem>>
      %dma_wait3A_155 = tpu.memref_squeeze %dma_wait3A_154 : memref<1x40x512xf32, #tpu.memory_space<vmem>> -> memref<40x512xf32, #tpu.memory_space<vmem>>
      %dma_wait3A_156 = arith.constant 0 : i32
      %dma_wait3A_157 = arith.constant 0 : i32
      %dma_wait3A_158 = tpu.memref_slice %arg2[%dma_wait3A_156, %dma_wait3A_157] : memref<8192x512xf32, #tpu.memory_space<hbm>> -> memref<40x512xf32, #tpu.memory_space<hbm>>
      tpu.wait_dma2 semaphore(%arg12 : memref<!tpu.dma_semaphore, #tpu.memory_space<semaphore_mem>>) src(%dma_wait3A_158 : memref<40x512xf32, #tpu.memory_space<hbm>>) dst(%dma_wait3A_155 : memref<40x512xf32, #tpu.memory_space<vmem>>)
      %dma_wait3A_159 = arith.constant 0 : i32
      %dma_wait3A_160 = tpu.memref_slice %arg4[%dma_wait3A_159] : memref<1310720xf32, #tpu.memory_space<hbm>> -> memref<320xf32, #tpu.memory_space<hbm>>
      %dma_wait3A_161 = arith.constant 0 : i32
      %dma_wait3A_162 = tpu.memref_slice %arg4[%dma_wait3A_161] : memref<1310720xf32, #tpu.memory_space<hbm>> -> memref<320xf32, #tpu.memory_space<hbm>>
      tpu.wait_dma2 semaphore(%arg12 : memref<!tpu.dma_semaphore, #tpu.memory_space<semaphore_mem>>) src(%dma_wait3A_162 : memref<320xf32, #tpu.memory_space<hbm>>) dst(%arg8 : memref<320xf32, #tpu.memory_space<vmem>>)
      %broadcast_in_dim3A_163 = arith.constant 0.000000e+00 : f32
      %broadcast_in_dim3A_164 = vector.broadcast %broadcast_in_dim3A_163 : f32 to vector<16xf32>
      %broadcast_in_dim3A_165 = arith.constant 0.000000e+00 : f32
      %broadcast_in_dim3A_166 = vector.broadcast %broadcast_in_dim3A_165 : f32 to vector<16xf32>
      %broadcast_in_dim3A_167 = arith.constant 0.000000e+00 : f32
      %broadcast_in_dim3A_168 = vector.broadcast %broadcast_in_dim3A_167 : f32 to vector<16xf32>
      %broadcast_in_dim3A_169 = arith.constant 0.000000e+00 : f32
      %broadcast_in_dim3A_170 = vector.broadcast %broadcast_in_dim3A_169 : f32 to vector<16xf32>
      %scan3A_171 = arith.constant 0 : i32
      %scan3A_172 = arith.constant 20 : i32
      %scan3A_173 = arith.addi %scan3A_171, %scan3A_172 : i32
      %scan3A_174 = arith.constant 1 : i32
      %scan3A_175:4 = scf.for %scan3A_231 = %scan3A_171 to %scan3A_173 step %scan3A_174 iter_args(%scan3A_232 = %broadcast_in_dim3A_164, %scan3A_233 = %broadcast_in_dim3A_166, %scan3A_234 = %broadcast_in_dim3A_168, %scan3A_235 = %broadcast_in_dim3A_170) -> (vector<16xf32>, vector<16xf32>, vector<16xf32>, vector<16xf32>)  : i32 {
        %add3A_236 = arith.constant 0 : i32
        %add3A_237 = arith.addi %add3A_236, %scan3A_231 : i32
        %mul3A_238 = arith.constant 8 : i32
        %mul3A_239 = arith.muli %scan3A_231, %mul3A_238 : i32
        %add3A_240 = arith.constant 0 : i32
        %add3A_241 = arith.addi %add3A_240, %mul3A_239 : i32
        %add3A_242 = arith.constant 0 : i32
        %add3A_243 = arith.addi %add3A_241, %add3A_242 : i32
        %broadcast_in_dim3A_244 = vector.broadcast %add3A_243 : i32 to vector<16xi32>
        %gather3A = tpu.vector_load_idx %arg8[%broadcast_in_dim3A_244] : memref<320xf32, #tpu.memory_space<vmem>>[vector<16xi32>], vector<16xf32>,
        %get3A = arith.constant 1 : i32
        %get3A_245 = arith.index_cast %get3A : i32 to index
        %get3A_246 = arith.index_cast %add3A_237 : i32 to index
        %get3A_247 = arith.constant 0 : index
        %get3A_248 = tpu.vector_load %arg9[%get3A_245, %get3A_246, %get3A_247] {strides = array<i32>} : memref<2x40x512xf32, #tpu.memory_space<vmem>>, vector<16xf32>,
        %mul3A_249 = arith.mulf %gather3A, %get3A_248 : vector<16xf32>
        %add3A_250 = arith.addf %scan3A_232, %mul3A_249 : vector<16xf32>
        %get3A_251 = arith.constant 1 : i32
        %get3A_252 = arith.index_cast %get3A_251 : i32 to index
        %get3A_253 = arith.index_cast %add3A_237 : i32 to index
        %get3A_254 = arith.constant 16 : index
        %get3A_255 = tpu.vector_load %arg9[%get3A_252, %get3A_253, %get3A_254] {strides = array<i32>} : memref<2x40x512xf32, #tpu.memory_space<vmem>>, vector<16xf32>,
        %mul3A_256 = arith.mulf %gather3A, %get3A_255 : vector<16xf32>
        %add3A_257 = arith.addf %scan3A_233, %mul3A_256 : vector<16xf32>
        %get3A_258 = arith.constant 1 : i32
        %get3A_259 = arith.index_cast %get3A_258 : i32 to index
        %get3A_260 = arith.index_cast %add3A_237 : i32 to index
        %get3A_261 = arith.constant 32 : index
        %get3A_262 = tpu.vector_load %arg9[%get3A_259, %get3A_260, %get3A_261] {strides = array<i32>} : memref<2x40x512xf32, #tpu.memory_space<vmem>>, vector<16xf32>,
        %mul3A_263 = arith.mulf %gather3A, %get3A_262 : vector<16xf32>
        %add3A_264 = arith.addf %scan3A_234, %mul3A_263 : vector<16xf32>
        %get3A_265 = arith.constant 1 : i32
        %get3A_266 = arith.index_cast %get3A_265 : i32 to index
        %get3A_267 = arith.index_cast %add3A_237 : i32 to index
        %get3A_268 = arith.constant 48 : index
        %get3A_269 = tpu.vector_load %arg9[%get3A_266, %get3A_267, %get3A_268] {strides = array<i32>} : memref<2x40x512xf32, #tpu.memory_space<vmem>>, vector<16xf32>,
        %mul3A_270 = arith.mulf %gather3A, %get3A_269 : vector<16xf32>
        %add3A_271 = arith.addf %scan3A_235, %mul3A_270 : vector<16xf32>
        %mul3A_272 = arith.constant 8 : i32
        %mul3A_273 = arith.muli %scan3A_231, %mul3A_272 : i32
        %add3A_274 = arith.constant 0 : i32
        %add3A_275 = arith.addi %add3A_274, %mul3A_273 : i32
        %add3A_276 = arith.constant 1 : i32
        %add3A_277 = arith.addi %add3A_275, %add3A_276 : i32
        %broadcast_in_dim3A_278 = vector.broadcast %add3A_277 : i32 to vector<16xi32>
        %gather3A_279 = tpu.vector_load_idx %arg8[%broadcast_in_dim3A_278] : memref<320xf32, #tpu.memory_space<vmem>>[vector<16xi32>], vector<16xf32>,
        %get3A_280 = arith.constant 1 : i32
        %get3A_281 = arith.index_cast %get3A_280 : i32 to index
        %get3A_282 = arith.index_cast %add3A_237 : i32 to index
        %get3A_283 = arith.constant 64 : index
        %get3A_284 = tpu.vector_load %arg9[%get3A_281, %get3A_282, %get3A_283] {strides = array<i32>} : memref<2x40x512xf32, #tpu.memory_space<vmem>>, vector<16xf32>,
        %mul3A_285 = arith.mulf %gather3A_279, %get3A_284 : vector<16xf32>
        %add3A_286 = arith.addf %add3A_250, %mul3A_285 : vector<16xf32>
        %get3A_287 = arith.constant 1 : i32
        %get3A_288 = arith.index_cast %get3A_287 : i32 to index
        %get3A_289 = arith.index_cast %add3A_237 : i32 to index
        %get3A_290 = arith.constant 80 : index
        %get3A_291 = tpu.vector_load %arg9[%get3A_288, %get3A_289, %get3A_290] {strides = array<i32>} : memref<2x40x512xf32, #tpu.memory_space<vmem>>, vector<16xf32>,
        %mul3A_292 = arith.mulf %gather3A_279, %get3A_291 : vector<16xf32>
        %add3A_293 = arith.addf %add3A_257, %mul3A_292 : vector<16xf32>
        %get3A_294 = arith.constant 1 : i32
        %get3A_295 = arith.index_cast %get3A_294 : i32 to index
        %get3A_296 = arith.index_cast %add3A_237 : i32 to index
        %get3A_297 = arith.constant 96 : index
        %get3A_298 = tpu.vector_load %arg9[%get3A_295, %get3A_296, %get3A_297] {strides = array<i32>} : memref<2x40x512xf32, #tpu.memory_space<vmem>>, vector<16xf32>,
        %mul3A_299 = arith.mulf %gather3A_279, %get3A_298 : vector<16xf32>
        %add3A_300 = arith.addf %add3A_264, %mul3A_299 : vector<16xf32>
        %get3A_301 = arith.constant 1 : i32
        %get3A_302 = arith.index_cast %get3A_301 : i32 to index
        %get3A_303 = arith.index_cast %add3A_237 : i32 to index
        %get3A_304 = arith.constant 112 : index
        %get3A_305 = tpu.vector_load %arg9[%get3A_302, %get3A_303, %get3A_304] {strides = array<i32>} : memref<2x40x512xf32, #tpu.memory_space<vmem>>, vector<16xf32>,
        %mul3A_306 = arith.mulf %gather3A_279, %get3A_305 : vector<16xf32>
        %add3A_307 = arith.addf %add3A_271, %mul3A_306 : vector<16xf32>
        %mul3A_308 = arith.constant 8 : i32
        %mul3A_309 = arith.muli %scan3A_231, %mul3A_308 : i32
        %add3A_310 = arith.constant 0 : i32
        %add3A_311 = arith.addi %add3A_310, %mul3A_309 : i32
        %add3A_312 = arith.constant 2 : i32
        %add3A_313 = arith.addi %add3A_311, %add3A_312 : i32
        %broadcast_in_dim3A_314 = vector.broadcast %add3A_313 : i32 to vector<16xi32>
        %gather3A_315 = tpu.vector_load_idx %arg8[%broadcast_in_dim3A_314] : memref<320xf32, #tpu.memory_space<vmem>>[vector<16xi32>], vector<16xf32>,
        %get3A_316 = arith.constant 1 : i32
        %get3A_317 = arith.index_cast %get3A_316 : i32 to index
        %get3A_318 = arith.index_cast %add3A_237 : i32 to index
        %get3A_319 = arith.constant 128 : index
        %get3A_320 = tpu.vector_load %arg9[%get3A_317, %get3A_318, %get3A_319] {strides = array<i32>} : memref<2x40x512xf32, #tpu.memory_space<vmem>>, vector<16xf32>,
        %mul3A_321 = arith.mulf %gather3A_315, %get3A_320 : vector<16xf32>
        %add3A_322 = arith.addf %add3A_286, %mul3A_321 : vector<16xf32>
        %get3A_323 = arith.constant 1 : i32
        %get3A_324 = arith.index_cast %get3A_323 : i32 to index
        %get3A_325 = arith.index_cast %add3A_237 : i32 to index
        %get3A_326 = arith.constant 144 : index
        %get3A_327 = tpu.vector_load %arg9[%get3A_324, %get3A_325, %get3A_326] {strides = array<i32>} : memref<2x40x512xf32, #tpu.memory_space<vmem>>, vector<16xf32>,
        %mul3A_328 = arith.mulf %gather3A_315, %get3A_327 : vector<16xf32>
        %add3A_329 = arith.addf %add3A_293, %mul3A_328 : vector<16xf32>
        %get3A_330 = arith.constant 1 : i32
        %get3A_331 = arith.index_cast %get3A_330 : i32 to index
        %get3A_332 = arith.index_cast %add3A_237 : i32 to index
        %get3A_333 = arith.constant 160 : index
        %get3A_334 = tpu.vector_load %arg9[%get3A_331, %get3A_332, %get3A_333] {strides = array<i32>} : memref<2x40x512xf32, #tpu.memory_space<vmem>>, vector<16xf32>,
        %mul3A_335 = arith.mulf %gather3A_315, %get3A_334 : vector<16xf32>
        %add3A_336 = arith.addf %add3A_300, %mul3A_335 : vector<16xf32>
        %get3A_337 = arith.constant 1 : i32
        %get3A_338 = arith.index_cast %get3A_337 : i32 to index
        %get3A_339 = arith.index_cast %add3A_237 : i32 to index
        %get3A_340 = arith.constant 176 : index
        %get3A_341 = tpu.vector_load %arg9[%get3A_338, %get3A_339, %get3A_340] {strides = array<i32>} : memref<2x40x512xf32, #tpu.memory_space<vmem>>, vector<16xf32>,
        %mul3A_342 = arith.mulf %gather3A_315, %get3A_341 : vector<16xf32>
        %add3A_343 = arith.addf %add3A_307, %mul3A_342 : vector<16xf32>
        %mul3A_344 = arith.constant 8 : i32
        %mul3A_345 = arith.muli %scan3A_231, %mul3A_344 : i32
        %add3A_346 = arith.constant 0 : i32
        %add3A_347 = arith.addi %add3A_346, %mul3A_345 : i32
        %add3A_348 = arith.constant 3 : i32
        %add3A_349 = arith.addi %add3A_347, %add3A_348 : i32
        %broadcast_in_dim3A_350 = vector.broadcast %add3A_349 : i32 to vector<16xi32>
        %gather3A_351 = tpu.vector_load_idx %arg8[%broadcast_in_dim3A_350] : memref<320xf32, #tpu.memory_space<vmem>>[vector<16xi32>], vector<16xf32>,
        %get3A_352 = arith.constant 1 : i32
        %get3A_353 = arith.index_cast %get3A_352 : i32 to index
        %get3A_354 = arith.index_cast %add3A_237 : i32 to index
        %get3A_355 = arith.constant 192 : index
        %get3A_356 = tpu.vector_load %arg9[%get3A_353, %get3A_354, %get3A_355] {strides = array<i32>} : memref<2x40x512xf32, #tpu.memory_space<vmem>>, vector<16xf32>,
        %mul3A_357 = arith.mulf %gather3A_351, %get3A_356 : vector<16xf32>
        %add3A_358 = arith.addf %add3A_322, %mul3A_357 : vector<16xf32>
        %get3A_359 = arith.constant 1 : i32
        %get3A_360 = arith.index_cast %get3A_359 : i32 to index
        %get3A_361 = arith.index_cast %add3A_237 : i32 to index
        %get3A_362 = arith.constant 208 : index
        %get3A_363 = tpu.vector_load %arg9[%get3A_360, %get3A_361, %get3A_362] {strides = array<i32>} : memref<2x40x512xf32, #tpu.memory_space<vmem>>, vector<16xf32>,
        %mul3A_364 = arith.mulf %gather3A_351, %get3A_363 : vector<16xf32>
        %add3A_365 = arith.addf %add3A_329, %mul3A_364 : vector<16xf32>
        %get3A_366 = arith.constant 1 : i32
        %get3A_367 = arith.index_cast %get3A_366 : i32 to index
        %get3A_368 = arith.index_cast %add3A_237 : i32 to index
        %get3A_369 = arith.constant 224 : index
        %get3A_370 = tpu.vector_load %arg9[%get3A_367, %get3A_368, %get3A_369] {strides = array<i32>} : memref<2x40x512xf32, #tpu.memory_space<vmem>>, vector<16xf32>,
        %mul3A_371 = arith.mulf %gather3A_351, %get3A_370 : vector<16xf32>
        %add3A_372 = arith.addf %add3A_336, %mul3A_371 : vector<16xf32>
        %get3A_373 = arith.constant 1 : i32
        %get3A_374 = arith.index_cast %get3A_373 : i32 to index
        %get3A_375 = arith.index_cast %add3A_237 : i32 to index
        %get3A_376 = arith.constant 240 : index
        %get3A_377 = tpu.vector_load %arg9[%get3A_374, %get3A_375, %get3A_376] {strides = array<i32>} : memref<2x40x512xf32, #tpu.memory_space<vmem>>, vector<16xf32>,
        %mul3A_378 = arith.mulf %gather3A_351, %get3A_377 : vector<16xf32>
        %add3A_379 = arith.addf %add3A_343, %mul3A_378 : vector<16xf32>
        %mul3A_380 = arith.constant 8 : i32
        %mul3A_381 = arith.muli %scan3A_231, %mul3A_380 : i32
        %add3A_382 = arith.constant 0 : i32
        %add3A_383 = arith.addi %add3A_382, %mul3A_381 : i32
        %add3A_384 = arith.constant 4 : i32
        %add3A_385 = arith.addi %add3A_383, %add3A_384 : i32
        %broadcast_in_dim3A_386 = vector.broadcast %add3A_385 : i32 to vector<16xi32>
        %gather3A_387 = tpu.vector_load_idx %arg8[%broadcast_in_dim3A_386] : memref<320xf32, #tpu.memory_space<vmem>>[vector<16xi32>], vector<16xf32>,
        %get3A_388 = arith.constant 1 : i32
        %get3A_389 = arith.index_cast %get3A_388 : i32 to index
        %get3A_390 = arith.index_cast %add3A_237 : i32 to index
        %get3A_391 = arith.constant 256 : index
        %get3A_392 = tpu.vector_load %arg9[%get3A_389, %get3A_390, %get3A_391] {strides = array<i32>} : memref<2x40x512xf32, #tpu.memory_space<vmem>>, vector<16xf32>,
        %mul3A_393 = arith.mulf %gather3A_387, %get3A_392 : vector<16xf32>
        %add3A_394 = arith.addf %add3A_358, %mul3A_393 : vector<16xf32>
        %get3A_395 = arith.constant 1 : i32
        %get3A_396 = arith.index_cast %get3A_395 : i32 to index
        %get3A_397 = arith.index_cast %add3A_237 : i32 to index
        %get3A_398 = arith.constant 272 : index
        %get3A_399 = tpu.vector_load %arg9[%get3A_396, %get3A_397, %get3A_398] {strides = array<i32>} : memref<2x40x512xf32, #tpu.memory_space<vmem>>, vector<16xf32>,
        %mul3A_400 = arith.mulf %gather3A_387, %get3A_399 : vector<16xf32>
        %add3A_401 = arith.addf %add3A_365, %mul3A_400 : vector<16xf32>
        %get3A_402 = arith.constant 1 : i32
        %get3A_403 = arith.index_cast %get3A_402 : i32 to index
        %get3A_404 = arith.index_cast %add3A_237 : i32 to index
        %get3A_405 = arith.constant 288 : index
        %get3A_406 = tpu.vector_load %arg9[%get3A_403, %get3A_404, %get3A_405] {strides = array<i32>} : memref<2x40x512xf32, #tpu.memory_space<vmem>>, vector<16xf32>,
        %mul3A_407 = arith.mulf %gather3A_387, %get3A_406 : vector<16xf32>
        %add3A_408 = arith.addf %add3A_372, %mul3A_407 : vector<16xf32>
        %get3A_409 = arith.constant 1 : i32
        %get3A_410 = arith.index_cast %get3A_409 : i32 to index
        %get3A_411 = arith.index_cast %add3A_237 : i32 to index
        %get3A_412 = arith.constant 304 : index
        %get3A_413 = tpu.vector_load %arg9[%get3A_410, %get3A_411, %get3A_412] {strides = array<i32>} : memref<2x40x512xf32, #tpu.memory_space<vmem>>, vector<16xf32>,
        %mul3A_414 = arith.mulf %gather3A_387, %get3A_413 : vector<16xf32>
        %add3A_415 = arith.addf %add3A_379, %mul3A_414 : vector<16xf32>
        %mul3A_416 = arith.constant 8 : i32
        %mul3A_417 = arith.muli %scan3A_231, %mul3A_416 : i32
        %add3A_418 = arith.constant 0 : i32
        %add3A_419 = arith.addi %add3A_418, %mul3A_417 : i32
        %add3A_420 = arith.constant 5 : i32
        %add3A_421 = arith.addi %add3A_419, %add3A_420 : i32
        %broadcast_in_dim3A_422 = vector.broadcast %add3A_421 : i32 to vector<16xi32>
        %gather3A_423 = tpu.vector_load_idx %arg8[%broadcast_in_dim3A_422] : memref<320xf32, #tpu.memory_space<vmem>>[vector<16xi32>], vector<16xf32>,
        %get3A_424 = arith.constant 1 : i32
        %get3A_425 = arith.index_cast %get3A_424 : i32 to index
        %get3A_426 = arith.index_cast %add3A_237 : i32 to index
        %get3A_427 = arith.constant 320 : index
        %get3A_428 = tpu.vector_load %arg9[%get3A_425, %get3A_426, %get3A_427] {strides = array<i32>} : memref<2x40x512xf32, #tpu.memory_space<vmem>>, vector<16xf32>,
        %mul3A_429 = arith.mulf %gather3A_423, %get3A_428 : vector<16xf32>
        %add3A_430 = arith.addf %add3A_394, %mul3A_429 : vector<16xf32>
        %get3A_431 = arith.constant 1 : i32
        %get3A_432 = arith.index_cast %get3A_431 : i32 to index
        %get3A_433 = arith.index_cast %add3A_237 : i32 to index
        %get3A_434 = arith.constant 336 : index
        %get3A_435 = tpu.vector_load %arg9[%get3A_432, %get3A_433, %get3A_434] {strides = array<i32>} : memref<2x40x512xf32, #tpu.memory_space<vmem>>, vector<16xf32>,
        %mul3A_436 = arith.mulf %gather3A_423, %get3A_435 : vector<16xf32>
        %add3A_437 = arith.addf %add3A_401, %mul3A_436 : vector<16xf32>
        %get3A_438 = arith.constant 1 : i32
        %get3A_439 = arith.index_cast %get3A_438 : i32 to index
        %get3A_440 = arith.index_cast %add3A_237 : i32 to index
        %get3A_441 = arith.constant 352 : index
        %get3A_442 = tpu.vector_load %arg9[%get3A_439, %get3A_440, %get3A_441] {strides = array<i32>} : memref<2x40x512xf32, #tpu.memory_space<vmem>>, vector<16xf32>,
        %mul3A_443 = arith.mulf %gather3A_423, %get3A_442 : vector<16xf32>
        %add3A_444 = arith.addf %add3A_408, %mul3A_443 : vector<16xf32>
        %get3A_445 = arith.constant 1 : i32
        %get3A_446 = arith.index_cast %get3A_445 : i32 to index
        %get3A_447 = arith.index_cast %add3A_237 : i32 to index
        %get3A_448 = arith.constant 368 : index
        %get3A_449 = tpu.vector_load %arg9[%get3A_446, %get3A_447, %get3A_448] {strides = array<i32>} : memref<2x40x512xf32, #tpu.memory_space<vmem>>, vector<16xf32>,
        %mul3A_450 = arith.mulf %gather3A_423, %get3A_449 : vector<16xf32>
        %add3A_451 = arith.addf %add3A_415, %mul3A_450 : vector<16xf32>
        %mul3A_452 = arith.constant 8 : i32
        %mul3A_453 = arith.muli %scan3A_231, %mul3A_452 : i32
        %add3A_454 = arith.constant 0 : i32
        %add3A_455 = arith.addi %add3A_454, %mul3A_453 : i32
        %add3A_456 = arith.constant 6 : i32
        %add3A_457 = arith.addi %add3A_455, %add3A_456 : i32
        %broadcast_in_dim3A_458 = vector.broadcast %add3A_457 : i32 to vector<16xi32>
        %gather3A_459 = tpu.vector_load_idx %arg8[%broadcast_in_dim3A_458] : memref<320xf32, #tpu.memory_space<vmem>>[vector<16xi32>], vector<16xf32>,
        %get3A_460 = arith.constant 1 : i32
        %get3A_461 = arith.index_cast %get3A_460 : i32 to index
        %get3A_462 = arith.index_cast %add3A_237 : i32 to index
        %get3A_463 = arith.constant 384 : index
        %get3A_464 = tpu.vector_load %arg9[%get3A_461, %get3A_462, %get3A_463] {strides = array<i32>} : memref<2x40x512xf32, #tpu.memory_space<vmem>>, vector<16xf32>,
        %mul3A_465 = arith.mulf %gather3A_459, %get3A_464 : vector<16xf32>
        %add3A_466 = arith.addf %add3A_430, %mul3A_465 : vector<16xf32>
        %get3A_467 = arith.constant 1 : i32
        %get3A_468 = arith.index_cast %get3A_467 : i32 to index
        %get3A_469 = arith.index_cast %add3A_237 : i32 to index
        %get3A_470 = arith.constant 400 : index
        %get3A_471 = tpu.vector_load %arg9[%get3A_468, %get3A_469, %get3A_470] {strides = array<i32>} : memref<2x40x512xf32, #tpu.memory_space<vmem>>, vector<16xf32>,
        %mul3A_472 = arith.mulf %gather3A_459, %get3A_471 : vector<16xf32>
        %add3A_473 = arith.addf %add3A_437, %mul3A_472 : vector<16xf32>
        %get3A_474 = arith.constant 1 : i32
        %get3A_475 = arith.index_cast %get3A_474 : i32 to index
        %get3A_476 = arith.index_cast %add3A_237 : i32 to index
        %get3A_477 = arith.constant 416 : index
        %get3A_478 = tpu.vector_load %arg9[%get3A_475, %get3A_476, %get3A_477] {strides = array<i32>} : memref<2x40x512xf32, #tpu.memory_space<vmem>>, vector<16xf32>,
        %mul3A_479 = arith.mulf %gather3A_459, %get3A_478 : vector<16xf32>
        %add3A_480 = arith.addf %add3A_444, %mul3A_479 : vector<16xf32>
        %get3A_481 = arith.constant 1 : i32
        %get3A_482 = arith.index_cast %get3A_481 : i32 to index
        %get3A_483 = arith.index_cast %add3A_237 : i32 to index
        %get3A_484 = arith.constant 432 : index
        %get3A_485 = tpu.vector_load %arg9[%get3A_482, %get3A_483, %get3A_484] {strides = array<i32>} : memref<2x40x512xf32, #tpu.memory_space<vmem>>, vector<16xf32>,
        %mul3A_486 = arith.mulf %gather3A_459, %get3A_485 : vector<16xf32>
        %add3A_487 = arith.addf %add3A_451, %mul3A_486 : vector<16xf32>
        %mul3A_488 = arith.constant 8 : i32
        %mul3A_489 = arith.muli %scan3A_231, %mul3A_488 : i32
        %add3A_490 = arith.constant 0 : i32
        %add3A_491 = arith.addi %add3A_490, %mul3A_489 : i32
        %add3A_492 = arith.constant 7 : i32
        %add3A_493 = arith.addi %add3A_491, %add3A_492 : i32
        %broadcast_in_dim3A_494 = vector.broadcast %add3A_493 : i32 to vector<16xi32>
        %gather3A_495 = tpu.vector_load_idx %arg8[%broadcast_in_dim3A_494] : memref<320xf32, #tpu.memory_space<vmem>>[vector<16xi32>], vector<16xf32>,
        %get3A_496 = arith.constant 1 : i32
        %get3A_497 = arith.index_cast %get3A_496 : i32 to index
        %get3A_498 = arith.index_cast %add3A_237 : i32 to index
        %get3A_499 = arith.constant 448 : index
        %get3A_500 = tpu.vector_load %arg9[%get3A_497, %get3A_498, %get3A_499] {strides = array<i32>} : memref<2x40x512xf32, #tpu.memory_space<vmem>>, vector<16xf32>,
        %mul3A_501 = arith.mulf %gather3A_495, %get3A_500 : vector<16xf32>
        %add3A_502 = arith.addf %add3A_466, %mul3A_501 : vector<16xf32>
        %get3A_503 = arith.constant 1 : i32
        %get3A_504 = arith.index_cast %get3A_503 : i32 to index
        %get3A_505 = arith.index_cast %add3A_237 : i32 to index
        %get3A_506 = arith.constant 464 : index
        %get3A_507 = tpu.vector_load %arg9[%get3A_504, %get3A_505, %get3A_506] {strides = array<i32>} : memref<2x40x512xf32, #tpu.memory_space<vmem>>, vector<16xf32>,
        %mul3A_508 = arith.mulf %gather3A_495, %get3A_507 : vector<16xf32>
        %add3A_509 = arith.addf %add3A_473, %mul3A_508 : vector<16xf32>
        %get3A_510 = arith.constant 1 : i32
        %get3A_511 = arith.index_cast %get3A_510 : i32 to index
        %get3A_512 = arith.index_cast %add3A_237 : i32 to index
        %get3A_513 = arith.constant 480 : index
        %get3A_514 = tpu.vector_load %arg9[%get3A_511, %get3A_512, %get3A_513] {strides = array<i32>} : memref<2x40x512xf32, #tpu.memory_space<vmem>>, vector<16xf32>,
        %mul3A_515 = arith.mulf %gather3A_495, %get3A_514 : vector<16xf32>
        %add3A_516 = arith.addf %add3A_480, %mul3A_515 : vector<16xf32>
        %get3A_517 = arith.constant 1 : i32
        %get3A_518 = arith.index_cast %get3A_517 : i32 to index
        %get3A_519 = arith.index_cast %add3A_237 : i32 to index
        %get3A_520 = arith.constant 496 : index
        %get3A_521 = tpu.vector_load %arg9[%get3A_518, %get3A_519, %get3A_520] {strides = array<i32>} : memref<2x40x512xf32, #tpu.memory_space<vmem>>, vector<16xf32>,
        %mul3A_522 = arith.mulf %gather3A_495, %get3A_521 : vector<16xf32>
        %add3A_523 = arith.addf %add3A_487, %mul3A_522 : vector<16xf32>
        scf.yield %add3A_502, %add3A_509, %add3A_516, %add3A_523 : vector<16xf32>, vector<16xf32>, vector<16xf32>, vector<16xf32>
      }
      %scan3A_176 = arith.constant 20 : i32
      %mul3A_177 = arith.constant 2 : i32
      %mul3A_178 = arith.muli %add3A_143, %mul3A_177 : i32
      %add3A_179 = arith.constant 0 : i32
      %add3A_180 = arith.addi %mul3A_178, %add3A_179 : i32
      %swap3A_181 = arith.index_cast %add3A_180 : i32 to index
      %swap3A_182 = arith.constant 0 : index
      %swap3A_183 = tpu.vector_load %arg10[%swap3A_181, %swap3A_182] {strides = array<i32>} : memref<256x64xf32, #tpu.memory_space<vmem>>, vector<16xf32>,
      tpu.vector_store %arg10[%swap3A_181, %swap3A_182], %scan3A_175#0 {strides = array<i32>} : memref<256x64xf32, #tpu.memory_space<vmem>>, vector<16xf32>,
      %swap3A_184 = arith.index_cast %add3A_180 : i32 to index
      %swap3A_185 = arith.constant 16 : index
      %swap3A_186 = tpu.vector_load %arg10[%swap3A_184, %swap3A_185] {strides = array<i32>} : memref<256x64xf32, #tpu.memory_space<vmem>>, vector<16xf32>,
      tpu.vector_store %arg10[%swap3A_184, %swap3A_185], %scan3A_175#1 {strides = array<i32>} : memref<256x64xf32, #tpu.memory_space<vmem>>, vector<16xf32>,
      %swap3A_187 = arith.index_cast %add3A_180 : i32 to index
      %swap3A_188 = arith.constant 32 : index
      %swap3A_189 = tpu.vector_load %arg10[%swap3A_187, %swap3A_188] {strides = array<i32>} : memref<256x64xf32, #tpu.memory_space<vmem>>, vector<16xf32>,
      tpu.vector_store %arg10[%swap3A_187, %swap3A_188], %scan3A_175#2 {strides = array<i32>} : memref<256x64xf32, #tpu.memory_space<vmem>>, vector<16xf32>,
      %swap3A_190 = arith.index_cast %add3A_180 : i32 to index
      %swap3A_191 = arith.constant 48 : index
      %swap3A_192 = tpu.vector_load %arg10[%swap3A_190, %swap3A_191] {strides = array<i32>} : memref<256x64xf32, #tpu.memory_space<vmem>>, vector<16xf32>,
      tpu.vector_store %arg10[%swap3A_190, %swap3A_191], %scan3A_175#3 {strides = array<i32>} : memref<256x64xf32, #tpu.memory_space<vmem>>, vector<16xf32>,
      %broadcast_in_dim3A_193 = arith.constant 0.000000e+00 : f32
      %broadcast_in_dim3A_194 = vector.broadcast %broadcast_in_dim3A_193 : f32 to vector<16xf32>
      %broadcast_in_dim3A_195 = arith.constant 0.000000e+00 : f32
      %broadcast_in_dim3A_196 = vector.broadcast %broadcast_in_dim3A_195 : f32 to vector<16xf32>
      %broadcast_in_dim3A_197 = arith.constant 0.000000e+00 : f32
      %broadcast_in_dim3A_198 = vector.broadcast %broadcast_in_dim3A_197 : f32 to vector<16xf32>
      %broadcast_in_dim3A_199 = arith.constant 0.000000e+00 : f32
      %broadcast_in_dim3A_200 = vector.broadcast %broadcast_in_dim3A_199 : f32 to vector<16xf32>
      %scan3A_201 = arith.constant 0 : i32
      %scan3A_202 = arith.constant 20 : i32
      %scan3A_203 = arith.addi %scan3A_201, %scan3A_202 : i32
      %scan3A_204 = arith.constant 1 : i32
      %scan3A_205:4 = scf.for %scan3A_231 = %scan3A_201 to %scan3A_203 step %scan3A_204 iter_args(%scan3A_232 = %broadcast_in_dim3A_194, %scan3A_233 = %broadcast_in_dim3A_196, %scan3A_234 = %broadcast_in_dim3A_198, %scan3A_235 = %broadcast_in_dim3A_200) -> (vector<16xf32>, vector<16xf32>, vector<16xf32>, vector<16xf32>)  : i32 {
        %add3A_236 = arith.constant 20 : i32
        %add3A_237 = arith.addi %add3A_236, %scan3A_231 : i32
        %mul3A_238 = arith.constant 8 : i32
        %mul3A_239 = arith.muli %scan3A_231, %mul3A_238 : i32
        %add3A_240 = arith.constant 160 : i32
        %add3A_241 = arith.addi %add3A_240, %mul3A_239 : i32
        %add3A_242 = arith.constant 0 : i32
        %add3A_243 = arith.addi %add3A_241, %add3A_242 : i32
        %broadcast_in_dim3A_244 = vector.broadcast %add3A_243 : i32 to vector<16xi32>
        %gather3A = tpu.vector_load_idx %arg8[%broadcast_in_dim3A_244] : memref<320xf32, #tpu.memory_space<vmem>>[vector<16xi32>], vector<16xf32>,
        %get3A = arith.constant 1 : i32
        %get3A_245 = arith.index_cast %get3A : i32 to index
        %get3A_246 = arith.index_cast %add3A_237 : i32 to index
        %get3A_247 = arith.constant 0 : index
        %get3A_248 = tpu.vector_load %arg9[%get3A_245, %get3A_246, %get3A_247] {strides = array<i32>} : memref<2x40x512xf32, #tpu.memory_space<vmem>>, vector<16xf32>,
        %mul3A_249 = arith.mulf %gather3A, %get3A_248 : vector<16xf32>
        %add3A_250 = arith.addf %scan3A_232, %mul3A_249 : vector<16xf32>
        %get3A_251 = arith.constant 1 : i32
        %get3A_252 = arith.index_cast %get3A_251 : i32 to index
        %get3A_253 = arith.index_cast %add3A_237 : i32 to index
        %get3A_254 = arith.constant 16 : index
        %get3A_255 = tpu.vector_load %arg9[%get3A_252, %get3A_253, %get3A_254] {strides = array<i32>} : memref<2x40x512xf32, #tpu.memory_space<vmem>>, vector<16xf32>,
        %mul3A_256 = arith.mulf %gather3A, %get3A_255 : vector<16xf32>
        %add3A_257 = arith.addf %scan3A_233, %mul3A_256 : vector<16xf32>
        %get3A_258 = arith.constant 1 : i32
        %get3A_259 = arith.index_cast %get3A_258 : i32 to index
        %get3A_260 = arith.index_cast %add3A_237 : i32 to index
        %get3A_261 = arith.constant 32 : index
        %get3A_262 = tpu.vector_load %arg9[%get3A_259, %get3A_260, %get3A_261] {strides = array<i32>} : memref<2x40x512xf32, #tpu.memory_space<vmem>>, vector<16xf32>,
        %mul3A_263 = arith.mulf %gather3A, %get3A_262 : vector<16xf32>
        %add3A_264 = arith.addf %scan3A_234, %mul3A_263 : vector<16xf32>
        %get3A_265 = arith.constant 1 : i32
        %get3A_266 = arith.index_cast %get3A_265 : i32 to index
        %get3A_267 = arith.index_cast %add3A_237 : i32 to index
        %get3A_268 = arith.constant 48 : index
        %get3A_269 = tpu.vector_load %arg9[%get3A_266, %get3A_267, %get3A_268] {strides = array<i32>} : memref<2x40x512xf32, #tpu.memory_space<vmem>>, vector<16xf32>,
        %mul3A_270 = arith.mulf %gather3A, %get3A_269 : vector<16xf32>
        %add3A_271 = arith.addf %scan3A_235, %mul3A_270 : vector<16xf32>
        %mul3A_272 = arith.constant 8 : i32
        %mul3A_273 = arith.muli %scan3A_231, %mul3A_272 : i32
        %add3A_274 = arith.constant 160 : i32
        %add3A_275 = arith.addi %add3A_274, %mul3A_273 : i32
        %add3A_276 = arith.constant 1 : i32
        %add3A_277 = arith.addi %add3A_275, %add3A_276 : i32
        %broadcast_in_dim3A_278 = vector.broadcast %add3A_277 : i32 to vector<16xi32>
        %gather3A_279 = tpu.vector_load_idx %arg8[%broadcast_in_dim3A_278] : memref<320xf32, #tpu.memory_space<vmem>>[vector<16xi32>], vector<16xf32>,
        %get3A_280 = arith.constant 1 : i32
        %get3A_281 = arith.index_cast %get3A_280 : i32 to index
        %get3A_282 = arith.index_cast %add3A_237 : i32 to index
        %get3A_283 = arith.constant 64 : index
        %get3A_284 = tpu.vector_load %arg9[%get3A_281, %get3A_282, %get3A_283] {strides = array<i32>} : memref<2x40x512xf32, #tpu.memory_space<vmem>>, vector<16xf32>,
        %mul3A_285 = arith.mulf %gather3A_279, %get3A_284 : vector<16xf32>
        %add3A_286 = arith.addf %add3A_250, %mul3A_285 : vector<16xf32>
        %get3A_287 = arith.constant 1 : i32
        %get3A_288 = arith.index_cast %get3A_287 : i32 to index
        %get3A_289 = arith.index_cast %add3A_237 : i32 to index
        %get3A_290 = arith.constant 80 : index
        %get3A_291 = tpu.vector_load %arg9[%get3A_288, %get3A_289, %get3A_290] {strides = array<i32>} : memref<2x40x512xf32, #tpu.memory_space<vmem>>, vector<16xf32>,
        %mul3A_292 = arith.mulf %gather3A_279, %get3A_291 : vector<16xf32>
        %add3A_293 = arith.addf %add3A_257, %mul3A_292 : vector<16xf32>
        %get3A_294 = arith.constant 1 : i32
        %get3A_295 = arith.index_cast %get3A_294 : i32 to index
        %get3A_296 = arith.index_cast %add3A_237 : i32 to index
        %get3A_297 = arith.constant 96 : index
        %get3A_298 = tpu.vector_load %arg9[%get3A_295, %get3A_296, %get3A_297] {strides = array<i32>} : memref<2x40x512xf32, #tpu.memory_space<vmem>>, vector<16xf32>,
        %mul3A_299 = arith.mulf %gather3A_279, %get3A_298 : vector<16xf32>
        %add3A_300 = arith.addf %add3A_264, %mul3A_299 : vector<16xf32>
        %get3A_301 = arith.constant 1 : i32
        %get3A_302 = arith.index_cast %get3A_301 : i32 to index
        %get3A_303 = arith.index_cast %add3A_237 : i32 to index
        %get3A_304 = arith.constant 112 : index
        %get3A_305 = tpu.vector_load %arg9[%get3A_302, %get3A_303, %get3A_304] {strides = array<i32>} : memref<2x40x512xf32, #tpu.memory_space<vmem>>, vector<16xf32>,
        %mul3A_306 = arith.mulf %gather3A_279, %get3A_305 : vector<16xf32>
        %add3A_307 = arith.addf %add3A_271, %mul3A_306 : vector<16xf32>
        %mul3A_308 = arith.constant 8 : i32
        %mul3A_309 = arith.muli %scan3A_231, %mul3A_308 : i32
        %add3A_310 = arith.constant 160 : i32
        %add3A_311 = arith.addi %add3A_310, %mul3A_309 : i32
        %add3A_312 = arith.constant 2 : i32
        %add3A_313 = arith.addi %add3A_311, %add3A_312 : i32
        %broadcast_in_dim3A_314 = vector.broadcast %add3A_313 : i32 to vector<16xi32>
        %gather3A_315 = tpu.vector_load_idx %arg8[%broadcast_in_dim3A_314] : memref<320xf32, #tpu.memory_space<vmem>>[vector<16xi32>], vector<16xf32>,
        %get3A_316 = arith.constant 1 : i32
        %get3A_317 = arith.index_cast %get3A_316 : i32 to index
        %get3A_318 = arith.index_cast %add3A_237 : i32 to index
        %get3A_319 = arith.constant 128 : index
        %get3A_320 = tpu.vector_load %arg9[%get3A_317, %get3A_318, %get3A_319] {strides = array<i32>} : memref<2x40x512xf32, #tpu.memory_space<vmem>>, vector<16xf32>,
        %mul3A_321 = arith.mulf %gather3A_315, %get3A_320 : vector<16xf32>
        %add3A_322 = arith.addf %add3A_286, %mul3A_321 : vector<16xf32>
        %get3A_323 = arith.constant 1 : i32
        %get3A_324 = arith.index_cast %get3A_323 : i32 to index
        %get3A_325 = arith.index_cast %add3A_237 : i32 to index
        %get3A_326 = arith.constant 144 : index
        %get3A_327 = tpu.vector_load %arg9[%get3A_324, %get3A_325, %get3A_326] {strides = array<i32>} : memref<2x40x512xf32, #tpu.memory_space<vmem>>, vector<16xf32>,
        %mul3A_328 = arith.mulf %gather3A_315, %get3A_327 : vector<16xf32>
        %add3A_329 = arith.addf %add3A_293, %mul3A_328 : vector<16xf32>
        %get3A_330 = arith.constant 1 : i32
        %get3A_331 = arith.index_cast %get3A_330 : i32 to index
        %get3A_332 = arith.index_cast %add3A_237 : i32 to index
        %get3A_333 = arith.constant 160 : index
        %get3A_334 = tpu.vector_load %arg9[%get3A_331, %get3A_332, %get3A_333] {strides = array<i32>} : memref<2x40x512xf32, #tpu.memory_space<vmem>>, vector<16xf32>,
        %mul3A_335 = arith.mulf %gather3A_315, %get3A_334 : vector<16xf32>
        %add3A_336 = arith.addf %add3A_300, %mul3A_335 : vector<16xf32>
        %get3A_337 = arith.constant 1 : i32
        %get3A_338 = arith.index_cast %get3A_337 : i32 to index
        %get3A_339 = arith.index_cast %add3A_237 : i32 to index
        %get3A_340 = arith.constant 176 : index
        %get3A_341 = tpu.vector_load %arg9[%get3A_338, %get3A_339, %get3A_340] {strides = array<i32>} : memref<2x40x512xf32, #tpu.memory_space<vmem>>, vector<16xf32>,
        %mul3A_342 = arith.mulf %gather3A_315, %get3A_341 : vector<16xf32>
        %add3A_343 = arith.addf %add3A_307, %mul3A_342 : vector<16xf32>
        %mul3A_344 = arith.constant 8 : i32
        %mul3A_345 = arith.muli %scan3A_231, %mul3A_344 : i32
        %add3A_346 = arith.constant 160 : i32
        %add3A_347 = arith.addi %add3A_346, %mul3A_345 : i32
        %add3A_348 = arith.constant 3 : i32
        %add3A_349 = arith.addi %add3A_347, %add3A_348 : i32
        %broadcast_in_dim3A_350 = vector.broadcast %add3A_349 : i32 to vector<16xi32>
        %gather3A_351 = tpu.vector_load_idx %arg8[%broadcast_in_dim3A_350] : memref<320xf32, #tpu.memory_space<vmem>>[vector<16xi32>], vector<16xf32>,
        %get3A_352 = arith.constant 1 : i32
        %get3A_353 = arith.index_cast %get3A_352 : i32 to index
        %get3A_354 = arith.index_cast %add3A_237 : i32 to index
        %get3A_355 = arith.constant 192 : index
        %get3A_356 = tpu.vector_load %arg9[%get3A_353, %get3A_354, %get3A_355] {strides = array<i32>} : memref<2x40x512xf32, #tpu.memory_space<vmem>>, vector<16xf32>,
        %mul3A_357 = arith.mulf %gather3A_351, %get3A_356 : vector<16xf32>
        %add3A_358 = arith.addf %add3A_322, %mul3A_357 : vector<16xf32>
        %get3A_359 = arith.constant 1 : i32
        %get3A_360 = arith.index_cast %get3A_359 : i32 to index
        %get3A_361 = arith.index_cast %add3A_237 : i32 to index
        %get3A_362 = arith.constant 208 : index
        %get3A_363 = tpu.vector_load %arg9[%get3A_360, %get3A_361, %get3A_362] {strides = array<i32>} : memref<2x40x512xf32, #tpu.memory_space<vmem>>, vector<16xf32>,
        %mul3A_364 = arith.mulf %gather3A_351, %get3A_363 : vector<16xf32>
        %add3A_365 = arith.addf %add3A_329, %mul3A_364 : vector<16xf32>
        %get3A_366 = arith.constant 1 : i32
        %get3A_367 = arith.index_cast %get3A_366 : i32 to index
        %get3A_368 = arith.index_cast %add3A_237 : i32 to index
        %get3A_369 = arith.constant 224 : index
        %get3A_370 = tpu.vector_load %arg9[%get3A_367, %get3A_368, %get3A_369] {strides = array<i32>} : memref<2x40x512xf32, #tpu.memory_space<vmem>>, vector<16xf32>,
        %mul3A_371 = arith.mulf %gather3A_351, %get3A_370 : vector<16xf32>
        %add3A_372 = arith.addf %add3A_336, %mul3A_371 : vector<16xf32>
        %get3A_373 = arith.constant 1 : i32
        %get3A_374 = arith.index_cast %get3A_373 : i32 to index
        %get3A_375 = arith.index_cast %add3A_237 : i32 to index
        %get3A_376 = arith.constant 240 : index
        %get3A_377 = tpu.vector_load %arg9[%get3A_374, %get3A_375, %get3A_376] {strides = array<i32>} : memref<2x40x512xf32, #tpu.memory_space<vmem>>, vector<16xf32>,
        %mul3A_378 = arith.mulf %gather3A_351, %get3A_377 : vector<16xf32>
        %add3A_379 = arith.addf %add3A_343, %mul3A_378 : vector<16xf32>
        %mul3A_380 = arith.constant 8 : i32
        %mul3A_381 = arith.muli %scan3A_231, %mul3A_380 : i32
        %add3A_382 = arith.constant 160 : i32
        %add3A_383 = arith.addi %add3A_382, %mul3A_381 : i32
        %add3A_384 = arith.constant 4 : i32
        %add3A_385 = arith.addi %add3A_383, %add3A_384 : i32
        %broadcast_in_dim3A_386 = vector.broadcast %add3A_385 : i32 to vector<16xi32>
        %gather3A_387 = tpu.vector_load_idx %arg8[%broadcast_in_dim3A_386] : memref<320xf32, #tpu.memory_space<vmem>>[vector<16xi32>], vector<16xf32>,
        %get3A_388 = arith.constant 1 : i32
        %get3A_389 = arith.index_cast %get3A_388 : i32 to index
        %get3A_390 = arith.index_cast %add3A_237 : i32 to index
        %get3A_391 = arith.constant 256 : index
        %get3A_392 = tpu.vector_load %arg9[%get3A_389, %get3A_390, %get3A_391] {strides = array<i32>} : memref<2x40x512xf32, #tpu.memory_space<vmem>>, vector<16xf32>,
        %mul3A_393 = arith.mulf %gather3A_387, %get3A_392 : vector<16xf32>
        %add3A_394 = arith.addf %add3A_358, %mul3A_393 : vector<16xf32>
        %get3A_395 = arith.constant 1 : i32
        %get3A_396 = arith.index_cast %get3A_395 : i32 to index
        %get3A_397 = arith.index_cast %add3A_237 : i32 to index
        %get3A_398 = arith.constant 272 : index
        %get3A_399 = tpu.vector_load %arg9[%get3A_396, %get3A_397, %get3A_398] {strides = array<i32>} : memref<2x40x512xf32, #tpu.memory_space<vmem>>, vector<16xf32>,
        %mul3A_400 = arith.mulf %gather3A_387, %get3A_399 : vector<16xf32>
        %add3A_401 = arith.addf %add3A_365, %mul3A_400 : vector<16xf32>
        %get3A_402 = arith.constant 1 : i32
        %get3A_403 = arith.index_cast %get3A_402 : i32 to index
        %get3A_404 = arith.index_cast %add3A_237 : i32 to index
        %get3A_405 = arith.constant 288 : index
        %get3A_406 = tpu.vector_load %arg9[%get3A_403, %get3A_404, %get3A_405] {strides = array<i32>} : memref<2x40x512xf32, #tpu.memory_space<vmem>>, vector<16xf32>,
        %mul3A_407 = arith.mulf %gather3A_387, %get3A_406 : vector<16xf32>
        %add3A_408 = arith.addf %add3A_372, %mul3A_407 : vector<16xf32>
        %get3A_409 = arith.constant 1 : i32
        %get3A_410 = arith.index_cast %get3A_409 : i32 to index
        %get3A_411 = arith.index_cast %add3A_237 : i32 to index
        %get3A_412 = arith.constant 304 : index
        %get3A_413 = tpu.vector_load %arg9[%get3A_410, %get3A_411, %get3A_412] {strides = array<i32>} : memref<2x40x512xf32, #tpu.memory_space<vmem>>, vector<16xf32>,
        %mul3A_414 = arith.mulf %gather3A_387, %get3A_413 : vector<16xf32>
        %add3A_415 = arith.addf %add3A_379, %mul3A_414 : vector<16xf32>
        %mul3A_416 = arith.constant 8 : i32
        %mul3A_417 = arith.muli %scan3A_231, %mul3A_416 : i32
        %add3A_418 = arith.constant 160 : i32
        %add3A_419 = arith.addi %add3A_418, %mul3A_417 : i32
        %add3A_420 = arith.constant 5 : i32
        %add3A_421 = arith.addi %add3A_419, %add3A_420 : i32
        %broadcast_in_dim3A_422 = vector.broadcast %add3A_421 : i32 to vector<16xi32>
        %gather3A_423 = tpu.vector_load_idx %arg8[%broadcast_in_dim3A_422] : memref<320xf32, #tpu.memory_space<vmem>>[vector<16xi32>], vector<16xf32>,
        %get3A_424 = arith.constant 1 : i32
        %get3A_425 = arith.index_cast %get3A_424 : i32 to index
        %get3A_426 = arith.index_cast %add3A_237 : i32 to index
        %get3A_427 = arith.constant 320 : index
        %get3A_428 = tpu.vector_load %arg9[%get3A_425, %get3A_426, %get3A_427] {strides = array<i32>} : memref<2x40x512xf32, #tpu.memory_space<vmem>>, vector<16xf32>,
        %mul3A_429 = arith.mulf %gather3A_423, %get3A_428 : vector<16xf32>
        %add3A_430 = arith.addf %add3A_394, %mul3A_429 : vector<16xf32>
        %get3A_431 = arith.constant 1 : i32
        %get3A_432 = arith.index_cast %get3A_431 : i32 to index
        %get3A_433 = arith.index_cast %add3A_237 : i32 to index
        %get3A_434 = arith.constant 336 : index
        %get3A_435 = tpu.vector_load %arg9[%get3A_432, %get3A_433, %get3A_434] {strides = array<i32>} : memref<2x40x512xf32, #tpu.memory_space<vmem>>, vector<16xf32>,
        %mul3A_436 = arith.mulf %gather3A_423, %get3A_435 : vector<16xf32>
        %add3A_437 = arith.addf %add3A_401, %mul3A_436 : vector<16xf32>
        %get3A_438 = arith.constant 1 : i32
        %get3A_439 = arith.index_cast %get3A_438 : i32 to index
        %get3A_440 = arith.index_cast %add3A_237 : i32 to index
        %get3A_441 = arith.constant 352 : index
        %get3A_442 = tpu.vector_load %arg9[%get3A_439, %get3A_440, %get3A_441] {strides = array<i32>} : memref<2x40x512xf32, #tpu.memory_space<vmem>>, vector<16xf32>,
        %mul3A_443 = arith.mulf %gather3A_423, %get3A_442 : vector<16xf32>
        %add3A_444 = arith.addf %add3A_408, %mul3A_443 : vector<16xf32>
        %get3A_445 = arith.constant 1 : i32
        %get3A_446 = arith.index_cast %get3A_445 : i32 to index
        %get3A_447 = arith.index_cast %add3A_237 : i32 to index
        %get3A_448 = arith.constant 368 : index
        %get3A_449 = tpu.vector_load %arg9[%get3A_446, %get3A_447, %get3A_448] {strides = array<i32>} : memref<2x40x512xf32, #tpu.memory_space<vmem>>, vector<16xf32>,
        %mul3A_450 = arith.mulf %gather3A_423, %get3A_449 : vector<16xf32>
        %add3A_451 = arith.addf %add3A_415, %mul3A_450 : vector<16xf32>
        %mul3A_452 = arith.constant 8 : i32
        %mul3A_453 = arith.muli %scan3A_231, %mul3A_452 : i32
        %add3A_454 = arith.constant 160 : i32
        %add3A_455 = arith.addi %add3A_454, %mul3A_453 : i32
        %add3A_456 = arith.constant 6 : i32
        %add3A_457 = arith.addi %add3A_455, %add3A_456 : i32
        %broadcast_in_dim3A_458 = vector.broadcast %add3A_457 : i32 to vector<16xi32>
        %gather3A_459 = tpu.vector_load_idx %arg8[%broadcast_in_dim3A_458] : memref<320xf32, #tpu.memory_space<vmem>>[vector<16xi32>], vector<16xf32>,
        %get3A_460 = arith.constant 1 : i32
        %get3A_461 = arith.index_cast %get3A_460 : i32 to index
        %get3A_462 = arith.index_cast %add3A_237 : i32 to index
        %get3A_463 = arith.constant 384 : index
        %get3A_464 = tpu.vector_load %arg9[%get3A_461, %get3A_462, %get3A_463] {strides = array<i32>} : memref<2x40x512xf32, #tpu.memory_space<vmem>>, vector<16xf32>,
        %mul3A_465 = arith.mulf %gather3A_459, %get3A_464 : vector<16xf32>
        %add3A_466 = arith.addf %add3A_430, %mul3A_465 : vector<16xf32>
        %get3A_467 = arith.constant 1 : i32
        %get3A_468 = arith.index_cast %get3A_467 : i32 to index
        %get3A_469 = arith.index_cast %add3A_237 : i32 to index
        %get3A_470 = arith.constant 400 : index
        %get3A_471 = tpu.vector_load %arg9[%get3A_468, %get3A_469, %get3A_470] {strides = array<i32>} : memref<2x40x512xf32, #tpu.memory_space<vmem>>, vector<16xf32>,
        %mul3A_472 = arith.mulf %gather3A_459, %get3A_471 : vector<16xf32>
        %add3A_473 = arith.addf %add3A_437, %mul3A_472 : vector<16xf32>
        %get3A_474 = arith.constant 1 : i32
        %get3A_475 = arith.index_cast %get3A_474 : i32 to index
        %get3A_476 = arith.index_cast %add3A_237 : i32 to index
        %get3A_477 = arith.constant 416 : index
        %get3A_478 = tpu.vector_load %arg9[%get3A_475, %get3A_476, %get3A_477] {strides = array<i32>} : memref<2x40x512xf32, #tpu.memory_space<vmem>>, vector<16xf32>,
        %mul3A_479 = arith.mulf %gather3A_459, %get3A_478 : vector<16xf32>
        %add3A_480 = arith.addf %add3A_444, %mul3A_479 : vector<16xf32>
        %get3A_481 = arith.constant 1 : i32
        %get3A_482 = arith.index_cast %get3A_481 : i32 to index
        %get3A_483 = arith.index_cast %add3A_237 : i32 to index
        %get3A_484 = arith.constant 432 : index
        %get3A_485 = tpu.vector_load %arg9[%get3A_482, %get3A_483, %get3A_484] {strides = array<i32>} : memref<2x40x512xf32, #tpu.memory_space<vmem>>, vector<16xf32>,
        %mul3A_486 = arith.mulf %gather3A_459, %get3A_485 : vector<16xf32>
        %add3A_487 = arith.addf %add3A_451, %mul3A_486 : vector<16xf32>
        %mul3A_488 = arith.constant 8 : i32
        %mul3A_489 = arith.muli %scan3A_231, %mul3A_488 : i32
        %add3A_490 = arith.constant 160 : i32
        %add3A_491 = arith.addi %add3A_490, %mul3A_489 : i32
        %add3A_492 = arith.constant 7 : i32
        %add3A_493 = arith.addi %add3A_491, %add3A_492 : i32
        %broadcast_in_dim3A_494 = vector.broadcast %add3A_493 : i32 to vector<16xi32>
        %gather3A_495 = tpu.vector_load_idx %arg8[%broadcast_in_dim3A_494] : memref<320xf32, #tpu.memory_space<vmem>>[vector<16xi32>], vector<16xf32>,
        %get3A_496 = arith.constant 1 : i32
        %get3A_497 = arith.index_cast %get3A_496 : i32 to index
        %get3A_498 = arith.index_cast %add3A_237 : i32 to index
        %get3A_499 = arith.constant 448 : index
        %get3A_500 = tpu.vector_load %arg9[%get3A_497, %get3A_498, %get3A_499] {strides = array<i32>} : memref<2x40x512xf32, #tpu.memory_space<vmem>>, vector<16xf32>,
        %mul3A_501 = arith.mulf %gather3A_495, %get3A_500 : vector<16xf32>
        %add3A_502 = arith.addf %add3A_466, %mul3A_501 : vector<16xf32>
        %get3A_503 = arith.constant 1 : i32
        %get3A_504 = arith.index_cast %get3A_503 : i32 to index
        %get3A_505 = arith.index_cast %add3A_237 : i32 to index
        %get3A_506 = arith.constant 464 : index
        %get3A_507 = tpu.vector_load %arg9[%get3A_504, %get3A_505, %get3A_506] {strides = array<i32>} : memref<2x40x512xf32, #tpu.memory_space<vmem>>, vector<16xf32>,
        %mul3A_508 = arith.mulf %gather3A_495, %get3A_507 : vector<16xf32>
        %add3A_509 = arith.addf %add3A_473, %mul3A_508 : vector<16xf32>
        %get3A_510 = arith.constant 1 : i32
        %get3A_511 = arith.index_cast %get3A_510 : i32 to index
        %get3A_512 = arith.index_cast %add3A_237 : i32 to index
        %get3A_513 = arith.constant 480 : index
        %get3A_514 = tpu.vector_load %arg9[%get3A_511, %get3A_512, %get3A_513] {strides = array<i32>} : memref<2x40x512xf32, #tpu.memory_space<vmem>>, vector<16xf32>,
        %mul3A_515 = arith.mulf %gather3A_495, %get3A_514 : vector<16xf32>
        %add3A_516 = arith.addf %add3A_480, %mul3A_515 : vector<16xf32>
        %get3A_517 = arith.constant 1 : i32
        %get3A_518 = arith.index_cast %get3A_517 : i32 to index
        %get3A_519 = arith.index_cast %add3A_237 : i32 to index
        %get3A_520 = arith.constant 496 : index
        %get3A_521 = tpu.vector_load %arg9[%get3A_518, %get3A_519, %get3A_520] {strides = array<i32>} : memref<2x40x512xf32, #tpu.memory_space<vmem>>, vector<16xf32>,
        %mul3A_522 = arith.mulf %gather3A_495, %get3A_521 : vector<16xf32>
        %add3A_523 = arith.addf %add3A_487, %mul3A_522 : vector<16xf32>
        scf.yield %add3A_502, %add3A_509, %add3A_516, %add3A_523 : vector<16xf32>, vector<16xf32>, vector<16xf32>, vector<16xf32>
      }
      %scan3A_206 = arith.constant 20 : i32
      %mul3A_207 = arith.constant 2 : i32
      %mul3A_208 = arith.muli %add3A_143, %mul3A_207 : i32
      %add3A_209 = arith.constant 1 : i32
      %add3A_210 = arith.addi %mul3A_208, %add3A_209 : i32
      %swap3A_211 = arith.index_cast %add3A_210 : i32 to index
      %swap3A_212 = arith.constant 0 : index
      %swap3A_213 = tpu.vector_load %arg10[%swap3A_211, %swap3A_212] {strides = array<i32>} : memref<256x64xf32, #tpu.memory_space<vmem>>, vector<16xf32>,
      tpu.vector_store %arg10[%swap3A_211, %swap3A_212], %scan3A_205#0 {strides = array<i32>} : memref<256x64xf32, #tpu.memory_space<vmem>>, vector<16xf32>,
      %swap3A_214 = arith.index_cast %add3A_210 : i32 to index
      %swap3A_215 = arith.constant 16 : index
      %swap3A_216 = tpu.vector_load %arg10[%swap3A_214, %swap3A_215] {strides = array<i32>} : memref<256x64xf32, #tpu.memory_space<vmem>>, vector<16xf32>,
      tpu.vector_store %arg10[%swap3A_214, %swap3A_215], %scan3A_205#1 {strides = array<i32>} : memref<256x64xf32, #tpu.memory_space<vmem>>, vector<16xf32>,
      %swap3A_217 = arith.index_cast %add3A_210 : i32 to index
      %swap3A_218 = arith.constant 32 : index
      %swap3A_219 = tpu.vector_load %arg10[%swap3A_217, %swap3A_218] {strides = array<i32>} : memref<256x64xf32, #tpu.memory_space<vmem>>, vector<16xf32>,
      tpu.vector_store %arg10[%swap3A_217, %swap3A_218], %scan3A_205#2 {strides = array<i32>} : memref<256x64xf32, #tpu.memory_space<vmem>>, vector<16xf32>,
      %swap3A_220 = arith.index_cast %add3A_210 : i32 to index
      %swap3A_221 = arith.constant 48 : index
      %swap3A_222 = tpu.vector_load %arg10[%swap3A_220, %swap3A_221] {strides = array<i32>} : memref<256x64xf32, #tpu.memory_space<vmem>>, vector<16xf32>,
      tpu.vector_store %arg10[%swap3A_220, %swap3A_221], %scan3A_205#3 {strides = array<i32>} : memref<256x64xf32, #tpu.memory_space<vmem>>, vector<16xf32>,
      %add3A_223 = arith.constant 2 : i32
      %add3A_224 = arith.addi %add3A_143, %add3A_223 : i32
      %lt3A_225 = arith.constant 128 : i32
      %lt3A_226 = arith.cmpi slt, %add3A_224, %lt3A_225 : i32
      %convert_element_type3A_227 = arith.extui %lt3A_226 : i1 to i32
      %cond3A_228 = arith.constant 0 : i32
      %cond3A_229 = arith.cmpi ne, %convert_element_type3A_227, %cond3A_228 : i32
      scf.if %cond3A_229 {
        %add3A_231 = arith.constant 2 : i32
        %add3A_232 = arith.addi %add3A_143, %add3A_231 : i32
        %mul3A_233 = arith.constant 40 : i32
        %mul3A_234 = arith.muli %add3A_232, %mul3A_233 : i32
        %dma_start3A_235 = arith.constant 1 : i32
        %dma_start3A_236 = arith.constant 0 : i32
        %dma_start3A_237 = arith.constant 0 : i32
        %dma_start3A_238 = tpu.memref_slice %arg9[%dma_start3A_235, %dma_start3A_236, %dma_start3A_237] : memref<2x40x512xf32, #tpu.memory_space<vmem>> -> memref<1x40x512xf32, #tpu.memory_space<vmem>>
        %dma_start3A_239 = tpu.memref_squeeze %dma_start3A_238 : memref<1x40x512xf32, #tpu.memory_space<vmem>> -> memref<40x512xf32, #tpu.memory_space<vmem>>
        %dma_start3A_240 = tpu.memref_slice %arg6[%mul3A_234] : memref<5120xi32, #tpu.memory_space<vmem>> -> memref<40xi32, #tpu.memory_space<vmem>>
        %dma_start3A_241 = arith.constant 0 : i32
        %dma_start3A_242 = arith.constant 0 : i32
        %dma_start3A_243 = tpu.memref_slice %arg2[%dma_start3A_241, %dma_start3A_242] : memref<8192x512xf32, #tpu.memory_space<hbm>> -> memref<8192x512xf32, #tpu.memory_space<hbm>>
        tpu.enqueue_indirect_dma source(%dma_start3A_243 : memref<8192x512xf32, #tpu.memory_space<hbm>>) target(%dma_start3A_239 : memref<40x512xf32, #tpu.memory_space<vmem>>) offsets(%dma_start3A_240 : memref<40xi32, #tpu.memory_space<vmem>>) semaphore(%arg12 : memref<!tpu.dma_semaphore, #tpu.memory_space<semaphore_mem>>)
        %mul3A_244 = arith.constant 20 : i32
        %mul3A_245 = arith.muli %mul3A_2, %mul3A_244 : i32
        %mul3A_246 = arith.constant 8 : i32
        %mul3A_247 = arith.muli %mul3A_245, %mul3A_246 : i32
        %mul3A_248 = arith.constant 320 : i32
        %mul3A_249 = arith.muli %add3A_232, %mul3A_248 : i32
        %add3A_250 = arith.addi %mul3A_247, %mul3A_249 : i32
        %dma_start3A_251 = tpu.memref_slice %arg4[%add3A_250] : memref<1310720xf32, #tpu.memory_space<hbm>> -> memref<320xf32, #tpu.memory_space<hbm>>
        %dma_start3A_252 = tpu.memref_slice %arg4[%add3A_250] : memref<1310720xf32, #tpu.memory_space<hbm>> -> memref<320xf32, #tpu.memory_space<hbm>>
        tpu.enqueue_dma source(%dma_start3A_252 : memref<320xf32, #tpu.memory_space<hbm>>) target(%arg8 : memref<320xf32, #tpu.memory_space<vmem>>) target_semaphore(%arg12 : memref<!tpu.dma_semaphore, #tpu.memory_space<semaphore_mem>>)
      } else {
      }
      %scan3A_230 = arith.constant 0 : i32
      scf.yield %scan3A_230 : i32
    }
    %scan3A_53 = arith.constant 64 : i32
    "tpu.region"() ({
      %run_scoped3A = tpu.sem_alloc : memref<!tpu.dma_semaphore, #tpu.memory_space<semaphore_mem>>
      %dma_start3A_54 = arith.constant 0 : i32
      %dma_start3A_55 = tpu.memref_slice %arg5[%mul3A_2, %dma_start3A_54] : memref<8192x64xf32, #tpu.memory_space<hbm>> -> memref<256x64xf32, #tpu.memory_space<hbm>>
      %dma_start3A_56 = arith.constant 0 : i32
      %dma_start3A_57 = tpu.memref_slice %arg5[%mul3A_2, %dma_start3A_56] : memref<8192x64xf32, #tpu.memory_space<hbm>> -> memref<256x64xf32, #tpu.memory_space<hbm>>
      tpu.enqueue_dma source(%arg10 : memref<256x64xf32, #tpu.memory_space<vmem>>) target(%dma_start3A_57 : memref<256x64xf32, #tpu.memory_space<hbm>>) target_semaphore(%run_scoped3A : memref<!tpu.dma_semaphore, #tpu.memory_space<semaphore_mem>>)
      %dma_wait3A = arith.constant 0 : i32
      %dma_wait3A_58 = tpu.memref_slice %arg5[%mul3A_2, %dma_wait3A] : memref<8192x64xf32, #tpu.memory_space<hbm>> -> memref<256x64xf32, #tpu.memory_space<hbm>>
      %dma_wait3A_59 = arith.constant 0 : i32
      %dma_wait3A_60 = tpu.memref_slice %arg5[%mul3A_2, %dma_wait3A_59] : memref<8192x64xf32, #tpu.memory_space<hbm>> -> memref<256x64xf32, #tpu.memory_space<hbm>>
      tpu.wait_dma2 semaphore(%run_scoped3A : memref<!tpu.dma_semaphore, #tpu.memory_space<semaphore_mem>>) src(%arg10 : memref<256x64xf32, #tpu.memory_space<vmem>>) dst(%dma_wait3A_60 : memref<256x64xf32, #tpu.memory_space<hbm>>)
      tpu.yield
    }) : () -> ()
    return
  }
}

module attributes {stable_mosaic.version = 14 : i64} {
  func.func @_knn_body(%arg0: i32, %arg1: memref<1x1024x16xf32, #tpu.memory_space<vmem>>, %arg2: memref<1x20x1024xi32, #tpu.memory_space<vmem>>) attributes {dimension_semantics = [#tpu.dimension_semantics<arbitrary>], iteration_bounds = array<i64: 8>, scalar_prefetch = 0 : i64, scratch_operands = 0 : i64, tpu.core_type = #tpu.core_type<tc>, window_params = [{transform_indices = @transform_0, window_bounds = array<i64: 1, 1024, 16>}, {transform_indices = @transform_1, window_bounds = array<i64: 1, 20, 1024>}]} {
    %get3A = arith.constant 0 : index
    %get3A_0 = arith.constant 0 : index
    %get3A_1 = arith.constant 0 : index
    %get3A_2 = vector.load %arg1[%get3A, %get3A_0, %get3A_1] : memref<1x1024x16xf32, #tpu.memory_space<vmem>>, vector<1x1024x16xf32>
    %get3A_3 = vector.shape_cast %get3A_2 : vector<1x1024x16xf32> to vector<1024x16xf32>
    %convert_element_type3A = arith.truncf %get3A_3 : vector<1024x16xf32> to vector<1024x16xbf16>
    %dot_general3A = arith.constant dense<0.000000e+00> : vector<1024x1024xf32>
    %dot_general3A_4 = tpu.matmul %convert_element_type3A, %convert_element_type3A, %dot_general3A {dimension_numbers = #tpu.dot_dimension_numbers<[1], [1], [0], [0], [0, 0, 1, 0], [], []>, transpose_lhs_hint = false} : vector<1024x16xbf16>, vector<1024x16xbf16>, vector<1024x1024xf32> -> vector<1024x1024xf32>
    %mul3A = arith.mulf %get3A_3, %get3A_3 : vector<1024x16xf32>
    %reduce_sum3A = arith.constant dense<0.000000e+00> : vector<1024xf32>
    %reduce_sum3A_5 = vector.multi_reduction <add>, %mul3A, %reduce_sum3A [1] : vector<1024x16xf32> to vector<1024xf32>
    %broadcast_in_dim3A = vector.shape_cast %reduce_sum3A_5 : vector<1024xf32> to vector<1024x1xf32>
    %broadcast_in_dim3A_6 = arith.constant 1.000000e+00 : f32
    %broadcast_in_dim3A_7 = vector.broadcast %broadcast_in_dim3A_6 : f32 to vector<1x16xf32>
    %dot_general3A_8 = arith.constant dense<0.000000e+00> : vector<1x1024xf32>
    %dot_general3A_9 = tpu.matmul %broadcast_in_dim3A_7, %mul3A, %dot_general3A_8 {dimension_numbers = #tpu.dot_dimension_numbers<[1], [1], [0], [0], [0, 0, 1, 0], [], []>, precision = #tpu.contract_precision<fp32>, transpose_lhs_hint = false} : vector<1x16xf32>, vector<1024x16xf32>, vector<1x1024xf32> -> vector<1x1024xf32>
    %mul3A_10 = arith.constant 2.000000e+00 : f32
    %mul3A_11 = vector.broadcast %mul3A_10 : f32 to vector<1024x1024xf32>
    %mul3A_12 = arith.mulf %mul3A_11, %dot_general3A_4 : vector<1024x1024xf32>
    %sub3A = vector.broadcast %broadcast_in_dim3A : vector<1024x1xf32> to vector<1024x1024xf32>
    %sub3A_13 = arith.subf %mul3A_12, %sub3A : vector<1024x1024xf32>
    %sub3A_14 = vector.broadcast %dot_general3A_9 : vector<1x1024xf32> to vector<1024x1024xf32>
    %sub3A_15 = arith.subf %sub3A_13, %sub3A_14 : vector<1024x1024xf32>
    %mul3A_16 = arith.constant 1024 : i32
    %mul3A_17 = arith.muli %arg0, %mul3A_16 : i32
    %iota3A = tpu.iota {dimensions = array<i32: 1>} : vector<1024x1024xi32>
    %scan3A = arith.constant 0 : i32
    %scan3A_18 = arith.constant 20 : i32
    %scan3A_19 = arith.addi %scan3A, %scan3A_18 : i32
    %scan3A_20 = arith.constant 1 : i32
    %scan3A_21 = scf.for %scan3A_23 = %scan3A to %scan3A_19 step %scan3A_20 iter_args(%scan3A_24 = %sub3A_15) -> (vector<1024x1024xf32>)  : i32 {
      %reduce_max3A = arith.constant dense<0xFF800000> : vector<1024xf32>
      %reduce_max3A_25 = vector.multi_reduction <maximumf>, %scan3A_24, %reduce_max3A [1] : vector<1024x1024xf32> to vector<1024xf32>
      %broadcast_in_dim3A_26 = vector.shape_cast %reduce_max3A_25 : vector<1024xf32> to vector<1024x1xf32>
      %eq3A = vector.broadcast %broadcast_in_dim3A_26 : vector<1024x1xf32> to vector<1024x1024xf32>
      %eq3A_27 = arith.cmpf oeq, %scan3A_24, %eq3A : vector<1024x1024xf32>
      %jit3A = arith.constant 1024 : i32
      %broadcast_in_dim3A_28 = vector.broadcast %jit3A : i32 to vector<1024x1024xi32>
      %select_n3A = arith.select %eq3A_27, %iota3A, %broadcast_in_dim3A_28 : vector<1024x1024xi1>, vector<1024x1024xi32>
      %reduce_min3A = arith.constant dense<2147483647> : vector<1024xi32>
      %reduce_min3A_29 = vector.multi_reduction <minsi>, %select_n3A, %reduce_min3A [1] : vector<1024x1024xi32> to vector<1024xi32>
      %add3A = vector.broadcast %mul3A_17 : i32 to vector<1024xi32>
      %add3A_30 = arith.addi %reduce_min3A_29, %add3A : vector<1024xi32>
      %swap3A = arith.constant 0 : index
      %swap3A_31 = arith.index_cast %scan3A_23 : i32 to index
      %swap3A_32 = arith.constant 0 : index
      %swap3A_33 = vector.load %arg2[%swap3A, %swap3A_31, %swap3A_32] : memref<1x20x1024xi32, #tpu.memory_space<vmem>>, vector<1x1x1024xi32>
      %swap3A_34 = vector.shape_cast %swap3A_33 : vector<1x1x1024xi32> to vector<1024xi32>
      %swap3A_35 = vector.shape_cast %add3A_30 : vector<1024xi32> to vector<1x1x1024xi32>
      tpu.vector_store %arg2[%swap3A, %swap3A_31, %swap3A_32], %swap3A_35 {strides = array<i32>} : memref<1x20x1024xi32, #tpu.memory_space<vmem>>, vector<1x1x1024xi32>,
      %broadcast_in_dim3A_36 = vector.shape_cast %reduce_min3A_29 : vector<1024xi32> to vector<1024x1xi32>
      %eq3A_37 = vector.broadcast %broadcast_in_dim3A_36 : vector<1024x1xi32> to vector<1024x1024xi32>
      %eq3A_38 = arith.cmpi eq, %iota3A, %eq3A_37 : vector<1024x1024xi32>
      %jit3A_39 = arith.constant -3.000000e+38 : f32
      %broadcast_in_dim3A_40 = vector.broadcast %jit3A_39 : f32 to vector<1024x1024xf32>
      %select_n3A_41 = arith.select %eq3A_38, %broadcast_in_dim3A_40, %scan3A_24 : vector<1024x1024xi1>, vector<1024x1024xf32>
      scf.yield %select_n3A_41 : vector<1024x1024xf32>
    }
    %scan3A_22 = arith.constant 20 : i32
    return
  }
  func.func @transform_0(%arg0: i32) -> (i32, i32, i32) {
    %c0_i32 = arith.constant 0 : i32
    %c0_i32_0 = arith.constant 0 : i32
    %c0_i32_1 = arith.constant 0 : i32
    return %arg0, %c0_i32, %c0_i32_0 : i32, i32, i32
  }
  func.func @transform_1(%arg0: i32) -> (i32, i32, i32) {
    %c0_i32 = arith.constant 0 : i32
    %c0_i32_0 = arith.constant 0 : i32
    %c0_i32_1 = arith.constant 0 : i32
    return %arg0, %c0_i32, %c0_i32_0 : i32, i32, i32
  }
}

module attributes {stable_mosaic.version = 14 : i64} {
  func.func @_feat_body(%arg0: i32, %arg1: memref<2048x3xf32, #tpu.memory_space<vmem>>, %arg2: memref<6x512xf32, #tpu.memory_space<vmem>>, %arg3: memref<2048x512xf32, #tpu.memory_space<vmem>>, %arg4: memref<2048x512xf32, #tpu.memory_space<vmem>>) attributes {dimension_semantics = [#tpu.dimension_semantics<arbitrary>], iteration_bounds = array<i64: 4>, scalar_prefetch = 0 : i64, scratch_operands = 0 : i64, tpu.core_type = #tpu.core_type<tc>, window_params = [{transform_indices = @transform_0, window_bounds = array<i64: 2048, 3>}, {pipeline_mode = #tpu.pipeline_mode<synchronous>, transform_indices = @transform_1, window_bounds = array<i64: 6, 512>}, {transform_indices = @transform_2, window_bounds = array<i64: 2048, 512>}, {transform_indices = @transform_3, window_bounds = array<i64: 2048, 512>}]} {
    %get3A = arith.constant 0 : index
    %get3A_0 = arith.constant 0 : index
    %get3A_1 = vector.load %arg1[%get3A, %get3A_0] : memref<2048x3xf32, #tpu.memory_space<vmem>>, vector<2048x3xf32>
    %get3A_2 = arith.constant 0 : index
    %get3A_3 = arith.constant 0 : index
    %get3A_4 = vector.load %arg2[%get3A_2, %get3A_3] : memref<6x512xf32, #tpu.memory_space<vmem>>, vector<6x512xf32>
    %slice3A = vector.extract_strided_slice %get3A_4 {offsets = [0, 0], sizes = [3, 512], strides = [1, 1]} : vector<6x512xf32> to vector<3x512xf32>
    %slice3A_5 = vector.extract_strided_slice %get3A_4 {offsets = [3, 0], sizes = [3, 512], strides = [1, 1]} : vector<6x512xf32> to vector<3x512xf32>
    %add3A = arith.addf %slice3A, %slice3A_5 : vector<3x512xf32>
    %dot_general3A = arith.constant dense<0.000000e+00> : vector<2048x512xf32>
    %dot_general3A_6 = tpu.matmul %get3A_1, %add3A, %dot_general3A {dimension_numbers = #tpu.dot_dimension_numbers<[1], [0], [0], [1], [0, 0, 1, 1], [], []>, precision = #tpu.contract_precision<fp32>, transpose_lhs_hint = false} : vector<2048x3xf32>, vector<3x512xf32>, vector<2048x512xf32> -> vector<2048x512xf32>
    %swap3A = arith.constant 0 : index
    %swap3A_7 = arith.constant 0 : index
    %swap3A_8 = vector.load %arg3[%swap3A, %swap3A_7] : memref<2048x512xf32, #tpu.memory_space<vmem>>, vector<2048x512xf32>
    tpu.vector_store %arg3[%swap3A, %swap3A_7], %dot_general3A_6 {strides = array<i32>} : memref<2048x512xf32, #tpu.memory_space<vmem>>, vector<2048x512xf32>,
    %slice3A_9 = vector.extract_strided_slice %get3A_4 {offsets = [0, 0], sizes = [3, 512], strides = [1, 1]} : vector<6x512xf32> to vector<3x512xf32>
    %dot_general3A_10 = arith.constant dense<0.000000e+00> : vector<2048x512xf32>
    %dot_general3A_11 = tpu.matmul %get3A_1, %slice3A_9, %dot_general3A_10 {dimension_numbers = #tpu.dot_dimension_numbers<[1], [0], [0], [1], [0, 0, 1, 1], [], []>, precision = #tpu.contract_precision<fp32>, transpose_lhs_hint = false} : vector<2048x3xf32>, vector<3x512xf32>, vector<2048x512xf32> -> vector<2048x512xf32>
    %swap3A_12 = arith.constant 0 : index
    %swap3A_13 = arith.constant 0 : index
    %swap3A_14 = vector.load %arg4[%swap3A_12, %swap3A_13] : memref<2048x512xf32, #tpu.memory_space<vmem>>, vector<2048x512xf32>
    tpu.vector_store %arg4[%swap3A_12, %swap3A_13], %dot_general3A_11 {strides = array<i32>} : memref<2048x512xf32, #tpu.memory_space<vmem>>, vector<2048x512xf32>,
    return
  }
  func.func @transform_0(%arg0: i32) -> (i32, i32) {
    %c0_i32 = arith.constant 0 : i32
    %c0_i32_0 = arith.constant 0 : i32
    return %arg0, %c0_i32 : i32, i32
  }
  func.func @transform_1(%arg0: i32) -> (i32, i32) {
    %c0_i32 = arith.constant 0 : i32
    %c0_i32_0 = arith.constant 0 : i32
    %c0_i32_1 = arith.constant 0 : i32
    return %c0_i32, %c0_i32_0 : i32, i32
  }
  func.func @transform_2(%arg0: i32) -> (i32, i32) {
    %c0_i32 = arith.constant 0 : i32
    %c0_i32_0 = arith.constant 0 : i32
    return %arg0, %c0_i32 : i32, i32
  }
  func.func @transform_3(%arg0: i32) -> (i32, i32) {
    %c0_i32 = arith.constant 0 : i32
    %c0_i32_0 = arith.constant 0 : i32
    return %arg0, %c0_i32 : i32, i32
  }
}

module attributes {stable_mosaic.version = 14 : i64} {
  func.func @_score_stats_body(%arg0: i32, %arg1: memref<4x2560xf32, #tpu.memory_space<vmem>>, %arg2: memref<4x2560xf32, #tpu.memory_space<vmem>>, %arg3: memref<16x6xf32, #tpu.memory_space<vmem>>, %arg4: memref<16x128xf32, #tpu.memory_space<vmem>>) attributes {dimension_semantics = [#tpu.dimension_semantics<arbitrary>], iteration_bounds = array<i64: 64>, scalar_prefetch = 0 : i64, scratch_operands = 0 : i64, tpu.core_type = #tpu.core_type<tc>, window_params = [{transform_indices = @transform_0, window_bounds = array<i64: 4, 2560>}, {transform_indices = @transform_1, window_bounds = array<i64: 4, 2560>}, {pipeline_mode = #tpu.pipeline_mode<synchronous>, transform_indices = @transform_2, window_bounds = array<i64: 16, 6>}, {pipeline_mode = #tpu.pipeline_mode<synchronous>, transform_indices = @transform_3, window_bounds = array<i64: 16, 128>}]} {
    %get3A = arith.constant 0 : index
    %get3A_0 = arith.constant 0 : index
    %get3A_1 = vector.load %arg3[%get3A, %get3A_0] : memref<16x6xf32, #tpu.memory_space<vmem>>, vector<16x6xf32>
    %transpose3A = tpu.transpose %get3A_1, [1, 0] : vector<16x6xf32> -> vector<6x16xf32>
    %broadcast_in_dim3A = arith.constant 0.000000e+00 : f32
    %broadcast_in_dim3A_2 = vector.broadcast %broadcast_in_dim3A : f32 to vector<1x16xf32>
    %slice3A = vector.extract_strided_slice %transpose3A {offsets = [0, 0], sizes = [3, 16], strides = [1, 1]} : vector<6x16xf32> to vector<3x16xf32>
    %slice3A_3 = vector.extract_strided_slice %transpose3A {offsets = [3, 0], sizes = [3, 16], strides = [1, 1]} : vector<6x16xf32> to vector<3x16xf32>
    %add3A = arith.addf %slice3A, %slice3A_3 : vector<3x16xf32>
    %concatenate3A = tpu.concatenate %add3A, %broadcast_in_dim3A_2 in 0 : vector<3x16xf32>, vector<1x16xf32> -> vector<4x16xf32>
    %slice3A_4 = vector.extract_strided_slice %transpose3A {offsets = [0, 0], sizes = [3, 16], strides = [1, 1]} : vector<6x16xf32> to vector<3x16xf32>
    %neg3A = arith.constant 0.000000e+00 : f32
    %neg3A_5 = vector.broadcast %neg3A : f32 to vector<3x16xf32>
    %neg3A_6 = arith.subf %neg3A_5, %slice3A_4 : vector<3x16xf32>
    %concatenate3A_7 = tpu.concatenate %neg3A_6, %broadcast_in_dim3A_2 in 0 : vector<3x16xf32>, vector<1x16xf32> -> vector<4x16xf32>
    %get3A_8 = arith.constant 0 : index
    %get3A_9 = arith.constant 0 : index
    %get3A_10 = vector.load %arg1[%get3A_8, %get3A_9] : memref<4x2560xf32, #tpu.memory_space<vmem>>, vector<4x2560xf32>
    %get3A_11 = arith.constant 0 : index
    %get3A_12 = arith.constant 0 : index
    %get3A_13 = vector.load %arg2[%get3A_11, %get3A_12] : memref<4x2560xf32, #tpu.memory_space<vmem>>, vector<4x2560xf32>
    %dot_general3A = arith.constant dense<0.000000e+00> : vector<16x2560xf32>
    %dot_general3A_14 = tpu.matmul %concatenate3A, %get3A_10, %dot_general3A {dimension_numbers = #tpu.dot_dimension_numbers<[0], [0], [1], [1], [0, 1, 1, 1], [], []>, precision = #tpu.contract_precision<fp32>, transpose_lhs_hint = false} : vector<4x16xf32>, vector<4x2560xf32>, vector<16x2560xf32> -> vector<16x2560xf32>
    %dot_general3A_15 = arith.constant dense<0.000000e+00> : vector<16x2560xf32>
    %dot_general3A_16 = tpu.matmul %concatenate3A_7, %get3A_13, %dot_general3A_15 {dimension_numbers = #tpu.dot_dimension_numbers<[0], [0], [1], [1], [0, 1, 1, 1], [], []>, precision = #tpu.contract_precision<fp32>, transpose_lhs_hint = false} : vector<4x16xf32>, vector<4x2560xf32>, vector<16x2560xf32> -> vector<16x2560xf32>
    %add3A_17 = arith.addf %dot_general3A_14, %dot_general3A_16 : vector<16x2560xf32>
    %reduce_sum3A = arith.constant dense<0.000000e+00> : vector<16xf32>
    %reduce_sum3A_18 = vector.multi_reduction <add>, %add3A_17, %reduce_sum3A [1] : vector<16x2560xf32> to vector<16xf32>
    %broadcast_in_dim3A_19 = vector.shape_cast %reduce_sum3A_18 : vector<16xf32> to vector<16x1xf32>
    %mul3A = arith.mulf %add3A_17, %add3A_17 : vector<16x2560xf32>
    %reduce_sum3A_20 = arith.constant dense<0.000000e+00> : vector<16xf32>
    %reduce_sum3A_21 = vector.multi_reduction <add>, %mul3A, %reduce_sum3A_20 [1] : vector<16x2560xf32> to vector<16xf32>
    %broadcast_in_dim3A_22 = vector.shape_cast %reduce_sum3A_21 : vector<16xf32> to vector<16x1xf32>
    %broadcast_in_dim3A_23 = arith.constant 0.000000e+00 : f32
    %broadcast_in_dim3A_24 = vector.broadcast %broadcast_in_dim3A_23 : f32 to vector<16x126xf32>
    %concatenate3A_25 = tpu.concatenate %broadcast_in_dim3A_19, %broadcast_in_dim3A_22, %broadcast_in_dim3A_24 in 1 : vector<16x1xf32>, vector<16x1xf32>, vector<16x126xf32> -> vector<16x128xf32>
    %eq3A = arith.constant 0 : i32
    %eq3A_26 = arith.cmpi eq, %arg0, %eq3A : i32
    %convert_element_type3A = arith.extui %eq3A_26 : i1 to i32
    %cond3A = arith.constant 0 : i32
    %cond3A_27 = arith.cmpi ne, %convert_element_type3A, %cond3A : i32
    scf.if %cond3A_27 {
      %swap3A = arith.constant 0 : index
      %swap3A_32 = arith.constant 0 : index
      %swap3A_33 = vector.load %arg4[%swap3A, %swap3A_32] : memref<16x128xf32, #tpu.memory_space<vmem>>, vector<16x128xf32>
      tpu.vector_store %arg4[%swap3A, %swap3A_32], %concatenate3A_25 {strides = array<i32>} : memref<16x128xf32, #tpu.memory_space<vmem>>, vector<16x128xf32>,
    } else {
    }
    %ne3A = arith.constant 0 : i32
    %ne3A_28 = arith.cmpi ne, %arg0, %ne3A : i32
    %convert_element_type3A_29 = arith.extui %ne3A_28 : i1 to i32
    %cond3A_30 = arith.constant 0 : i32
    %cond3A_31 = arith.cmpi ne, %convert_element_type3A_29, %cond3A_30 : i32
    scf.if %cond3A_31 {
      %get3A_32 = arith.constant 0 : index
      %get3A_33 = arith.constant 0 : index
      %get3A_34 = vector.load %arg4[%get3A_32, %get3A_33] : memref<16x128xf32, #tpu.memory_space<vmem>>, vector<16x128xf32>
      %add3A_35 = arith.addf %get3A_34, %concatenate3A_25 : vector<16x128xf32>
      %swap3A = arith.constant 0 : index
      %swap3A_36 = arith.constant 0 : index
      %swap3A_37 = vector.load %arg4[%swap3A, %swap3A_36] : memref<16x128xf32, #tpu.memory_space<vmem>>, vector<16x128xf32>
      tpu.vector_store %arg4[%swap3A, %swap3A_36], %add3A_35 {strides = array<i32>} : memref<16x128xf32, #tpu.memory_space<vmem>>, vector<16x128xf32>,
    } else {
    }
    return
  }
  func.func @transform_0(%arg0: i32) -> (i32, i32) {
    %c0_i32 = arith.constant 0 : i32
    %c0_i32_0 = arith.constant 0 : i32
    return %c0_i32, %arg0 : i32, i32
  }
  func.func @transform_1(%arg0: i32) -> (i32, i32) {
    %c0_i32 = arith.constant 0 : i32
    %c0_i32_0 = arith.constant 0 : i32
    return %c0_i32, %arg0 : i32, i32
  }
  func.func @transform_2(%arg0: i32) -> (i32, i32) {
    %c0_i32 = arith.constant 0 : i32
    %c0_i32_0 = arith.constant 0 : i32
    %c0_i32_1 = arith.constant 0 : i32
    return %c0_i32, %c0_i32_0 : i32, i32
  }
  func.func @transform_3(%arg0: i32) -> (i32, i32) {
    %c0_i32 = arith.constant 0 : i32
    %c0_i32_0 = arith.constant 0 : i32
    %c0_i32_1 = arith.constant 0 : i32
    return %c0_i32, %c0_i32_0 : i32, i32
  }
}

module attributes {stable_mosaic.version = 14 : i64} {
  func.func @_score_apply_body(%arg0: i32, %arg1: memref<4x2560xf32, #tpu.memory_space<vmem>>, %arg2: memref<4x2560xf32, #tpu.memory_space<vmem>>, %arg3: memref<16x6xf32, #tpu.memory_space<vmem>>, %arg4: memref<8x16xf32, #tpu.memory_space<vmem>>, %arg5: memref<8x1xf32, #tpu.memory_space<vmem>>, %arg6: memref<16x1xf32, #tpu.memory_space<vmem>>, %arg7: memref<16x1xf32, #tpu.memory_space<vmem>>, %arg8: memref<16x128xf32, #tpu.memory_space<vmem>>, %arg9: memref<2560x8xf32, #tpu.memory_space<vmem>>) attributes {dimension_semantics = [#tpu.dimension_semantics<arbitrary>], iteration_bounds = array<i64: 64>, scalar_prefetch = 0 : i64, scratch_operands = 0 : i64, tpu.core_type = #tpu.core_type<tc>, window_params = [{transform_indices = @transform_0, window_bounds = array<i64: 4, 2560>}, {transform_indices = @transform_1, window_bounds = array<i64: 4, 2560>}, {pipeline_mode = #tpu.pipeline_mode<synchronous>, transform_indices = @transform_2, window_bounds = array<i64: 16, 6>}, {pipeline_mode = #tpu.pipeline_mode<synchronous>, transform_indices = @transform_3, window_bounds = array<i64: 8, 16>}, {pipeline_mode = #tpu.pipeline_mode<synchronous>, transform_indices = @transform_4, window_bounds = array<i64: 8, 1>}, {pipeline_mode = #tpu.pipeline_mode<synchronous>, transform_indices = @transform_5, window_bounds = array<i64: 16, 1>}, {pipeline_mode = #tpu.pipeline_mode<synchronous>, transform_indices = @transform_6, window_bounds = array<i64: 16, 1>}, {pipeline_mode = #tpu.pipeline_mode<synchronous>, transform_indices = @transform_7, window_bounds = array<i64: 16, 128>}, {transform_indices = @transform_8, window_bounds = array<i64: 2560, 8>}]} {
    %get3A = arith.constant 0 : index
    %get3A_0 = arith.constant 0 : index
    %get3A_1 = vector.load %arg3[%get3A, %get3A_0] : memref<16x6xf32, #tpu.memory_space<vmem>>, vector<16x6xf32>
    %transpose3A = tpu.transpose %get3A_1, [1, 0] : vector<16x6xf32> -> vector<6x16xf32>
    %broadcast_in_dim3A = arith.constant 0.000000e+00 : f32
    %broadcast_in_dim3A_2 = vector.broadcast %broadcast_in_dim3A : f32 to vector<1x16xf32>
    %slice3A = vector.extract_strided_slice %transpose3A {offsets = [0, 0], sizes = [3, 16], strides = [1, 1]} : vector<6x16xf32> to vector<3x16xf32>
    %slice3A_3 = vector.extract_strided_slice %transpose3A {offsets = [3, 0], sizes = [3, 16], strides = [1, 1]} : vector<6x16xf32> to vector<3x16xf32>
    %add3A = arith.addf %slice3A, %slice3A_3 : vector<3x16xf32>
    %concatenate3A = tpu.concatenate %add3A, %broadcast_in_dim3A_2 in 0 : vector<3x16xf32>, vector<1x16xf32> -> vector<4x16xf32>
    %slice3A_4 = vector.extract_strided_slice %transpose3A {offsets = [0, 0], sizes = [3, 16], strides = [1, 1]} : vector<6x16xf32> to vector<3x16xf32>
    %neg3A = arith.constant 0.000000e+00 : f32
    %neg3A_5 = vector.broadcast %neg3A : f32 to vector<3x16xf32>
    %neg3A_6 = arith.subf %neg3A_5, %slice3A_4 : vector<3x16xf32>
    %concatenate3A_7 = tpu.concatenate %neg3A_6, %broadcast_in_dim3A_2 in 0 : vector<3x16xf32>, vector<1x16xf32> -> vector<4x16xf32>
    %get3A_8 = arith.constant 0 : index
    %get3A_9 = arith.constant 0 : index
    %get3A_10 = vector.load %arg1[%get3A_8, %get3A_9] : memref<4x2560xf32, #tpu.memory_space<vmem>>, vector<4x2560xf32>
    %get3A_11 = arith.constant 0 : index
    %get3A_12 = arith.constant 0 : index
    %get3A_13 = vector.load %arg2[%get3A_11, %get3A_12] : memref<4x2560xf32, #tpu.memory_space<vmem>>, vector<4x2560xf32>
    %dot_general3A = arith.constant dense<0.000000e+00> : vector<16x2560xf32>
    %dot_general3A_14 = tpu.matmul %concatenate3A, %get3A_10, %dot_general3A {dimension_numbers = #tpu.dot_dimension_numbers<[0], [0], [1], [1], [0, 1, 1, 1], [], []>, precision = #tpu.contract_precision<fp32>, transpose_lhs_hint = false} : vector<4x16xf32>, vector<4x2560xf32>, vector<16x2560xf32> -> vector<16x2560xf32>
    %dot_general3A_15 = arith.constant dense<0.000000e+00> : vector<16x2560xf32>
    %dot_general3A_16 = tpu.matmul %concatenate3A_7, %get3A_13, %dot_general3A_15 {dimension_numbers = #tpu.dot_dimension_numbers<[0], [0], [1], [1], [0, 1, 1, 1], [], []>, precision = #tpu.contract_precision<fp32>, transpose_lhs_hint = false} : vector<4x16xf32>, vector<4x2560xf32>, vector<16x2560xf32> -> vector<16x2560xf32>
    %add3A_17 = arith.addf %dot_general3A_14, %dot_general3A_16 : vector<16x2560xf32>
    %get3A_18 = arith.constant 0 : index
    %get3A_19 = arith.constant 0 : index
    %get3A_20 = vector.load %arg8[%get3A_18, %get3A_19] : memref<16x128xf32, #tpu.memory_space<vmem>>, vector<16x1xf32>
    %div3A = arith.constant 1.638400e+05 : f32
    %div3A_21 = vector.broadcast %div3A : f32 to vector<16x1xf32>
    %div3A_22 = arith.divf %get3A_20, %div3A_21 : vector<16x1xf32>
    %get3A_23 = arith.constant 0 : index
    %get3A_24 = arith.constant 1 : index
    %get3A_25 = vector.load %arg8[%get3A_23, %get3A_24] : memref<16x128xf32, #tpu.memory_space<vmem>>, vector<16x1xf32>
    %div3A_26 = arith.constant 1.638400e+05 : f32
    %div3A_27 = vector.broadcast %div3A_26 : f32 to vector<16x1xf32>
    %div3A_28 = arith.divf %get3A_25, %div3A_27 : vector<16x1xf32>
    %mul3A = arith.mulf %div3A_22, %div3A_22 : vector<16x1xf32>
    %sub3A = arith.subf %div3A_28, %mul3A : vector<16x1xf32>
    %get3A_29 = arith.constant 0 : index
    %get3A_30 = arith.constant 0 : index
    %get3A_31 = vector.load %arg6[%get3A_29, %get3A_30] : memref<16x1xf32, #tpu.memory_space<vmem>>, vector<16x1xf32>
    %add3A_32 = arith.constant 9.99999974E-6 : f32
    %add3A_33 = vector.broadcast %add3A_32 : f32 to vector<16x1xf32>
    %add3A_34 = arith.addf %sub3A, %add3A_33 : vector<16x1xf32>
    %sqrt3A = math.sqrt %add3A_34 : vector<16x1xf32>
    %div3A_35 = arith.divf %get3A_31, %sqrt3A : vector<16x1xf32>
    %get3A_36 = arith.constant 0 : index
    %get3A_37 = arith.constant 0 : index
    %get3A_38 = vector.load %arg7[%get3A_36, %get3A_37] : memref<16x1xf32, #tpu.memory_space<vmem>>, vector<16x1xf32>
    %mul3A_39 = arith.mulf %div3A_22, %div3A_35 : vector<16x1xf32>
    %sub3A_40 = arith.subf %get3A_38, %mul3A_39 : vector<16x1xf32>
    %mul3A_41 = vector.broadcast %div3A_35 : vector<16x1xf32> to vector<16x2560xf32>
    %mul3A_42 = arith.mulf %add3A_17, %mul3A_41 : vector<16x2560xf32>
    %add3A_43 = vector.broadcast %sub3A_40 : vector<16x1xf32> to vector<16x2560xf32>
    %add3A_44 = arith.addf %mul3A_42, %add3A_43 : vector<16x2560xf32>
    %max3A = arith.constant 0.000000e+00 : f32
    %max3A_45 = vector.broadcast %max3A : f32 to vector<16x2560xf32>
    %max3A_46 = arith.maximumf %add3A_44, %max3A_45 : vector<16x2560xf32>
    %get3A_47 = arith.constant 0 : index
    %get3A_48 = arith.constant 0 : index
    %get3A_49 = vector.load %arg4[%get3A_47, %get3A_48] : memref<8x16xf32, #tpu.memory_space<vmem>>, vector<8x16xf32>
    %dot_general3A_50 = arith.constant dense<0.000000e+00> : vector<8x2560xf32>
    %dot_general3A_51 = tpu.matmul %get3A_49, %max3A_46, %dot_general3A_50 {dimension_numbers = #tpu.dot_dimension_numbers<[1], [0], [0], [1], [0, 0, 1, 1], [], []>, precision = #tpu.contract_precision<fp32>, transpose_lhs_hint = false} : vector<8x16xf32>, vector<16x2560xf32>, vector<8x2560xf32> -> vector<8x2560xf32>
    %get3A_52 = arith.constant 0 : index
    %get3A_53 = arith.constant 0 : index
    %get3A_54 = vector.load %arg5[%get3A_52, %get3A_53] : memref<8x1xf32, #tpu.memory_space<vmem>>, vector<8x1xf32>
    %add3A_55 = vector.broadcast %get3A_54 : vector<8x1xf32> to vector<8x2560xf32>
    %add3A_56 = arith.addf %dot_general3A_51, %add3A_55 : vector<8x2560xf32>
    %reduce_max3A = arith.constant dense<0xFF800000> : vector<2560xf32>
    %reduce_max3A_57 = vector.multi_reduction <maximumf>, %add3A_56, %reduce_max3A [0] : vector<8x2560xf32> to vector<2560xf32>
    %broadcast_in_dim3A_58 = vector.shape_cast %reduce_max3A_57 : vector<2560xf32> to vector<1x2560xf32>
    %sub3A_59 = vector.broadcast %broadcast_in_dim3A_58 : vector<1x2560xf32> to vector<8x2560xf32>
    %sub3A_60 = arith.subf %add3A_56, %sub3A_59 : vector<8x2560xf32>
    %exp3A = math.exp %sub3A_60 : vector<8x2560xf32>
    %reduce_sum3A = arith.constant dense<0.000000e+00> : vector<2560xf32>
    %reduce_sum3A_61 = vector.multi_reduction <add>, %exp3A, %reduce_sum3A [0] : vector<8x2560xf32> to vector<2560xf32>
    %broadcast_in_dim3A_62 = vector.shape_cast %reduce_sum3A_61 : vector<2560xf32> to vector<1x2560xf32>
    %div3A_63 = vector.broadcast %broadcast_in_dim3A_62 : vector<1x2560xf32> to vector<8x2560xf32>
    %div3A_64 = arith.divf %exp3A, %div3A_63 : vector<8x2560xf32>
    %add3A_65 = arith.constant 5.000000e-01 : f32
    %add3A_66 = vector.broadcast %add3A_65 : f32 to vector<8x2560xf32>
    %add3A_67 = arith.addf %div3A_64, %add3A_66 : vector<8x2560xf32>
    %transpose3A_68 = tpu.transpose %add3A_67, [1, 0] : vector<8x2560xf32> -> vector<2560x8xf32>
    %swap3A = arith.constant 0 : index
    %swap3A_69 = arith.constant 0 : index
    %swap3A_70 = vector.load %arg9[%swap3A, %swap3A_69] : memref<2560x8xf32, #tpu.memory_space<vmem>>, vector<2560x8xf32>
    tpu.vector_store %arg9[%swap3A, %swap3A_69], %transpose3A_68 {strides = array<i32>} : memref<2560x8xf32, #tpu.memory_space<vmem>>, vector<2560x8xf32>,
    return
  }
  func.func @transform_0(%arg0: i32) -> (i32, i32) {
    %c0_i32 = arith.constant 0 : i32
    %c0_i32_0 = arith.constant 0 : i32
    return %c0_i32, %arg0 : i32, i32
  }
  func.func @transform_1(%arg0: i32) -> (i32, i32) {
    %c0_i32 = arith.constant 0 : i32
    %c0_i32_0 = arith.constant 0 : i32
    return %c0_i32, %arg0 : i32, i32
  }
  func.func @transform_2(%arg0: i32) -> (i32, i32) {
    %c0_i32 = arith.constant 0 : i32
    %c0_i32_0 = arith.constant 0 : i32
    %c0_i32_1 = arith.constant 0 : i32
    return %c0_i32, %c0_i32_0 : i32, i32
  }
  func.func @transform_3(%arg0: i32) -> (i32, i32) {
    %c0_i32 = arith.constant 0 : i32
    %c0_i32_0 = arith.constant 0 : i32
    %c0_i32_1 = arith.constant 0 : i32
    return %c0_i32, %c0_i32_0 : i32, i32
  }
  func.func @transform_4(%arg0: i32) -> (i32, i32) {
    %c0_i32 = arith.constant 0 : i32
    %c0_i32_0 = arith.constant 0 : i32
    %c0_i32_1 = arith.constant 0 : i32
    return %c0_i32, %c0_i32_0 : i32, i32
  }
  func.func @transform_5(%arg0: i32) -> (i32, i32) {
    %c0_i32 = arith.constant 0 : i32
    %c0_i32_0 = arith.constant 0 : i32
    %c0_i32_1 = arith.constant 0 : i32
    return %c0_i32, %c0_i32_0 : i32, i32
  }
  func.func @transform_6(%arg0: i32) -> (i32, i32) {
    %c0_i32 = arith.constant 0 : i32
    %c0_i32_0 = arith.constant 0 : i32
    %c0_i32_1 = arith.constant 0 : i32
    return %c0_i32, %c0_i32_0 : i32, i32
  }
  func.func @transform_7(%arg0: i32) -> (i32, i32) {
    %c0_i32 = arith.constant 0 : i32
    %c0_i32_0 = arith.constant 0 : i32
    %c0_i32_1 = arith.constant 0 : i32
    return %c0_i32, %c0_i32_0 : i32, i32
  }
  func.func @transform_8(%arg0: i32) -> (i32, i32) {
    %c0_i32 = arith.constant 0 : i32
    %c0_i32_0 = arith.constant 0 : i32
    return %arg0, %c0_i32 : i32, i32
  }
}

module attributes {stable_mosaic.version = 14 : i64} {
  func.func @_fin_stats_body(%arg0: i32, %arg1: memref<512x160xf32, #tpu.memory_space<vmem>>, %arg2: memref<512x512xf32, #tpu.memory_space<vmem>>, %arg3: memref<512x64xf32, #tpu.memory_space<vmem>>, %arg4: memref<512x64xf32, #tpu.memory_space<vmem>>, %arg5: memref<8x128xf32, #tpu.memory_space<vmem>>) attributes {dimension_semantics = [#tpu.dimension_semantics<arbitrary>], iteration_bounds = array<i64: 16>, scalar_prefetch = 0 : i64, scratch_operands = 0 : i64, tpu.core_type = #tpu.core_type<tc>, window_params = [{transform_indices = @transform_0, window_bounds = array<i64: 512, 160>}, {transform_indices = @transform_1, window_bounds = array<i64: 512, 512>}, {transform_indices = @transform_2, window_bounds = array<i64: 512, 64>}, {transform_indices = @transform_3, window_bounds = array<i64: 512, 64>}, {pipeline_mode = #tpu.pipeline_mode<synchronous>, transform_indices = @transform_4, window_bounds = array<i64: 8, 128>}]} {
    %get3A = arith.constant 0 : index
    %get3A_0 = arith.constant 0 : index
    %get3A_1 = vector.load %arg1[%get3A, %get3A_0] : memref<512x160xf32, #tpu.memory_space<vmem>>, vector<512x160xf32>
    %get3A_2 = arith.constant 0 : index
    %get3A_3 = arith.constant 0 : index
    %get3A_4 = vector.load %arg2[%get3A_2, %get3A_3] : memref<512x512xf32, #tpu.memory_space<vmem>>, vector<512x512xf32>
    %slice3A = vector.extract_strided_slice %get3A_1 {offsets = [0, 0], sizes = [512, 8], strides = [1, 1]} : vector<512x160xf32> to vector<512x8xf32>
    %slice3A_5 = vector.extract_strided_slice %get3A_1 {offsets = [0, 8], sizes = [512, 8], strides = [1, 1]} : vector<512x160xf32> to vector<512x8xf32>
    %add3A = arith.addf %slice3A, %slice3A_5 : vector<512x8xf32>
    %slice3A_6 = vector.extract_strided_slice %get3A_1 {offsets = [0, 16], sizes = [512, 8], strides = [1, 1]} : vector<512x160xf32> to vector<512x8xf32>
    %add3A_7 = arith.addf %add3A, %slice3A_6 : vector<512x8xf32>
    %slice3A_8 = vector.extract_strided_slice %get3A_1 {offsets = [0, 24], sizes = [512, 8], strides = [1, 1]} : vector<512x160xf32> to vector<512x8xf32>
    %add3A_9 = arith.addf %add3A_7, %slice3A_8 : vector<512x8xf32>
    %slice3A_10 = vector.extract_strided_slice %get3A_1 {offsets = [0, 32], sizes = [512, 8], strides = [1, 1]} : vector<512x160xf32> to vector<512x8xf32>
    %add3A_11 = arith.addf %add3A_9, %slice3A_10 : vector<512x8xf32>
    %slice3A_12 = vector.extract_strided_slice %get3A_1 {offsets = [0, 40], sizes = [512, 8], strides = [1, 1]} : vector<512x160xf32> to vector<512x8xf32>
    %add3A_13 = arith.addf %add3A_11, %slice3A_12 : vector<512x8xf32>
    %slice3A_14 = vector.extract_strided_slice %get3A_1 {offsets = [0, 48], sizes = [512, 8], strides = [1, 1]} : vector<512x160xf32> to vector<512x8xf32>
    %add3A_15 = arith.addf %add3A_13, %slice3A_14 : vector<512x8xf32>
    %slice3A_16 = vector.extract_strided_slice %get3A_1 {offsets = [0, 56], sizes = [512, 8], strides = [1, 1]} : vector<512x160xf32> to vector<512x8xf32>
    %add3A_17 = arith.addf %add3A_15, %slice3A_16 : vector<512x8xf32>
    %slice3A_18 = vector.extract_strided_slice %get3A_1 {offsets = [0, 64], sizes = [512, 8], strides = [1, 1]} : vector<512x160xf32> to vector<512x8xf32>
    %add3A_19 = arith.addf %add3A_17, %slice3A_18 : vector<512x8xf32>
    %slice3A_20 = vector.extract_strided_slice %get3A_1 {offsets = [0, 72], sizes = [512, 8], strides = [1, 1]} : vector<512x160xf32> to vector<512x8xf32>
    %add3A_21 = arith.addf %add3A_19, %slice3A_20 : vector<512x8xf32>
    %slice3A_22 = vector.extract_strided_slice %get3A_1 {offsets = [0, 80], sizes = [512, 8], strides = [1, 1]} : vector<512x160xf32> to vector<512x8xf32>
    %add3A_23 = arith.addf %add3A_21, %slice3A_22 : vector<512x8xf32>
    %slice3A_24 = vector.extract_strided_slice %get3A_1 {offsets = [0, 88], sizes = [512, 8], strides = [1, 1]} : vector<512x160xf32> to vector<512x8xf32>
    %add3A_25 = arith.addf %add3A_23, %slice3A_24 : vector<512x8xf32>
    %slice3A_26 = vector.extract_strided_slice %get3A_1 {offsets = [0, 96], sizes = [512, 8], strides = [1, 1]} : vector<512x160xf32> to vector<512x8xf32>
    %add3A_27 = arith.addf %add3A_25, %slice3A_26 : vector<512x8xf32>
    %slice3A_28 = vector.extract_strided_slice %get3A_1 {offsets = [0, 104], sizes = [512, 8], strides = [1, 1]} : vector<512x160xf32> to vector<512x8xf32>
    %add3A_29 = arith.addf %add3A_27, %slice3A_28 : vector<512x8xf32>
    %slice3A_30 = vector.extract_strided_slice %get3A_1 {offsets = [0, 112], sizes = [512, 8], strides = [1, 1]} : vector<512x160xf32> to vector<512x8xf32>
    %add3A_31 = arith.addf %add3A_29, %slice3A_30 : vector<512x8xf32>
    %slice3A_32 = vector.extract_strided_slice %get3A_1 {offsets = [0, 120], sizes = [512, 8], strides = [1, 1]} : vector<512x160xf32> to vector<512x8xf32>
    %add3A_33 = arith.addf %add3A_31, %slice3A_32 : vector<512x8xf32>
    %slice3A_34 = vector.extract_strided_slice %get3A_1 {offsets = [0, 128], sizes = [512, 8], strides = [1, 1]} : vector<512x160xf32> to vector<512x8xf32>
    %add3A_35 = arith.addf %add3A_33, %slice3A_34 : vector<512x8xf32>
    %slice3A_36 = vector.extract_strided_slice %get3A_1 {offsets = [0, 136], sizes = [512, 8], strides = [1, 1]} : vector<512x160xf32> to vector<512x8xf32>
    %add3A_37 = arith.addf %add3A_35, %slice3A_36 : vector<512x8xf32>
    %slice3A_38 = vector.extract_strided_slice %get3A_1 {offsets = [0, 144], sizes = [512, 8], strides = [1, 1]} : vector<512x160xf32> to vector<512x8xf32>
    %add3A_39 = arith.addf %add3A_37, %slice3A_38 : vector<512x8xf32>
    %slice3A_40 = vector.extract_strided_slice %get3A_1 {offsets = [0, 152], sizes = [512, 8], strides = [1, 1]} : vector<512x160xf32> to vector<512x8xf32>
    %add3A_41 = arith.addf %add3A_39, %slice3A_40 : vector<512x8xf32>
    %slice3A_42 = vector.extract_strided_slice %add3A_41 {offsets = [0, 0], sizes = [512, 1], strides = [1, 1]} : vector<512x8xf32> to vector<512x1xf32>
    %slice3A_43 = vector.extract_strided_slice %get3A_4 {offsets = [0, 0], sizes = [512, 64], strides = [1, 1]} : vector<512x512xf32> to vector<512x64xf32>
    %mul3A = vector.broadcast %slice3A_42 : vector<512x1xf32> to vector<512x64xf32>
    %mul3A_44 = arith.mulf %mul3A, %slice3A_43 : vector<512x64xf32>
    %slice3A_45 = vector.extract_strided_slice %add3A_41 {offsets = [0, 1], sizes = [512, 1], strides = [1, 1]} : vector<512x8xf32> to vector<512x1xf32>
    %slice3A_46 = vector.extract_strided_slice %get3A_4 {offsets = [0, 64], sizes = [512, 64], strides = [1, 1]} : vector<512x512xf32> to vector<512x64xf32>
    %mul3A_47 = vector.broadcast %slice3A_45 : vector<512x1xf32> to vector<512x64xf32>
    %mul3A_48 = arith.mulf %mul3A_47, %slice3A_46 : vector<512x64xf32>
    %add3A_49 = arith.addf %mul3A_44, %mul3A_48 : vector<512x64xf32>
    %slice3A_50 = vector.extract_strided_slice %add3A_41 {offsets = [0, 2], sizes = [512, 1], strides = [1, 1]} : vector<512x8xf32> to vector<512x1xf32>
    %slice3A_51 = vector.extract_strided_slice %get3A_4 {offsets = [0, 128], sizes = [512, 64], strides = [1, 1]} : vector<512x512xf32> to vector<512x64xf32>
    %mul3A_52 = vector.broadcast %slice3A_50 : vector<512x1xf32> to vector<512x64xf32>
    %mul3A_53 = arith.mulf %mul3A_52, %slice3A_51 : vector<512x64xf32>
    %add3A_54 = arith.addf %add3A_49, %mul3A_53 : vector<512x64xf32>
    %slice3A_55 = vector.extract_strided_slice %add3A_41 {offsets = [0, 3], sizes = [512, 1], strides = [1, 1]} : vector<512x8xf32> to vector<512x1xf32>
    %slice3A_56 = vector.extract_strided_slice %get3A_4 {offsets = [0, 192], sizes = [512, 64], strides = [1, 1]} : vector<512x512xf32> to vector<512x64xf32>
    %mul3A_57 = vector.broadcast %slice3A_55 : vector<512x1xf32> to vector<512x64xf32>
    %mul3A_58 = arith.mulf %mul3A_57, %slice3A_56 : vector<512x64xf32>
    %add3A_59 = arith.addf %add3A_54, %mul3A_58 : vector<512x64xf32>
    %slice3A_60 = vector.extract_strided_slice %add3A_41 {offsets = [0, 4], sizes = [512, 1], strides = [1, 1]} : vector<512x8xf32> to vector<512x1xf32>
    %slice3A_61 = vector.extract_strided_slice %get3A_4 {offsets = [0, 256], sizes = [512, 64], strides = [1, 1]} : vector<512x512xf32> to vector<512x64xf32>
    %mul3A_62 = vector.broadcast %slice3A_60 : vector<512x1xf32> to vector<512x64xf32>
    %mul3A_63 = arith.mulf %mul3A_62, %slice3A_61 : vector<512x64xf32>
    %add3A_64 = arith.addf %add3A_59, %mul3A_63 : vector<512x64xf32>
    %slice3A_65 = vector.extract_strided_slice %add3A_41 {offsets = [0, 5], sizes = [512, 1], strides = [1, 1]} : vector<512x8xf32> to vector<512x1xf32>
    %slice3A_66 = vector.extract_strided_slice %get3A_4 {offsets = [0, 320], sizes = [512, 64], strides = [1, 1]} : vector<512x512xf32> to vector<512x64xf32>
    %mul3A_67 = vector.broadcast %slice3A_65 : vector<512x1xf32> to vector<512x64xf32>
    %mul3A_68 = arith.mulf %mul3A_67, %slice3A_66 : vector<512x64xf32>
    %add3A_69 = arith.addf %add3A_64, %mul3A_68 : vector<512x64xf32>
    %slice3A_70 = vector.extract_strided_slice %add3A_41 {offsets = [0, 6], sizes = [512, 1], strides = [1, 1]} : vector<512x8xf32> to vector<512x1xf32>
    %slice3A_71 = vector.extract_strided_slice %get3A_4 {offsets = [0, 384], sizes = [512, 64], strides = [1, 1]} : vector<512x512xf32> to vector<512x64xf32>
    %mul3A_72 = vector.broadcast %slice3A_70 : vector<512x1xf32> to vector<512x64xf32>
    %mul3A_73 = arith.mulf %mul3A_72, %slice3A_71 : vector<512x64xf32>
    %add3A_74 = arith.addf %add3A_69, %mul3A_73 : vector<512x64xf32>
    %slice3A_75 = vector.extract_strided_slice %add3A_41 {offsets = [0, 7], sizes = [512, 1], strides = [1, 1]} : vector<512x8xf32> to vector<512x1xf32>
    %slice3A_76 = vector.extract_strided_slice %get3A_4 {offsets = [0, 448], sizes = [512, 64], strides = [1, 1]} : vector<512x512xf32> to vector<512x64xf32>
    %mul3A_77 = vector.broadcast %slice3A_75 : vector<512x1xf32> to vector<512x64xf32>
    %mul3A_78 = arith.mulf %mul3A_77, %slice3A_76 : vector<512x64xf32>
    %add3A_79 = arith.addf %add3A_74, %mul3A_78 : vector<512x64xf32>
    %get3A_80 = arith.constant 0 : index
    %get3A_81 = arith.constant 0 : index
    %get3A_82 = vector.load %arg3[%get3A_80, %get3A_81] : memref<512x64xf32, #tpu.memory_space<vmem>>, vector<512x64xf32>
    %sub3A = arith.subf %get3A_82, %add3A_79 : vector<512x64xf32>
    %swap3A = arith.constant 0 : index
    %swap3A_83 = arith.constant 0 : index
    %swap3A_84 = vector.load %arg4[%swap3A, %swap3A_83] : memref<512x64xf32, #tpu.memory_space<vmem>>, vector<512x64xf32>
    tpu.vector_store %arg4[%swap3A, %swap3A_83], %sub3A {strides = array<i32>} : memref<512x64xf32, #tpu.memory_space<vmem>>, vector<512x64xf32>,
    %reduce_sum3A = arith.constant dense<0.000000e+00> : vector<64xf32>
    %reduce_sum3A_85 = vector.multi_reduction <add>, %sub3A, %reduce_sum3A [0] : vector<512x64xf32> to vector<64xf32>
    %broadcast_in_dim3A = vector.shape_cast %reduce_sum3A_85 : vector<64xf32> to vector<1x64xf32>
    %mul3A_86 = arith.mulf %sub3A, %sub3A : vector<512x64xf32>
    %reduce_sum3A_87 = arith.constant dense<0.000000e+00> : vector<64xf32>
    %reduce_sum3A_88 = vector.multi_reduction <add>, %mul3A_86, %reduce_sum3A_87 [0] : vector<512x64xf32> to vector<64xf32>
    %broadcast_in_dim3A_89 = vector.shape_cast %reduce_sum3A_88 : vector<64xf32> to vector<1x64xf32>
    %broadcast_in_dim3A_90 = arith.constant 0.000000e+00 : f32
    %broadcast_in_dim3A_91 = vector.broadcast %broadcast_in_dim3A_90 : f32 to vector<1x64xf32>
    %concatenate3A = tpu.concatenate %broadcast_in_dim3A, %broadcast_in_dim3A_91 in 1 : vector<1x64xf32>, vector<1x64xf32> -> vector<1x128xf32>
    %concatenate3A_92 = tpu.concatenate %broadcast_in_dim3A_89, %broadcast_in_dim3A_91 in 1 : vector<1x64xf32>, vector<1x64xf32> -> vector<1x128xf32>
    %broadcast_in_dim3A_93 = arith.constant 0.000000e+00 : f32
    %broadcast_in_dim3A_94 = vector.broadcast %broadcast_in_dim3A_93 : f32 to vector<6x128xf32>
    %concatenate3A_95 = tpu.concatenate %concatenate3A, %concatenate3A_92, %broadcast_in_dim3A_94 in 0 : vector<1x128xf32>, vector<1x128xf32>, vector<6x128xf32> -> vector<8x128xf32>
    %eq3A = arith.constant 0 : i32
    %eq3A_96 = arith.cmpi eq, %arg0, %eq3A : i32
    %convert_element_type3A = arith.extui %eq3A_96 : i1 to i32
    %cond3A = arith.constant 0 : i32
    %cond3A_97 = arith.cmpi ne, %convert_element_type3A, %cond3A : i32
    scf.if %cond3A_97 {
      %swap3A_102 = arith.constant 0 : index
      %swap3A_103 = arith.constant 0 : index
      %swap3A_104 = vector.load %arg5[%swap3A_102, %swap3A_103] : memref<8x128xf32, #tpu.memory_space<vmem>>, vector<8x128xf32>
      tpu.vector_store %arg5[%swap3A_102, %swap3A_103], %concatenate3A_95 {strides = array<i32>} : memref<8x128xf32, #tpu.memory_space<vmem>>, vector<8x128xf32>,
    } else {
    }
    %ne3A = arith.constant 0 : i32
    %ne3A_98 = arith.cmpi ne, %arg0, %ne3A : i32
    %convert_element_type3A_99 = arith.extui %ne3A_98 : i1 to i32
    %cond3A_100 = arith.constant 0 : i32
    %cond3A_101 = arith.cmpi ne, %convert_element_type3A_99, %cond3A_100 : i32
    scf.if %cond3A_101 {
      %get3A_102 = arith.constant 0 : index
      %get3A_103 = arith.constant 0 : index
      %get3A_104 = vector.load %arg5[%get3A_102, %get3A_103] : memref<8x128xf32, #tpu.memory_space<vmem>>, vector<8x128xf32>
      %add3A_105 = arith.addf %get3A_104, %concatenate3A_95 : vector<8x128xf32>
      %swap3A_106 = arith.constant 0 : index
      %swap3A_107 = arith.constant 0 : index
      %swap3A_108 = vector.load %arg5[%swap3A_106, %swap3A_107] : memref<8x128xf32, #tpu.memory_space<vmem>>, vector<8x128xf32>
      tpu.vector_store %arg5[%swap3A_106, %swap3A_107], %add3A_105 {strides = array<i32>} : memref<8x128xf32, #tpu.memory_space<vmem>>, vector<8x128xf32>,
    } else {
    }
    return
  }
  func.func @transform_0(%arg0: i32) -> (i32, i32) {
    %c0_i32 = arith.constant 0 : i32
    %c0_i32_0 = arith.constant 0 : i32
    return %arg0, %c0_i32 : i32, i32
  }
  func.func @transform_1(%arg0: i32) -> (i32, i32) {
    %c0_i32 = arith.constant 0 : i32
    %c0_i32_0 = arith.constant 0 : i32
    return %arg0, %c0_i32 : i32, i32
  }
  func.func @transform_2(%arg0: i32) -> (i32, i32) {
    %c0_i32 = arith.constant 0 : i32
    %c0_i32_0 = arith.constant 0 : i32
    return %arg0, %c0_i32 : i32, i32
  }
  func.func @transform_3(%arg0: i32) -> (i32, i32) {
    %c0_i32 = arith.constant 0 : i32
    %c0_i32_0 = arith.constant 0 : i32
    return %arg0, %c0_i32 : i32, i32
  }
  func.func @transform_4(%arg0: i32) -> (i32, i32) {
    %c0_i32 = arith.constant 0 : i32
    %c0_i32_0 = arith.constant 0 : i32
    %c0_i32_1 = arith.constant 0 : i32
    return %c0_i32, %c0_i32_0 : i32, i32
  }
}

module attributes {stable_mosaic.version = 14 : i64} {
  func.func @_fin_apply_body(%arg0: i32, %arg1: i32, %arg2: memref<512x64xf32, #tpu.memory_space<vmem>>, %arg3: memref<8x128xf32, #tpu.memory_space<vmem>>, %arg4: memref<1x64xf32, #tpu.memory_space<vmem>>, %arg5: memref<1x64xf32, #tpu.memory_space<vmem>>, %arg6: memref<1x64x512xf32, #tpu.memory_space<vmem>>) attributes {dimension_semantics = [#tpu.dimension_semantics<arbitrary>, #tpu.dimension_semantics<arbitrary>], iteration_bounds = array<i64: 8, 2>, scalar_prefetch = 0 : i64, scratch_operands = 0 : i64, tpu.core_type = #tpu.core_type<tc>, window_params = [{transform_indices = @transform_0, window_bounds = array<i64: 512, 64>}, {pipeline_mode = #tpu.pipeline_mode<synchronous>, transform_indices = @transform_1, window_bounds = array<i64: 8, 128>}, {pipeline_mode = #tpu.pipeline_mode<synchronous>, transform_indices = @transform_2, window_bounds = array<i64: 1, 64>}, {pipeline_mode = #tpu.pipeline_mode<synchronous>, transform_indices = @transform_3, window_bounds = array<i64: 1, 64>}, {transform_indices = @transform_4, window_bounds = array<i64: 1, 64, 512>}]} {
    %get3A = arith.constant 0 : index
    %get3A_0 = arith.constant 0 : index
    %get3A_1 = vector.load %arg3[%get3A, %get3A_0] : memref<8x128xf32, #tpu.memory_space<vmem>>, vector<1x64xf32>
    %div3A = arith.constant 8.192000e+03 : f32
    %div3A_2 = vector.broadcast %div3A : f32 to vector<1x64xf32>
    %div3A_3 = arith.divf %get3A_1, %div3A_2 : vector<1x64xf32>
    %get3A_4 = arith.constant 1 : index
    %get3A_5 = arith.constant 0 : index
    %get3A_6 = vector.load %arg3[%get3A_4, %get3A_5] : memref<8x128xf32, #tpu.memory_space<vmem>>, vector<1x64xf32>
    %div3A_7 = arith.constant 8.192000e+03 : f32
    %div3A_8 = vector.broadcast %div3A_7 : f32 to vector<1x64xf32>
    %div3A_9 = arith.divf %get3A_6, %div3A_8 : vector<1x64xf32>
    %mul3A = arith.mulf %div3A_3, %div3A_3 : vector<1x64xf32>
    %sub3A = arith.subf %div3A_9, %mul3A : vector<1x64xf32>
    %get3A_10 = arith.constant 0 : index
    %get3A_11 = arith.constant 0 : index
    %get3A_12 = vector.load %arg4[%get3A_10, %get3A_11] : memref<1x64xf32, #tpu.memory_space<vmem>>, vector<1x64xf32>
    %add3A = arith.constant 9.99999974E-6 : f32
    %add3A_13 = vector.broadcast %add3A : f32 to vector<1x64xf32>
    %add3A_14 = arith.addf %sub3A, %add3A_13 : vector<1x64xf32>
    %sqrt3A = math.sqrt %add3A_14 : vector<1x64xf32>
    %div3A_15 = arith.divf %get3A_12, %sqrt3A : vector<1x64xf32>
    %get3A_16 = arith.constant 0 : index
    %get3A_17 = arith.constant 0 : index
    %get3A_18 = vector.load %arg5[%get3A_16, %get3A_17] : memref<1x64xf32, #tpu.memory_space<vmem>>, vector<1x64xf32>
    %mul3A_19 = arith.mulf %div3A_3, %div3A_15 : vector<1x64xf32>
    %sub3A_20 = arith.subf %get3A_18, %mul3A_19 : vector<1x64xf32>
    %get3A_21 = arith.constant 0 : index
    %get3A_22 = arith.constant 0 : index
    %get3A_23 = vector.load %arg2[%get3A_21, %get3A_22] : memref<512x64xf32, #tpu.memory_space<vmem>>, vector<512x64xf32>
    %mul3A_24 = vector.broadcast %div3A_15 : vector<1x64xf32> to vector<512x64xf32>
    %mul3A_25 = arith.mulf %get3A_23, %mul3A_24 : vector<512x64xf32>
    %add3A_26 = vector.broadcast %sub3A_20 : vector<1x64xf32> to vector<512x64xf32>
    %add3A_27 = arith.addf %mul3A_25, %add3A_26 : vector<512x64xf32>
    %max3A = arith.constant 0.000000e+00 : f32
    %max3A_28 = vector.broadcast %max3A : f32 to vector<512x64xf32>
    %max3A_29 = arith.maximumf %add3A_27, %max3A_28 : vector<512x64xf32>
    %transpose3A = tpu.transpose %max3A_29, [1, 0] : vector<512x64xf32> -> vector<64x512xf32>
    %swap3A = arith.constant 0 : index
    %swap3A_30 = arith.constant 0 : index
    %swap3A_31 = arith.constant 0 : index
    %swap3A_32 = vector.load %arg6[%swap3A, %swap3A_30, %swap3A_31] : memref<1x64x512xf32, #tpu.memory_space<vmem>>, vector<1x64x512xf32>
    %swap3A_33 = vector.shape_cast %swap3A_32 : vector<1x64x512xf32> to vector<64x512xf32>
    %swap3A_34 = vector.shape_cast %transpose3A : vector<64x512xf32> to vector<1x64x512xf32>
    tpu.vector_store %arg6[%swap3A, %swap3A_30, %swap3A_31], %swap3A_34 {strides = array<i32>} : memref<1x64x512xf32, #tpu.memory_space<vmem>>, vector<1x64x512xf32>,
    return
  }
  func.func @transform_0(%arg0: i32, %arg1: i32) -> (i32, i32) {
    %mul3A = arith.constant 2 : i32
    %mul3A_0 = arith.muli %arg0, %mul3A : i32
    %add3A = arith.addi %mul3A_0, %arg1 : i32
    %c0_i32 = arith.constant 0 : i32
    %c0_i32_1 = arith.constant 0 : i32
    return %add3A, %c0_i32 : i32, i32
  }
  func.func @transform_1(%arg0: i32, %arg1: i32) -> (i32, i32) {
    %c0_i32 = arith.constant 0 : i32
    %c0_i32_0 = arith.constant 0 : i32
    %c0_i32_1 = arith.constant 0 : i32
    return %c0_i32, %c0_i32_0 : i32, i32
  }
  func.func @transform_2(%arg0: i32, %arg1: i32) -> (i32, i32) {
    %c0_i32 = arith.constant 0 : i32
    %c0_i32_0 = arith.constant 0 : i32
    %c0_i32_1 = arith.constant 0 : i32
    return %c0_i32, %c0_i32_0 : i32, i32
  }
  func.func @transform_3(%arg0: i32, %arg1: i32) -> (i32, i32) {
    %c0_i32 = arith.constant 0 : i32
    %c0_i32_0 = arith.constant 0 : i32
    %c0_i32_1 = arith.constant 0 : i32
    return %c0_i32, %c0_i32_0 : i32, i32
  }
  func.func @transform_4(%arg0: i32, %arg1: i32) -> (i32, i32, i32) {
    %c0_i32 = arith.constant 0 : i32
    %c0_i32_0 = arith.constant 0 : i32
    return %arg0, %c0_i32, %arg1 : i32, i32, i32
  }
}

</mosaic_0001>

<sc_bundles>
// kernel: kernel.10.cloned.1.call-start
scs
__scs_entry_jumppad:
0x0: {  	(pc) =	sbr.rel $0x88, $3  }
0x1: {  	(tag) =	ssettag $0x0;
	lr =	simm.s32 $0x1  }
0x2: {  	[smem:$0x3F97] =	sst lr;
	_ =	strace $0xD0000000  }
0x3: {  	_ = 	snop  }
0x4: {  	_ = 	snop  }
0x5: {  	_ = 	snop  }
0x6: {  	_ = 	snop  }
0x7: {  	_ = 	snop  }
__scs_overlays_trampoline_lowered:
0x8: {  	[smem:$0x3FA6] =	sst s0  }
0x9: {  	[smem:$0x3FA7] =	sst s1  }
0xa: {  	[smem:$0x3FA8] =	sst s2  }
0xb: {  	[smem:$0x3FA9] =	sst s3  }
0xc: {  	[smem:$0x3FAA] =	sst s4  }
0xd: {  	[smem:$0x3FAB] =	sst s5  }
0xe: {  	[smem:$0x3FAC] =	sst s6  }
0xf: {  	[smem:$0x3FAD] =	sst s7  }
0x10: {  	[smem:$0x3FAE] =	sst s8  }
0x11: {  	[smem:$0x3FAF] =	sst s9;
	s0 =	simm.s32 @!p0 $0x0  }
0x12: {  	s1 =	sld [smem:$0x3F95];
	s0 =	simm.s32 @p0 $0x1  }
0x13: {  	[smem:$0x3FB0] =	sst s0;
	s0 =	simm.s32 @!p1 $0x0  }
0x14: {  	s2 =	sld [smem:$0x3F94];
	s0 =	simm.s32 @p1 $0x1  }
0x15: {  	[smem:$0x3FB1] =	sst s0;
	s0 =	simm.s32 @!p2 $0x0  }
0x16: {  	s3 =	sld [smem:$0x3FDB];
	s0 =	simm.s32 @p2 $0x1  }
0x17: {  	s4 =	simm.s32 $0x1BF5;
	[smem:$0x3FB3] =	sst s0  }
0x18: {  	s0 =	sld [smem:$0x3F96];
	_ =	swait.ge [sflag:s4], $0x0  }
0x19: {  	s7 =	sld [smem:$0x3F97]  }
0x1a: {  	s8 =	sadd.s32 $0xFFFFE003, lr  }
0x1b: {  	s9 =	sadd.s32 $0xFFFFFEF7, lr;
	s5 =	simm.s32 $0xFFFFFFFF;
	p2 =	slt.u32 s8, $0xFFFFF086  }
0x1c: {  	p1 =	slt.u32 s9, $0xF7A;
	s5 =	simm.s32 @!p2 $0x0  }
0x1d: {  	s5 =	simm.s32 @p1 $0x1;
	p0 =	seq.s32 s7, s2  }
0x1e: {  	s7 =	smul.u32 @!p0 $0xF7A, s2;
	p2 =	seq.s32 @!p0 s5, $0x0  }
0x1f: {  	s9 =	smul.u32 $0xF7A, s1;
	s8 =	simm.s32 @!p0 $0x1BF5;
	p2 =	por !p2, p0  }
0x20: {  	[sflag:s8] =	ssyncset.s32 @!p0 $0xFFFFF086;
	s6 =	sadd.s32 @!p0 s3, s7;
	s7 =	simm.s32 @!p0 $0x108  }
0x21: {  	s3 =	sadd.s32 s3, s9;
	s6 =	sadd.s32 @!p0 $0x88, s6;
	s7 =	simm.s32 @p2 $0x1082  }
0x22: {  	[simem:s7], [sflag:s8] =	dma.local @!p0 [hbm:s6], $0xF7A  }
0x23: {  	s9 =	sor.u32 $0xD0000000, s2;
	s6 =	simm.s32 $0x108;
	_ =	swait.ge @!p0 [sflag:s8], $0x0  }
0x24: {  	s3 =	sadd.s32 $0x88, s3;
	s6 =	simm.s32 @!p1 $0x1082;
	[sflag:s4] =	ssyncset.s32 $0xFFFFF086  }
0x25: {  	[simem:s6], [sflag:s4] =	dma.local [hbm:s3], $0xF7A  }
0x26: {  	[smem:$0x3F97] =	sst s1;
	(tag) =	ssettag s2;
	_ =	strace s9  }
0x27: {  	s1 =	sld [smem:$0x3FA7]  }
0x28: {  	s2 =	sld [smem:$0x3FA8]  }
0x29: {  	s4 =	sld [smem:$0x3FAA]  }
0x2a: {  	p0 =	seq.s32 s5, $0x0;
	s5 =	sld [smem:$0x3FAB]  }
0x2b: {  	s6 =	sld [smem:$0x3FAC]  }
0x2c: {  	s7 =	sld [smem:$0x3FAD]  }
0x2d: {  	s3 =	simm.s32 $0x108;
	s8 =	sld [smem:$0x3FAE]  }
0x2e: {  	s3 =	simm.s32 @!p0 $0x1082;
	s9 =	sld [smem:$0x3FAF]  }
0x2f: {  	lr =	sadd.s32 s0, s3;
	s0 =	sld [smem:$0x3FA6]  }
0x30: {  	s3 =	sld [smem:$0x3FA9]  }
0x31: {  	[smem:$0x3FB2] =	sst s10  }
0x32: {  	s10 =	sld [smem:$0x3FB0];
	_ =	sdelay $0x3  }
0x33: {  	p0 =	seq.s32 s10, $0x1;
	s10 =	sld [smem:$0x3FB2];
	_ =	sdelay $0x3  }
0x34: {  	[smem:$0x3FB2] =	sst s10  }
0x35: {  	s10 =	sld [smem:$0x3FB1];
	_ =	sdelay $0x3  }
0x36: {  	p1 =	seq.s32 s10, $0x1;
	s10 =	sld [smem:$0x3FB2];
	_ =	sdelay $0x3  }
0x37: {  	[smem:$0x3FB2] =	sst s10  }
0x38: {  	s10 =	sld [smem:$0x3FB3]  }
0x39: {  	_ = 	snop;
	(pc) =	sbr.ind lr, $3  }
0x3a: {  	_ = 	snop  }
0x3b: {  	_ = 	snop  }
0x3c: {  	p2 =	seq.s32 s10, $0x1;
	s10 =	sld [smem:$0x3FB2]  }
0x3d: {  	_ =	shalt  }
0x3e: {  	_ =	shalt  }
0x3f: {  	_ =	shalt  }
0x40: {  	_ =	shalt  }
0x41: {  	_ =	shalt  }
0x42: {  	_ =	shalt  }
0x43: {  	_ =	shalt  }
0x44: {  	_ =	shalt  }
0x45: {  	_ =	shalt  }
0x46: {  	_ =	shalt  }
0x47: {  	_ =	shalt  }
0x48: {  	_ =	shalt  }
0x49: {  	_ =	shalt  }
0x4a: {  	_ =	shalt  }
0x4b: {  	_ =	shalt  }
0x4c: {  	_ =	shalt  }
0x4d: {  	_ =	shalt  }
0x4e: {  	_ =	shalt  }
0x4f: {  	_ =	shalt  }
0x50: {  	_ =	shalt  }
0x51: {  	_ =	shalt  }
0x52: {  	_ =	shalt  }
0x53: {  	_ =	shalt  }
0x54: {  	_ =	shalt  }
0x55: {  	_ =	shalt  }
0x56: {  	_ =	shalt  }
0x57: {  	_ =	shalt  }
0x58: {  	_ =	shalt  }
0x59: {  	_ =	shalt  }
0x5a: {  	_ =	shalt  }
0x5b: {  	_ =	shalt  }
0x5c: {  	_ =	shalt  }
0x5d: {  	_ =	shalt  }
0x5e: {  	_ =	shalt  }
0x5f: {  	_ =	shalt  }
0x60: {  	_ =	shalt  }
0x61: {  	_ =	shalt  }
0x62: {  	_ =	shalt  }
0x63: {  	_ =	shalt  }
0x64: {  	_ =	shalt  }
0x65: {  	_ =	shalt  }
0x66: {  	_ =	shalt  }
0x67: {  	_ =	shalt  }
0x68: {  	_ =	shalt  }
0x69: {  	_ =	shalt  }
0x6a: {  	_ =	shalt  }
0x6b: {  	_ =	shalt  }
0x6c: {  	_ =	shalt  }
0x6d: {  	_ =	shalt  }
0x6e: {  	_ =	shalt  }
0x6f: {  	_ =	shalt  }
0x70: {  	_ =	shalt  }
0x71: {  	_ =	shalt  }
0x72: {  	_ =	shalt  }
0x73: {  	_ =	shalt  }
0x74: {  	_ =	shalt  }
0x75: {  	_ =	shalt  }
0x76: {  	_ =	shalt  }
0x77: {  	_ =	shalt  }
0x78: {  	_ =	shalt  }
0x79: {  	_ =	shalt  }
0x7a: {  	_ =	shalt  }
0x7b: {  	_ =	shalt  }
0x7c: {  	_ =	shalt  }
0x7d: {  	_ =	shalt  }
0x7e: {  	_ =	shalt  }
0x7f: {  	_ =	shalt  }
0x80: {  	_ =	shalt  }
0x81: {  	_ =	shalt  }
0x82: {  	_ =	shalt  }
0x83: {  	_ =	shalt  }
0x84: {  	_ =	shalt  }
0x85: {  	_ =	shalt  }
0x86: {  	_ =	shalt  }
0x87: {  	_ =	shalt  }
.Lfunc_end0:
.L_simem_size_0:
called_computation_lowered:
.L_overlay_start_0:
0x88: {  	s2 =	sld [smem:$0x3FD9]  }
0x89: {  	s3 =	sld [smem:$0x3FFE];
	_ =	sdelay $0x1  }
0x8a: {  	s1 =	srdreg.scid  }
0x8b: {  	s0 =	sand.u32 $0x1, s1  }
0x8c: {  	s17 =	sshll.u32 s0, $0xA;
	s2 =	sadd.s32 s3, s2  }
0x8d: {  	s2 =	sadd.s32 s2, s17  }
0x8e: {  	[smem:$0x3FBE] =	sst s2  }
0x8f: {  	_ = 	snop  }
0x90: {  	s2 =	sld [smem:$0x3FD0];
	(tm) =	ssettm $0x1  }
0x91: {  	s18 =	sld [smem:$0x3FFB];
	_ =	sdelay $0x3  }
0x92: {  	_ =	strace s18  }
0x93: {  	s3 =	sld [smem:$0x3FFC];
	_ =	sdelay $0x3  }
0x94: {  	_ =	strace s3  }
0x95: {  	s3 =	sld [smem:$0x3FFD];
	_ =	sdelay $0x3  }
0x96: {  	_ =	strace s3  }
0x97: {  	_ =	strace $0x8FFFFFFF  }
0x98: {  	s19 =	sld [smem:$0x3FDB];
	_ =	sdelay $0x1  }
0x99: {  	s4 =	simm.s32 $_scs_section_size  }
0x9a: {  	s5 =	simm.s32 $_size__tile_overlayer_lowered;
	s6 =	simm.s32 $_tile_overlayer_lowered  }
0x9b: {  	s22 =	simm.s32 $0x1BFF;
	s21 =	sshll.u32 s6, $0x1;
	s3 =	sadd.s32 s4, s19  }
0x9c: {  	s7 =	simm.s32 $0x0;
	s20 =	sshll.u32 s5, $0x1;
	s5 =	sadd.s32 s21, s3  }
0x9d: {  	[timem:s7], [sflag:s22] =	dma.local [hbm:s5], s20  }
0x9e: {  	_ =	swait.ge [sflag:s22], s20  }
0x9f: {  	s4 =	ssub.s32 $0x0, s20;
	[sflag:s22] =	ssyncset.done $0x0  }
0xa0: {  	[sflag:s22] =	ssyncadd.s32 s4;
	_ =	sdelay $0x1  }
0xa1: {  	s23 =	simm.s32 $0x1B8B  }
0xa2: {  	_ =	swait.ge [sflag:s23], $0x1  }
0xa3: {  	[sflag:s23] =	ssyncset.done $0x0  }
0xa4: {  	s25 =	simm.s32 $0x1B8E;
	s24 =	sld [smem:$0x3FFE];
	[sflag:s23] =	ssyncadd.s32 $0xFFFFFFFF  }
0xa5: {  	s26 =	simm.s32 $execute0_lowered;
	[smem:$0x3FD2] =	sst s25  }
0xa6: {  	s5 =	sshll.u32 s26, $0x1;
	_ =	strace $0x80000046;
	[dreg:$0x1] =	wrdreg $0xFFFFFFFF  }
0xa7: {  	s28 =	simm.s32 $_size_execute0_lowered;
	s3 =	sadd.s32 s3, s5;
	[dreg:$0x0] =	wrdreg $0x0  }
0xa8: {  	s5 =	sshll.u32 s28, $0x1;
	[dreg:$0x2] =	wrdreg s3  }
0xa9: {  	[dreg:$0x3] =	wrdreg s5  }
0xaa: {  	[dreg:$0x4] =	wrdreg $0xC0  }
0xab: {  	_ =	task [dreg:s7], $0x5FFFF  }
0xac: {  	[dreg:$0x1] =	wrdreg $0xFFFFFFFF  }
0xad: {  	[dreg:$0x0] =	wrdreg $0x60  }
0xae: {  	[dreg:$0x2] =	wrdreg s24  }
0xaf: {  	[dreg:$0x3] =	wrdreg s2  }
0xb0: {  	[dreg:$0x4] =	wrdreg $0x9  }
0xb1: {  	_ =	task.clear_ibuf [dreg:s7], $0x5FFFF;
	_ =	strace $0x90000046  }
0xb2: {  	s29 =	simm.s32 $0x9;
	_ =	strace $0x80000048  }
0xb3: {  	_ =	swait.ge [sflag:s29], $0x1  }
0xb4: {  	[sflag:s29] =	ssyncadd.s32 $0xFFFFFFFF  }
0xb5: {  	_ =	strace $0x90000048  }
0xb6: {  	_ =	sfence  }
0xb7: {  	s30 =	sld [smem:$0x0];
	_ =	sdelay $0x2  }
0xb8: {  	s31 =	sshll.u32 s1, $0xD;
	s1 =	sshrl.u32 s1, $0x2  }
0xb9: {  	s3 =	sand.u32 $0x4000, s31;
	s1 =	sadd.s32 s1, s30  }
0xba: {  	s0 =	sor.u32 s3, s0;
	s1 =	sshll.u32 s1, $0x11  }
0xbb: {  	s0 =	sor.u32 s1, s0  }
0xbc: {  	s0 =	sadd.s32 $0x8F2B, s0  }
0xbd: {  	[sflag:s0] =	ssyncadd.remote.s32 $0x1  }
0xbe: {  	_ =	sfence.sel $0xFFFF  }
0xbf: {  	[dreg:$0x0] =	wrdreg $0xFFFFFFFF;
	(pc) =	sbr.abs _section_cstart, $3  }
0xc0: {  	[dreg:$0x1] =	wrdreg $0xFFFFFFFF  }
0xc1: {  	_ =	task.clear_ibuf [dreg:s7], $0x2FFFF;
	_ =	strace $0x9FFFFFFF  }
0xc2: {  	(tm) =	ssettm $0x7FFFFFFF  }
0xc3: {  	_ =	shalt  }
tec
execute0_lowered:
.L_overlay_start_1:
0x0: {  	(tag) =	ssettag $0x1  }
0x1: {  	s4 =	rddreg [dreg:$0x0];
	s1 =	srdreg.scid  }
0x2: {  	s0 =	stileid.u32;
	s5 =	rddreg [dreg:$0x1];
	s2 =	simm.s32 $0x0  }
0x3: {  	s9 =	simm.s32 $0x1;
	s3 =	sand.u32 $0x1, s1;
	s6 =	sshll.u32 s0, $0x1  }
0x4: {  	s10 =	simm.s32 $0x8000;
	s11 =	simm.s32 $0x0;
	s6 =	sor.u32 s3, s6  }
0x5: {  	s1 =	rddreg [dreg:$0x2];
	s8 =	ssub.s32 $0x2, s3;
	s7 =	smul.u32 $0xA00, s6  }
0x6: {  	[smem:$0x7FF] =	sst s2;
	s6 =	smul.u32 $0x280, s6;
	s31 =	sshrl.u32 s8, $0x1  }
0x7: {  	_ =	strace $0x80000047;
	s3 =	sadd.s32 $0x2400, s4;
	s8 =	ssub.s32 s8, s31  }
0x8: {  	s7 =	sadd.s32 s7, s4;
	s4 =	sadd.s32 s5, s6;
	s8 =	smax.u32 s8, $0x1  }
0x9: {  	s5 =	sadd.s32 $0x3400, s7;
	s6 =	sadd.s32 $0x3410, s7;
	s7 =	sadd.s32 $0x3420, s7  }
.LBB2_1:
0xa: {  	[tilespmem:s2], [sflag:$0x1] =	stream.linear.gather [hbm4b:s3+s2], $0x8000, $0x38;
	[tilespmem:$0xE400] =	vst v63  }
0xb: {  	_ =	swait.ge [sflag:s9], $0x8000  }
0xc: {  	[sflag:s9] =	ssyncset.done $0x0  }
0xd: {  	[sflag:s9] =	ssyncadd.s32 $0xFFFF8000  }
0xe: {  	[tilespmem:s10], [sflag:$0x1] =	stream.linear.gather [hbm4b:s4+s2], $0x1400, $0x38;
	[tilespmem:$0xE400] =	vst v63  }
0xf: {  	_ =	swait.ge [sflag:s9], $0x1400  }
0x10: {  	s12 =	simm.s32 $0xFFFFFFFC;
	p0 =	por $0x0, $0x0;
	[sflag:s9] =	ssyncset.done $0x0  }
0x11: {  	s13 =	simm.s32 $0x0;
	s14 =	simm.s32 $0x0;
	[sflag:s9] =	ssyncadd.s32 $0xFFFFEC00  }
.LBB2_2:
0x12: {  	s15 =	sshra.s32 s14, $0x2  }
0x13: {  	v0 =	vld [tilespmem:s15+$0x8000];
	_ =	sdelay $0x4  }
0x14: {  	v0 =	vshll.u32 v0, $0x2;
	_ =	sdelay $0x4  }
0x15: {  	v1 =	vld.idx.msk [tilespmem:v0+s2+$0x0], $0xffff  }
0x16: {  	v2 =	vor.u32 $0x1, v0  }
0x17: {  	s22 =	sand.u32 $0x7E00, s14  }
0x18: {  	s16 =	sand.u32 $0x40, s13;
	s15 =	sadd.s32 $0x9400, s22  }
0x19: {  	s17 =	sor.u32 s16, s15  }
0x1a: {  	[tilespmem:s17+$0x0] =	vst v1  }
0x1b: {  	v1 =	vld.idx.msk [tilespmem:v2+s2+$0x0], $0xffff  }
0x1c: {  	v0 =	vor.u32 $0x2, v0;
	_ =	sdelay $0x3  }
0x1d: {  	[tilespmem:s17+$0x80] =	vst v1  }
0x1e: {  	s17 =	simm.s32 $0x1;
	v0 =	vld.idx.msk [tilespmem:v0+s2+$0x0], $0xffff  }
0x1f: {  	s17 =	simm.s32 @!p0 $0x0  }
0x20: {  	s17 =	sshll.u32 s17, $0x6  }
0x21: {  	s18 =	sand.u32 $0x1F80, s13;
	s17 =	sadd.s32 s17, s14  }
0x22: {  	s20 =	sor.u32 $0x10, s16;
	s18 =	sor.u32 $0x8000, s18;
	s19 =	sor.u32 $0x100, s17  }
0x23: {  	s23 =	sor.u32 s20, s18;
	[tilespmem:s19+$0x9400] =	vst v0  }
0x24: {  	v0 =	vld [tilespmem:s23+$0x0];
	_ =	sdelay $0x4  }
0x25: {  	v0 =	vshll.u32 v0, $0x2;
	_ =	sdelay $0x4  }
0x26: {  	v1 =	vld.idx.msk [tilespmem:v0+s2+$0x0], $0xffff  }
0x27: {  	v61 =	vor.u32 $0x1, v0;
	_ =	sdelay $0x2  }
0x28: {  	s24 =	sor.u32 s20, s15  }
0x29: {  	[tilespmem:s24+$0x0] =	vst v1  }
0x2a: {  	v1 =	vld.idx.msk [tilespmem:v61+s2+$0x0], $0xffff  }
0x2b: {  	v0 =	vor.u32 $0x2, v0;
	_ =	sdelay $0x3  }
0x2c: {  	[tilespmem:s24+$0x80] =	vst v1  }
0x2d: {  	v0 =	vld.idx.msk [tilespmem:v0+s2+$0x0], $0xffff;
	_ =	sdelay $0x2  }
0x2e: {  	s25 =	sadd.s32 $0x10, s17  }
0x2f: {  	s26 =	sor.u32 $0x20, s16;
	s19 =	sor.u32 $0x100, s25  }
0x30: {  	s28 =	sor.u32 s26, s18;
	[tilespmem:s19+$0x9400] =	vst v0  }
0x31: {  	v0 =	vld [tilespmem:s28+$0x0];
	_ =	sdelay $0x4  }
0x32: {  	v0 =	vshll.u32 v0, $0x2;
	_ =	sdelay $0x4  }
0x33: {  	v1 =	vld.idx.msk [tilespmem:v0+s2+$0x0], $0xffff  }
0x34: {  	v62 =	vor.u32 $0x1, v0;
	_ =	sdelay $0x2  }
0x35: {  	s29 =	sor.u32 s26, s15  }
0x36: {  	[tilespmem:s29+$0x0] =	vst v1  }
0x37: {  	v1 =	vld.idx.msk [tilespmem:v62+s2+$0x0], $0xffff  }
0x38: {  	v0 =	vor.u32 $0x2, v0;
	_ =	sdelay $0x3  }
0x39: {  	[tilespmem:s29+$0x80] =	vst v1  }
0x3a: {  	v0 =	vld.idx.msk [tilespmem:v0+s2+$0x0], $0xffff;
	_ =	sdelay $0x2  }
0x3b: {  	s30 =	sadd.s32 $0x20, s17  }
0x3c: {  	s16 =	sor.u32 $0x30, s16;
	s19 =	sor.u32 $0x100, s30  }
0x3d: {  	s18 =	sor.u32 s16, s18;
	[tilespmem:s19+$0x9400] =	vst v0  }
0x3e: {  	v0 =	vld [tilespmem:s18+$0x0];
	_ =	sdelay $0x4  }
0x3f: {  	v0 =	vshll.u32 v0, $0x2;
	_ =	sdelay $0x4  }
0x40: {  	v1 =	vld.idx.msk [tilespmem:v0+s2+$0x0], $0xffff  }
0x41: {  	v63 =	vor.u32 $0x1, v0;
	_ =	sdelay $0x2  }
0x42: {  	s15 =	sor.u32 s16, s15  }
0x43: {  	[tilespmem:s15+$0x0] =	vst v1  }
0x44: {  	v1 =	vld.idx.msk [tilespmem:v63+s2+$0x0], $0xffff  }
0x45: {  	v0 =	vor.u32 $0x2, v0;
	_ =	sdelay $0x3  }
0x46: {  	s12 =	sadd.s32 $0x4, s12;
	[tilespmem:s15+$0x80] =	vst v1  }
0x47: {  	p1 =	slt.u32 s12, $0x13C;
	v0 =	vld.idx.msk [tilespmem:v0+s2+$0x0], $0xffff  }
.Ltmp0:
0x48: {  	_ = 	snop;
	(pc) =	sbr.rel @p1 .LBB2_2-.Ltmp0, $4  }
0x49: {  	_ = 	snop  }
0x4a: {  	s31 =	sadd.s32 $0x30, s17  }
0x4b: {  	s15 =	sor.u32 $0x100, s31  }
0x4c: {  	s13 =	sadd.s32 $0x40, s13;
	p0 =	por !p0, !p0;
	s14 =	sadd.s32 $0x100, s14;
	[tilespmem:s15+$0x9400] =	vst v0  }
0x4d: {  	s12 =	simm.s32 $0x9400  }
0x4e: {  	s13 =	simm.s32 $0x40;
	s15 =	sadd.s32 $0x0, s5;
	s14 =	simm.s32 $0x9600  }
.LBB2_4:
0x4f: {  	[hbm4b:s15+s2] =	stream.linear.scatter [tilespmem:s12], [sflag:$0x1], $0x80, $0x38;
	[tilespmem:$0xE400] =	vst v63  }
0x50: {  	s15 =	smov.u32 s13;
	s12 =	smov.u32 s14;
	p0 =	sne.s32 s13, $0x9C0  }
.Ltmp1:
0x51: {  	s13 =	sadd.s32 $0x40, s13;
	(pc) =	sbr.rel @p0 .LBB2_4-.Ltmp1, $2  }
0x52: {  	_ =	sdelay $0x2  }
0x53: {  	s14 =	sadd.s32 $0x200, s14;
	s15 =	sadd.s32 s15, s5  }
0x54: {  	[hbm4b:s15+s2] =	stream.linear.scatter [tilespmem:s12], [sflag:$0x1], $0x80, $0x38;
	[tilespmem:$0xE400] =	vst v63  }
0x55: {  	_ =	swait.ge [sflag:s9], $0x1400  }
0x56: {  	s12 =	simm.s32 $0x9480;
	s13 =	simm.s32 $0x40;
	[sflag:s9] =	ssyncset.done $0x0  }
0x57: {  	s15 =	sadd.s32 $0x0, s6;
	s14 =	simm.s32 $0x9680;
	[sflag:s9] =	ssyncadd.s32 $0xFFFFEC00  }
.LBB2_6:
0x58: {  	[hbm4b:s15+s2] =	stream.linear.scatter [tilespmem:s12], [sflag:$0x1], $0x80, $0x38;
	[tilespmem:$0xE400] =	vst v63  }
0x59: {  	s15 =	smov.u32 s13;
	s12 =	smov.u32 s14;
	p0 =	sne.s32 s13, $0x9C0  }
.Ltmp2:
0x5a: {  	s13 =	sadd.s32 $0x40, s13;
	(pc) =	sbr.rel @p0 .LBB2_6-.Ltmp2, $2  }
0x5b: {  	_ =	sdelay $0x2  }
0x5c: {  	s14 =	sadd.s32 $0x200, s14;
	s15 =	sadd.s32 s15, s6  }
0x5d: {  	[hbm4b:s15+s2] =	stream.linear.scatter [tilespmem:s12], [sflag:$0x1], $0x80, $0x38;
	[tilespmem:$0xE400] =	vst v63  }
0x5e: {  	_ =	swait.ge [sflag:s9], $0x1400  }
0x5f: {  	s12 =	simm.s32 $0x9500;
	s13 =	simm.s32 $0x40;
	[sflag:s9] =	ssyncset.done $0x0  }
0x60: {  	s15 =	sadd.s32 $0x0, s7;
	s14 =	simm.s32 $0x9700;
	[sflag:s9] =	ssyncadd.s32 $0xFFFFEC00  }
.LBB2_8:
0x61: {  	[hbm4b:s15+s2] =	stream.linear.scatter [tilespmem:s12], [sflag:$0x1], $0x80, $0x38;
	[tilespmem:$0xE400] =	vst v63  }
0x62: {  	s15 =	smov.u32 s13;
	s12 =	smov.u32 s14;
	p0 =	sne.s32 s13, $0x9C0  }
.Ltmp3:
0x63: {  	s13 =	sadd.s32 $0x40, s13;
	(pc) =	sbr.rel @p0 .LBB2_8-.Ltmp3, $2  }
0x64: {  	_ =	sdelay $0x2  }
0x65: {  	s14 =	sadd.s32 $0x200, s14;
	s15 =	sadd.s32 s15, s7  }
0x66: {  	s11 =	sadd.s32 $0x1, s11  }
0x67: {  	p0 =	sne.s32 s11, s8  }
.Ltmp4:
0x68: {  	_ = 	snop;
	(pc) =	sbr.rel @p0 .LBB2_1-.Ltmp4, $4  }
0x69: {  	[hbm4b:s15+s2] =	stream.linear.scatter [tilespmem:s12], [sflag:$0x1], $0x80, $0x38;
	[tilespmem:$0xE400] =	vst v63  }
0x6a: {  	_ =	swait.ge [sflag:s9], $0x1400  }
0x6b: {  	[sflag:s9] =	ssyncset.done $0x0  }
0x6c: {  	[sflag:s9] =	ssyncadd.s32 $0xFFFFEC00  }
0x6d: {  	_ =	sfence.sel $0x180000  }
0x6e: {  	[bflag:$0x0] =	sbarrier.arrive $0xFFFF  }
0x6f: {  	p0 =	sne.s32 s0, $0x0;
	_ =	strace $0x90000047  }
0x70: {  	s0 =	sadd.s32 @!p0 $0x100000, s1;
	[bflag:$0x2] =	sbarrier.arrive $0xFFFF  }
0x71: {  	[sflag:s0] =	ssyncadd.tile.s32 @!p0 $0x1;
	_ =	shalt  }
.Lfunc_end2:
_tile_overlayer_lowered:
.L_overlay_start_2:
0x72: {  	(tag) =	ssettag $0x2  }
0x73: {  	s0 =	rddreg [dreg:$0x0];
	s2 =	stileid.u32  }
0x74: {  	s1 =	rddreg [dreg:$0x1];
	p0 =	sne.s32 s2, $0x0  }
0x75: {  	s3 =	rddreg [dreg:$0x2];
	[bflag:$0x3] =	sbarrier.arrive $0xFFFF;
	s2 =	simm.s32 @!p0 $0x1C01  }
0x76: {  	[timem:s3], [sflag:s2] =	dma.local @!p0 [hbm:s0], s1  }
0x77: {  	s0 =	simm.s32 @!p0 $0x1  }
0x78: {  	_ =	swait.ge @!p0 [sflag:s0], s1  }
0x79: {  	s1 =	ssub.s32 @!p0 $0x0, s1;
	[sflag:s0] =	ssyncset.done @!p0 $0x0  }
0x7a: {  	[sflag:s0] =	ssyncadd.s32 @!p0 s1  }
0x7b: {  	[bflag:$0x3] =	sbarrier.arrive $0xFFFF  }
0x7c: {  	_ =	shalt  }

// kernel: kernel.13.cloned.1.call-start
scs
__scs_entry_jumppad:
0x0: {  	(pc) =	sbr.rel $0x88, $3  }
0x1: {  	(tag) =	ssettag $0x0;
	lr =	simm.s32 $0x1  }
0x2: {  	[smem:$0x3F97] =	sst lr;
	_ =	strace $0xD0000000  }
0x3: {  	_ = 	snop  }
0x4: {  	_ = 	snop  }
0x5: {  	_ = 	snop  }
0x6: {  	_ = 	snop  }
0x7: {  	_ = 	snop  }
__scs_overlays_trampoline_lowered:
0x8: {  	[smem:$0x3FA6] =	sst s0  }
0x9: {  	[smem:$0x3FA7] =	sst s1  }
0xa: {  	[smem:$0x3FA8] =	sst s2  }
0xb: {  	[smem:$0x3FA9] =	sst s3  }
0xc: {  	[smem:$0x3FAA] =	sst s4  }
0xd: {  	[smem:$0x3FAB] =	sst s5  }
0xe: {  	[smem:$0x3FAC] =	sst s6  }
0xf: {  	[smem:$0x3FAD] =	sst s7  }
0x10: {  	[smem:$0x3FAE] =	sst s8  }
0x11: {  	[smem:$0x3FAF] =	sst s9;
	s0 =	simm.s32 @!p0 $0x0  }
0x12: {  	s1 =	sld [smem:$0x3F95];
	s0 =	simm.s32 @p0 $0x1  }
0x13: {  	[smem:$0x3FB0] =	sst s0;
	s0 =	simm.s32 @!p1 $0x0  }
0x14: {  	s2 =	sld [smem:$0x3F94];
	s0 =	simm.s32 @p1 $0x1  }
0x15: {  	[smem:$0x3FB1] =	sst s0;
	s0 =	simm.s32 @!p2 $0x0  }
0x16: {  	s3 =	sld [smem:$0x3FDB];
	s0 =	simm.s32 @p2 $0x1  }
0x17: {  	s4 =	simm.s32 $0x1BF5;
	[smem:$0x3FB3] =	sst s0  }
0x18: {  	s0 =	sld [smem:$0x3F96];
	_ =	swait.ge [sflag:s4], $0x0  }
0x19: {  	s7 =	sld [smem:$0x3F97]  }
0x1a: {  	s8 =	sadd.s32 $0xFFFFE003, lr  }
0x1b: {  	s9 =	sadd.s32 $0xFFFFFEF7, lr;
	s5 =	simm.s32 $0xFFFFFFFF;
	p2 =	slt.u32 s8, $0xFFFFF086  }
0x1c: {  	p1 =	slt.u32 s9, $0xF7A;
	s5 =	simm.s32 @!p2 $0x0  }
0x1d: {  	s5 =	simm.s32 @p1 $0x1;
	p0 =	seq.s32 s7, s2  }
0x1e: {  	s7 =	smul.u32 @!p0 $0xF7A, s2;
	p2 =	seq.s32 @!p0 s5, $0x0  }
0x1f: {  	s9 =	smul.u32 $0xF7A, s1;
	s8 =	simm.s32 @!p0 $0x1BF5;
	p2 =	por !p2, p0  }
0x20: {  	[sflag:s8] =	ssyncset.s32 @!p0 $0xFFFFF086;
	s6 =	sadd.s32 @!p0 s3, s7;
	s7 =	simm.s32 @!p0 $0x108  }
0x21: {  	s3 =	sadd.s32 s3, s9;
	s6 =	sadd.s32 @!p0 $0x88, s6;
	s7 =	simm.s32 @p2 $0x1082  }
0x22: {  	[simem:s7], [sflag:s8] =	dma.local @!p0 [hbm:s6], $0xF7A  }
0x23: {  	s9 =	sor.u32 $0xD0000000, s2;
	s6 =	simm.s32 $0x108;
	_ =	swait.ge @!p0 [sflag:s8], $0x0  }
0x24: {  	s3 =	sadd.s32 $0x88, s3;
	s6 =	simm.s32 @!p1 $0x1082;
	[sflag:s4] =	ssyncset.s32 $0xFFFFF086  }
0x25: {  	[simem:s6], [sflag:s4] =	dma.local [hbm:s3], $0xF7A  }
0x26: {  	[smem:$0x3F97] =	sst s1;
	(tag) =	ssettag s2;
	_ =	strace s9  }
0x27: {  	s1 =	sld [smem:$0x3FA7]  }
0x28: {  	s2 =	sld [smem:$0x3FA8]  }
0x29: {  	s4 =	sld [smem:$0x3FAA]  }
0x2a: {  	p0 =	seq.s32 s5, $0x0;
	s5 =	sld [smem:$0x3FAB]  }
0x2b: {  	s6 =	sld [smem:$0x3FAC]  }
0x2c: {  	s7 =	sld [smem:$0x3FAD]  }
0x2d: {  	s3 =	simm.s32 $0x108;
	s8 =	sld [smem:$0x3FAE]  }
0x2e: {  	s3 =	simm.s32 @!p0 $0x1082;
	s9 =	sld [smem:$0x3FAF]  }
0x2f: {  	lr =	sadd.s32 s0, s3;
	s0 =	sld [smem:$0x3FA6]  }
0x30: {  	s3 =	sld [smem:$0x3FA9]  }
0x31: {  	[smem:$0x3FB2] =	sst s10  }
0x32: {  	s10 =	sld [smem:$0x3FB0];
	_ =	sdelay $0x3  }
0x33: {  	p0 =	seq.s32 s10, $0x1;
	s10 =	sld [smem:$0x3FB2];
	_ =	sdelay $0x3  }
0x34: {  	[smem:$0x3FB2] =	sst s10  }
0x35: {  	s10 =	sld [smem:$0x3FB1];
	_ =	sdelay $0x3  }
0x36: {  	p1 =	seq.s32 s10, $0x1;
	s10 =	sld [smem:$0x3FB2];
	_ =	sdelay $0x3  }
0x37: {  	[smem:$0x3FB2] =	sst s10  }
0x38: {  	s10 =	sld [smem:$0x3FB3]  }
0x39: {  	_ = 	snop;
	(pc) =	sbr.ind lr, $3  }
0x3a: {  	_ = 	snop  }
0x3b: {  	_ = 	snop  }
0x3c: {  	p2 =	seq.s32 s10, $0x1;
	s10 =	sld [smem:$0x3FB2]  }
0x3d: {  	_ =	shalt  }
0x3e: {  	_ =	shalt  }
0x3f: {  	_ =	shalt  }
0x40: {  	_ =	shalt  }
0x41: {  	_ =	shalt  }
0x42: {  	_ =	shalt  }
0x43: {  	_ =	shalt  }
0x44: {  	_ =	shalt  }
0x45: {  	_ =	shalt  }
0x46: {  	_ =	shalt  }
0x47: {  	_ =	shalt  }
0x48: {  	_ =	shalt  }
0x49: {  	_ =	shalt  }
0x4a: {  	_ =	shalt  }
0x4b: {  	_ =	shalt  }
0x4c: {  	_ =	shalt  }
0x4d: {  	_ =	shalt  }
0x4e: {  	_ =	shalt  }
0x4f: {  	_ =	shalt  }
0x50: {  	_ =	shalt  }
0x51: {  	_ =	shalt  }
0x52: {  	_ =	shalt  }
0x53: {  	_ =	shalt  }
0x54: {  	_ =	shalt  }
0x55: {  	_ =	shalt  }
0x56: {  	_ =	shalt  }
0x57: {  	_ =	shalt  }
0x58: {  	_ =	shalt  }
0x59: {  	_ =	shalt  }
0x5a: {  	_ =	shalt  }
0x5b: {  	_ =	shalt  }
0x5c: {  	_ =	shalt  }
0x5d: {  	_ =	shalt  }
0x5e: {  	_ =	shalt  }
0x5f: {  	_ =	shalt  }
0x60: {  	_ =	shalt  }
0x61: {  	_ =	shalt  }
0x62: {  	_ =	shalt  }
0x63: {  	_ =	shalt  }
0x64: {  	_ =	shalt  }
0x65: {  	_ =	shalt  }
0x66: {  	_ =	shalt  }
0x67: {  	_ =	shalt  }
0x68: {  	_ =	shalt  }
0x69: {  	_ =	shalt  }
0x6a: {  	_ =	shalt  }
0x6b: {  	_ =	shalt  }
0x6c: {  	_ =	shalt  }
0x6d: {  	_ =	shalt  }
0x6e: {  	_ =	shalt  }
0x6f: {  	_ =	shalt  }
0x70: {  	_ =	shalt  }
0x71: {  	_ =	shalt  }
0x72: {  	_ =	shalt  }
0x73: {  	_ =	shalt  }
0x74: {  	_ =	shalt  }
0x75: {  	_ =	shalt  }
0x76: {  	_ =	shalt  }
0x77: {  	_ =	shalt  }
0x78: {  	_ =	shalt  }
0x79: {  	_ =	shalt  }
0x7a: {  	_ =	shalt  }
0x7b: {  	_ =	shalt  }
0x7c: {  	_ =	shalt  }
0x7d: {  	_ =	shalt  }
0x7e: {  	_ =	shalt  }
0x7f: {  	_ =	shalt  }
0x80: {  	_ =	shalt  }
0x81: {  	_ =	shalt  }
0x82: {  	_ =	shalt  }
0x83: {  	_ =	shalt  }
0x84: {  	_ =	shalt  }
0x85: {  	_ =	shalt  }
0x86: {  	_ =	shalt  }
0x87: {  	_ =	shalt  }
.Lfunc_end0:
.L_simem_size_0:
called_computation.1_lowered:
.L_overlay_start_0:
0x88: {  	s2 =	sld [smem:$0x3FD9]  }
0x89: {  	s3 =	sld [smem:$0x3FFE];
	_ =	sdelay $0x1  }
0x8a: {  	s1 =	srdreg.scid  }
0x8b: {  	s0 =	sand.u32 $0x1, s1  }
0x8c: {  	s17 =	sshll.u32 s0, $0xA;
	s2 =	sadd.s32 s3, s2  }
0x8d: {  	s2 =	sadd.s32 s2, s17  }
0x8e: {  	[smem:$0x3FBE] =	sst s2  }
0x8f: {  	_ = 	snop  }
0x90: {  	s2 =	sld [smem:$0x3FD0];
	(tm) =	ssettm $0x1  }
0x91: {  	s18 =	sld [smem:$0x3FFB];
	_ =	sdelay $0x3  }
0x92: {  	_ =	strace s18  }
0x93: {  	s3 =	sld [smem:$0x3FFC];
	_ =	sdelay $0x3  }
0x94: {  	_ =	strace s3  }
0x95: {  	s3 =	sld [smem:$0x3FFD];
	_ =	sdelay $0x3  }
0x96: {  	_ =	strace s3  }
0x97: {  	_ =	strace $0x8FFFFFFF  }
0x98: {  	s19 =	sld [smem:$0x3FDB];
	_ =	sdelay $0x1  }
0x99: {  	s4 =	simm.s32 $_scs_section_size  }
0x9a: {  	s5 =	simm.s32 $_size__tile_overlayer_lowered;
	s6 =	simm.s32 $_tile_overlayer_lowered  }
0x9b: {  	s22 =	simm.s32 $0x1BFF;
	s21 =	sshll.u32 s6, $0x1;
	s3 =	sadd.s32 s4, s19  }
0x9c: {  	s7 =	simm.s32 $0x0;
	s20 =	sshll.u32 s5, $0x1;
	s5 =	sadd.s32 s21, s3  }
0x9d: {  	[timem:s7], [sflag:s22] =	dma.local [hbm:s5], s20  }
0x9e: {  	_ =	swait.ge [sflag:s22], s20  }
0x9f: {  	s4 =	ssub.s32 $0x0, s20;
	[sflag:s22] =	ssyncset.done $0x0  }
0xa0: {  	[sflag:s22] =	ssyncadd.s32 s4;
	_ =	sdelay $0x1  }
0xa1: {  	s23 =	simm.s32 $0x1B8B  }
0xa2: {  	_ =	swait.ge [sflag:s23], $0x1  }
0xa3: {  	[sflag:s23] =	ssyncset.done $0x0  }
0xa4: {  	s25 =	simm.s32 $0x1B8E;
	s24 =	sld [smem:$0x3FFE];
	[sflag:s23] =	ssyncadd.s32 $0xFFFFFFFF  }
0xa5: {  	s26 =	simm.s32 $execute0_lowered;
	[smem:$0x3FD2] =	sst s25  }
0xa6: {  	s5 =	sshll.u32 s26, $0x1;
	_ =	strace $0x80000049;
	[dreg:$0x1] =	wrdreg $0xFFFFFFFF  }
0xa7: {  	s28 =	simm.s32 $_size_execute0_lowered;
	s3 =	sadd.s32 s3, s5;
	[dreg:$0x0] =	wrdreg $0x0  }
0xa8: {  	s5 =	sshll.u32 s28, $0x1;
	[dreg:$0x2] =	wrdreg s3  }
0xa9: {  	[dreg:$0x3] =	wrdreg s5  }
0xaa: {  	[dreg:$0x4] =	wrdreg $0xC0  }
0xab: {  	_ =	task [dreg:s7], $0x5FFFF  }
0xac: {  	[dreg:$0x1] =	wrdreg $0xFFFFFFFF  }
0xad: {  	[dreg:$0x0] =	wrdreg $0x60  }
0xae: {  	[dreg:$0x2] =	wrdreg s24  }
0xaf: {  	[dreg:$0x3] =	wrdreg s2  }
0xb0: {  	[dreg:$0x4] =	wrdreg $0x9  }
0xb1: {  	_ =	task.clear_ibuf [dreg:s7], $0x5FFFF;
	_ =	strace $0x90000049  }
0xb2: {  	s29 =	simm.s32 $0x9;
	_ =	strace $0x8000004B  }
0xb3: {  	_ =	swait.ge [sflag:s29], $0x1  }
0xb4: {  	[sflag:s29] =	ssyncadd.s32 $0xFFFFFFFF  }
0xb5: {  	_ =	strace $0x9000004B  }
0xb6: {  	_ =	sfence  }
0xb7: {  	s30 =	sld [smem:$0x0];
	_ =	sdelay $0x2  }
0xb8: {  	s31 =	sshll.u32 s1, $0xD;
	s1 =	sshrl.u32 s1, $0x2  }
0xb9: {  	s3 =	sand.u32 $0x4000, s31;
	s1 =	sadd.s32 s1, s30  }
0xba: {  	s0 =	sor.u32 s3, s0;
	s1 =	sshll.u32 s1, $0x11  }
0xbb: {  	s0 =	sor.u32 s1, s0  }
0xbc: {  	s0 =	sadd.s32 $0x8F2B, s0  }
0xbd: {  	[sflag:s0] =	ssyncadd.remote.s32 $0x1  }
0xbe: {  	_ =	sfence.sel $0xFFFF  }
0xbf: {  	[dreg:$0x0] =	wrdreg $0xFFFFFFFF;
	(pc) =	sbr.abs _section_cstart, $3  }
0xc0: {  	[dreg:$0x1] =	wrdreg $0xFFFFFFFF  }
0xc1: {  	_ =	task.clear_ibuf [dreg:s7], $0x2FFFF;
	_ =	strace $0x9FFFFFFF  }
0xc2: {  	(tm) =	ssettm $0x7FFFFFFF  }
0xc3: {  	_ =	shalt  }
tec
execute0_lowered:
.L_overlay_start_1:
0x0: {  	(tag) =	ssettag $0x1  }
0x1: {  	s0 =	rddreg [dreg:$0x0]  }
0x2: {  	s1 =	rddreg [dreg:$0x1]  }
0x3: {  	s2 =	simm.s32 $0x0;
	s3 =	srdreg.scid;
	s4 =	stileid.u32  }
0x4: {  	s12 =	simm.s32 $0x3;
	s28 =	simm.s32 $0x7F00;
	s29 =	simm.s32 $0x8700  }
0x5: {  	s30 =	simm.s32 $0x8F00;
	s31 =	simm.s32 $0x9700;
	s13 =	simm.s32 $0xAF00  }
0x6: {  	s14 =	simm.s32 $0x1580;
	s15 =	simm.s32 $0x1;
	s16 =	simm.s32 $0x2  }
0x7: {  	s18 =	simm.s32 $0x0;
	s5 =	sand.u32 $0x1, s3;
	s4 =	sshll.u32 s4, $0x1  }
0x8: {  	[smem:$0x7FF] =	sst s2;
	s3 =	sadd.s32 $0x97400, s0;
	s6 =	sor.u32 s5, s4  }
0x9: {  	_ =	strace $0x8000004A;
	s7 =	ssub.s32 $0x2, s5;
	s5 =	smul.u32 $0xA000, s6  }
0xa: {  	s8 =	sshll.u32 s6, $0xC;
	s9 =	sshrl.u32 s7, $0x1;
	s6 =	smul.u32 $0x280, s6  }
0xb: {  	s4 =	sadd.s32 $0x397400, s0;
	s10 =	sadd.s32 s8, s0;
	s9 =	ssub.s32 s7, s9  }
0xc: {  	s7 =	sadd.s32 $0x97500, s0;
	s0 =	simm.s32 $0x9F00;
	s1 =	sadd.s32 s1, s6  }
.Ltmp0:
0xd: {  	s25 =	sadd.s32 $0x3BF400, s10;
	[dreg:$0x3] =	wrdreg s1;
	(pc) =	sbr.rel .LBB2_1-.Ltmp0, $4  }
0xe: {  	s23 =	sshrl.u32 s5, $0x3;
	s26 =	smax.u32 s9, $0x1;
	[dreg:$0x5] =	wrdreg s25  }
0xf: {  	v2 =	vlaneseq.u32;
	s8 =	sadd.s32 s4, s23;
	[dreg:$0x6] =	wrdreg s26;
	s23 =	simm.s32 $0x1400  }
0x10: {  	vm0 =	vmmov $0xffff;
	v1 =	vshrl.u32 v2, $0x3;
	s25 =	simm.s32 $0x6F00;
	s26 =	simm.s32 $0x7700;
	s24 =	sadd.s32 $0x28, s8  }
0x11: {  	v0 =	vand.u32 $0x7, v2;
	v2 =	vor.u32 $0x8, v2;
	v1 =	vmul.u32 $0x8, v1;
	s1 =	simm.s32 $0xA700;
	[dreg:$0x4] =	wrdreg s24;
	s24 =	simm.s32 $0x6700  }
.LBB2_12:
0x12: {  	s6 =	rddreg [dreg:$0x5];
	s9 =	simm.s32 $0xB700  }
0x13: {  	[hbm4b:s6+s2] =	stream.linear.scatter [tilespmem:s9], [sflag:$0x3], $0x8000, $0x38;
	[tilespmem:$0x13700] =	vst v63  }
0x14: {  	_ =	swait.ge [sflag:s12], $0x8000  }
0x15: {  	s18 =	sadd.s32 $0x1, s18;
	s22 =	rddreg [dreg:$0x6]  }
0x16: {  	p0 =	sne.s32 s18, s22  }
.Ltmp1:
0x17: {  	_ = 	snop;
	(pc) =	sbr.rel @!p0 .LBB2_13-.Ltmp1, $3  }
0x18: {  	_ =	sdelay $0x1  }
0x19: {  	[sflag:s12] =	ssyncset.done $0x0  }
0x1a: {  	[sflag:s12] =	ssyncadd.s32 $0xFFFF8000  }
.LBB2_1:
0x1b: {  	s6 =	rddreg [dreg:$0x3]  }
0x1c: {  	[tilespmem:s2], [sflag:$0x3] =	stream.linear.gather [hbm4b:s6+s2], $0x1400, $0x38;
	[tilespmem:$0x13700] =	vst v63  }
0x1d: {  	_ =	swait.ge [sflag:s12], $0x1400  }
0x1e: {  	[sflag:s12] =	ssyncset.done $0x0  }
0x1f: {  	[sflag:s12] =	ssyncadd.s32 $0xFFFFEC00  }
0x20: {  	v3 =	vld [tilespmem:$0x0];
	_ =	sdelay $0x4  }
0x21: {  	v4 =	vshll.u32 v3, $0x2  }
0x22: {  	v3 =	vand.u32 $0x7, v3;
	v4 =	vand.u32 $0xFFFFFFE0, v4  }
0x23: {  	v3 =	vor.u32 v3, v4  }
0x24: {  	v4 =	vperm.xlane v3, v0;
	_ =	sdelay $0x1  }
0x25: {  	v4 =	vadd.s32 v1, v4;
	_ =	sdelay $0x1  }
0x26: {  	v3 =	vperm.xlane v3, v2;
	_ =	sdelay $0x1  }
0x27: {  	s20 =	simm.s32 $0x1700;
	v3 =	vadd.s32 v1, v3  }
0x28: {  	[tilespmem:s20], [sflag:$0x1] =	stream.indirect_vreg.gather [hbm4b:s3+s2], $0x80, v4, vm0, $0xb8;
	[tilespmem:$0x13700] =	vst v63  }
0x29: {  	s21 =	simm.s32 $0x1F00  }
0x2a: {  	[tilespmem:s21], [sflag:$0x1] =	stream.indirect_vreg.gather [hbm4b:s7+s2], $0x80, v4, vm0, $0xb8;
	[tilespmem:$0x13700] =	vst v63  }
0x2b: {  	s22 =	simm.s32 $0x2700  }
0x2c: {  	[tilespmem:s22], [sflag:$0x1] =	stream.indirect_vreg.gather [hbm4b:s3+s2], $0x80, v3, vm0, $0xb8;
	[tilespmem:$0x13700] =	vst v63  }
0x2d: {  	s9 =	simm.s32 $0x2F00  }
0x2e: {  	[tilespmem:s9], [sflag:$0x1] =	stream.indirect_vreg.gather [hbm4b:s7+s2], $0x80, v3, vm0, $0xb8;
	[tilespmem:$0x13700] =	vst v63  }
0x2f: {  	v3 =	vld [tilespmem:$0x10];
	_ =	sdelay $0x4  }
0x30: {  	v59 =	vshll.u32 v3, $0x2  }
0x31: {  	v3 =	vand.u32 $0x7, v3;
	v4 =	vand.u32 $0xFFFFFFE0, v59  }
0x32: {  	v3 =	vor.u32 v3, v4  }
0x33: {  	v4 =	vperm.xlane v3, v0;
	_ =	sdelay $0x1  }
0x34: {  	v4 =	vadd.s32 v1, v4;
	_ =	sdelay $0x1  }
0x35: {  	v3 =	vperm.xlane v3, v2;
	_ =	sdelay $0x1  }
0x36: {  	s10 =	simm.s32 $0x3700;
	v3 =	vadd.s32 v1, v3  }
0x37: {  	[tilespmem:s10], [sflag:$0x1] =	stream.indirect_vreg.gather [hbm4b:s3+s2], $0x80, v4, vm0, $0xb8;
	[tilespmem:$0x13700] =	vst v63  }
0x38: {  	s11 =	simm.s32 $0x3F00  }
0x39: {  	[tilespmem:s11], [sflag:$0x1] =	stream.indirect_vreg.gather [hbm4b:s7+s2], $0x80, v4, vm0, $0xb8;
	[tilespmem:$0x13700] =	vst v63  }
0x3a: {  	s17 =	simm.s32 $0x4700  }
0x3b: {  	[tilespmem:s17], [sflag:$0x1] =	stream.indirect_vreg.gather [hbm4b:s3+s2], $0x80, v3, vm0, $0xb8;
	[tilespmem:$0x13700] =	vst v63  }
0x3c: {  	s19 =	simm.s32 $0x4F00  }
0x3d: {  	[tilespmem:s19], [sflag:$0x1] =	stream.indirect_vreg.gather [hbm4b:s7+s2], $0x80, v3, vm0, $0xb8;
	[tilespmem:$0x13700] =	vst v63  }
0x3e: {  	v3 =	vld.msk [tilespmem:$0x20], $0xff;
	_ =	sdelay $0x4  }
0x3f: {  	v60 =	vshll.u32 v3, $0x2  }
0x40: {  	v3 =	vand.u32 $0x7, v3;
	v4 =	vand.u32 $0xFFFFFFE0, v60  }
0x41: {  	v3 =	vor.u32 v3, v4  }
0x42: {  	v3 =	vperm.xlane v3, v0;
	_ =	sdelay $0x1  }
0x43: {  	v3 =	vadd.s32 v1, v3;
	_ =	sdelay $0x3  }
0x44: {  	s20 =	simm.s32 $0x5700  }
0x45: {  	[tilespmem:s20], [sflag:$0x1] =	stream.indirect_vreg.gather [hbm4b:s3+s2], $0x80, v3, vm0, $0xb8;
	[tilespmem:$0x13700] =	vst v63  }
0x46: {  	s21 =	simm.s32 $0x5F00  }
0x47: {  	[tilespmem:s21], [sflag:$0x1] =	stream.indirect_vreg.gather [hbm4b:s7+s2], $0x80, v3, vm0, $0xb8;
	[tilespmem:$0x13700] =	vst v63  }
0x48: {  	_ = 	snop  }
0x49: {  	[tilespmem:s23], [sflag:$0x1] =	stream.linear.gather [hbm4b:s8+s2], $0x140, $0x38;
	[tilespmem:$0x13700] =	vst v63  }
0x4a: {  	v3 =	vld [tilespmem:$0x28];
	_ =	sdelay $0x4  }
0x4b: {  	v61 =	vshll.u32 v3, $0x2  }
0x4c: {  	v3 =	vand.u32 $0x7, v3;
	v4 =	vand.u32 $0xFFFFFFE0, v61  }
0x4d: {  	v3 =	vor.u32 v3, v4  }
0x4e: {  	v4 =	vperm.xlane v3, v0;
	_ =	sdelay $0x1  }
0x4f: {  	v4 =	vadd.s32 v1, v4;
	_ =	sdelay $0x1  }
0x50: {  	v3 =	vperm.xlane v3, v2;
	_ =	sdelay $0x1  }
0x51: {  	v3 =	vadd.s32 v1, v3  }
0x52: {  	[tilespmem:s24], [sflag:$0x2] =	stream.indirect_vreg.gather [hbm4b:s3+s2], $0x80, v4, vm0, $0xb8;
	[tilespmem:$0x13700] =	vst v63  }
0x53: {  	_ = 	snop  }
0x54: {  	[tilespmem:s25], [sflag:$0x2] =	stream.indirect_vreg.gather [hbm4b:s7+s2], $0x80, v4, vm0, $0xb8;
	[tilespmem:$0x13700] =	vst v63  }
0x55: {  	_ = 	snop  }
0x56: {  	[tilespmem:s26], [sflag:$0x2] =	stream.indirect_vreg.gather [hbm4b:s3+s2], $0x80, v3, vm0, $0xb8;
	[tilespmem:$0x13700] =	vst v63  }
0x57: {  	_ = 	snop  }
0x58: {  	[tilespmem:s28], [sflag:$0x2] =	stream.indirect_vreg.gather [hbm4b:s7+s2], $0x80, v3, vm0, $0xb8;
	[tilespmem:$0x13700] =	vst v63  }
0x59: {  	v3 =	vld [tilespmem:$0x38];
	_ =	sdelay $0x4  }
0x5a: {  	v62 =	vshll.u32 v3, $0x2  }
0x5b: {  	v3 =	vand.u32 $0x7, v3;
	v4 =	vand.u32 $0xFFFFFFE0, v62  }
0x5c: {  	v3 =	vor.u32 v3, v4  }
0x5d: {  	v4 =	vperm.xlane v3, v0;
	_ =	sdelay $0x1  }
0x5e: {  	v4 =	vadd.s32 v1, v4;
	_ =	sdelay $0x1  }
0x5f: {  	v3 =	vperm.xlane v3, v2;
	_ =	sdelay $0x1  }
0x60: {  	v3 =	vadd.s32 v1, v3  }
0x61: {  	[tilespmem:s29], [sflag:$0x2] =	stream.indirect_vreg.gather [hbm4b:s3+s2], $0x80, v4, vm0, $0xb8;
	[tilespmem:$0x13700] =	vst v63  }
0x62: {  	_ = 	snop  }
0x63: {  	[tilespmem:s30], [sflag:$0x2] =	stream.indirect_vreg.gather [hbm4b:s7+s2], $0x80, v4, vm0, $0xb8;
	[tilespmem:$0x13700] =	vst v63  }
0x64: {  	_ = 	snop  }
0x65: {  	[tilespmem:s31], [sflag:$0x2] =	stream.indirect_vreg.gather [hbm4b:s3+s2], $0x80, v3, vm0, $0xb8;
	[tilespmem:$0x13700] =	vst v63  }
0x66: {  	_ = 	snop  }
0x67: {  	[tilespmem:s0], [sflag:$0x2] =	stream.indirect_vreg.gather [hbm4b:s7+s2], $0x80, v3, vm0, $0xb8;
	[tilespmem:$0x13700] =	vst v63  }
0x68: {  	v3 =	vld.msk [tilespmem:$0x48], $0xff;
	_ =	sdelay $0x4  }
0x69: {  	v63 =	vshll.u32 v3, $0x2  }
0x6a: {  	v3 =	vand.u32 $0x7, v3;
	v4 =	vand.u32 $0xFFFFFFE0, v63  }
0x6b: {  	v3 =	vor.u32 v3, v4  }
0x6c: {  	v3 =	vperm.xlane v3, v0;
	_ =	sdelay $0x1  }
0x6d: {  	v3 =	vadd.s32 v1, v3;
	_ =	sdelay $0x4  }
0x6e: {  	[tilespmem:s1], [sflag:$0x2] =	stream.indirect_vreg.gather [hbm4b:s3+s2], $0x80, v3, vm0, $0xb8;
	[tilespmem:$0x13700] =	vst v63  }
0x6f: {  	_ = 	snop  }
0x70: {  	[tilespmem:s13], [sflag:$0x2] =	stream.indirect_vreg.gather [hbm4b:s7+s2], $0x80, v3, vm0, $0xb8;
	[tilespmem:$0x13700] =	vst v63  }
0x71: {  	s22 =	rddreg [dreg:$0x4];
	s19 =	simm.s32 $0x0  }
0x72: {  	[tilespmem:s14], [sflag:$0x2] =	stream.linear.gather [hbm4b:s22+s2], $0x140, $0x38;
	[tilespmem:$0x13700] =	vst v63  }
.LBB2_2:
0x73: {  	_ =	swait.ge [sflag:s15], $0x5000;
	s6 =	simm.s32 $0x7  }
0x74: {  	[sflag:s15] =	ssyncset.done $0x0;
	v3 =	vmov s6  }
0x75: {  	[sflag:s15] =	ssyncadd.s32 $0xFFFFB000  }
0x76: {  	_ =	swait.ge [sflag:s15], $0x140  }
0x77: {  	s17 =	simm.s32 $0x0;
	[sflag:s15] =	ssyncset.done $0x0  }
0x78: {  	s10 =	sand.u32 $0x3000, s17;
	s9 =	sand.u32 $0x380, s17;
	[sflag:s15] =	ssyncadd.s32 $0xFFFFFEC0  }
0x79: {  	s20 =	sor.u32 s9, s10;
	v3 =	vld.idx.msk [tilespmem:v3+s23+$0x0], $0xffff  }
0x7a: {  	v8 =	vld [tilespmem:s20+$0x2340]  }
0x7b: {  	v4 =	vld [tilespmem:s20+$0x2350]  }
0x7c: {  	v10 =	vld [tilespmem:s20+$0x2300]  }
0x7d: {  	v11 =	vld [tilespmem:s20+$0x2310]  }
0x7e: {  	v12 =	vld [tilespmem:s20+$0x1F40]  }
0x7f: {  	v13 =	vld [tilespmem:s20+$0x1F50]  }
0x80: {  	v14 =	vld [tilespmem:s20+$0x1F00]  }
0x81: {  	s11 =	simm.s32 $0x6;
	s21 =	simm.s32 $0x5;
	v5 =	vimm.f32 $0.0e+00;
	s22 =	simm.s32 $0x4;
	v15 =	vld [tilespmem:s20+$0x1F10]  }
0x82: {  	v6 =	vmov s11;
	v7 =	vmov s21;
	v9 =	vmov s22;
	v16 =	vld [tilespmem:s20+$0x1B40]  }
0x83: {  	s22 =	simm.s32 $0x0;
	v6 =	vand.u32 $0xFFFFFFFE, v6;
	s10 =	simm.s32 $0x3;
	v7 =	vand.u32 $0xFFFFFFFD, v7;
	v9 =	vand.u32 $0xFFFFFFFC, v9;
	v17 =	vld [tilespmem:s20+$0x1B50]  }
0x84: {  	s11 =	simm.s32 $0x2;
	v29 =	vmov s22;
	v23 =	vbroadcast v6, $0x0;
	v6 =	vmov s10;
	v18 =	vld [tilespmem:s20+$0x1B00]  }
0x85: {  	s21 =	simm.s32 $0x1;
	v24 =	vbroadcast v7, $0x0;
	v7 =	vmov s11;
	v25 =	vbroadcast v9, $0x0;
	v19 =	vld [tilespmem:s20+$0x1B10]  }
0x86: {  	v9 =	vmov s21;
	v6 =	vand.u32 $0xFFFFFFFB, v6;
	v7 =	vand.u32 $0xFFFFFFFA, v7;
	v20 =	vld [tilespmem:s20+$0x1740]  }
0x87: {  	v28 =	vand.u32 $0xFFFFFFF9, v9;
	v9 =	vimm.f32 $0.0e+00;
	v26 =	vbroadcast v6, $0x0;
	v21 =	vld [tilespmem:s20+$0x1750]  }
0x88: {  	s6 =	simm.s32 $0xF;
	s9 =	simm.s32 $0x0;
	v27 =	vbroadcast v7, $0x0;
	v6 =	vimm.f32 $0.0e+00;
	v7 =	vimm.f32 $0.0e+00;
	v22 =	vld [tilespmem:s20+$0x1700]  }
.LBB2_3:
0x89: {  	p0 =	sne.s32 s6, $0x9F;
	v29 =	vand.u32 $0xFFFFFFF8, v29;
	v30 =	vld [tilespmem:s20+$0x1710];
	v28 =	vbroadcast v28, $0x0  }
0x8a: {  	v29 =	vbroadcast v29, $0x0;
	v23 =	vld.idx.msk [tilespmem:v23+s23+$0x0], $0xffff  }
0x8b: {  	v24 =	vld.idx.msk [tilespmem:v24+s23+$0x0], $0xffff  }
0x8c: {  	v25 =	vld.idx.msk [tilespmem:v25+s23+$0x0], $0xffff  }
0x8d: {  	v26 =	vld.idx.msk [tilespmem:v26+s23+$0x0], $0xffff  }
0x8e: {  	v27 =	vld.idx.msk [tilespmem:v27+s23+$0x0], $0xffff  }
0x8f: {  	v31 =	vmul.f32 v8, v3;
	v32 =	vmul.f32 v4, v3;
	v28 =	vld.idx.msk [tilespmem:v28+s23+$0x0], $0xffff  }
0x90: {  	v11 =	vmul.f32 v11, v23;
	v4 =	vld.idx.msk [tilespmem:v29+s23+$0x0], $0xffff;
	v29 =	vmul.f32 v10, v23  }
0x91: {  	v10 =	vmul.f32 v12, v24;
	v12 =	vmul.f32 v13, v24;
	v8 =	vld [tilespmem:s20+$0x1720]  }
0x92: {  	v14 =	vmul.f32 v14, v25;
	v15 =	vmul.f32 v15, v25;
	v13 =	vld [tilespmem:s20+$0x1730]  }
0x93: {  	v16 =	vmul.f32 v16, v26;
	v17 =	vmul.f32 v17, v26;
	v33 =	vld [tilespmem:s20+$0x1760]  }
0x94: {  	v18 =	vmul.f32 v18, v27;
	v19 =	vmul.f32 v19, v27;
	v34 =	vld [tilespmem:s20+$0x1770]  }
0x95: {  	v20 =	vmul.f32 v20, v28;
	v21 =	vmul.f32 v21, v28;
	v35 =	vld [tilespmem:s20+$0x1B20]  }
0x96: {  	v22 =	vmul.f32 v22, v4;
	v30 =	vmul.f32 v30, v4;
	v36 =	vld [tilespmem:s20+$0x1B30]  }
0x97: {  	v37 =	vmov s6;
	v8 =	vmul.f32 v8, v4;
	v4 =	vmul.f32 v13, v4;
	v13 =	vld [tilespmem:s20+$0x1B60]  }
0x98: {  	v5 =	vadd.f32 v22, v5;
	v9 =	vadd.f32 v30, v9;
	v22 =	vmul.f32 v33, v28;
	v30 =	vld [tilespmem:s20+$0x1B70]  }
0x99: {  	v6 =	vadd.f32 v8, v6;
	v4 =	vadd.f32 v4, v7;
	v7 =	vmul.f32 v34, v28;
	v8 =	vld [tilespmem:s20+$0x1F20]  }
0x9a: {  	v5 =	vadd.f32 v20, v5;
	v9 =	vadd.f32 v21, v9;
	v20 =	vmul.f32 v35, v27;
	v21 =	vld [tilespmem:s20+$0x1F30]  }
0x9b: {  	v6 =	vadd.f32 v22, v6;
	v4 =	vadd.f32 v7, v4;
	v7 =	vmul.f32 v36, v27;
	v22 =	vld [tilespmem:s20+$0x1F60]  }
0x9c: {  	v5 =	vadd.f32 v18, v5;
	v9 =	vadd.f32 v19, v9;
	v13 =	vmul.f32 v13, v26;
	v18 =	vld [tilespmem:s20+$0x1F70]  }
0x9d: {  	v6 =	vadd.f32 v20, v6;
	v4 =	vadd.f32 v7, v4;
	v7 =	vmul.f32 v30, v26;
	v19 =	vld [tilespmem:s20+$0x2320]  }
0x9e: {  	v5 =	vadd.f32 v16, v5;
	v9 =	vadd.f32 v17, v9;
	v8 =	vmul.f32 v8, v25;
	v16 =	vld [tilespmem:s20+$0x2330]  }
0x9f: {  	s17 =	sadd.s32 $0x80, s17;
	s9 =	sadd.s32 $0x200, s9;
	v6 =	vadd.f32 v13, v6;
	v4 =	vadd.f32 v7, v4;
	v7 =	vmul.f32 v21, v25;
	v13 =	vld [tilespmem:s20+$0x2360]  }
0xa0: {  	s21 =	sand.u32 $0x3000, s9;
	s22 =	sand.u32 $0x380, s17;
	v5 =	vadd.f32 v14, v5;
	v9 =	vadd.f32 v15, v9;
	v14 =	vmul.f32 v22, v24;
	v15 =	vld [tilespmem:s20+$0x2370]  }
0xa1: {  	s20 =	sor.u32 s22, s21;
	v6 =	vadd.f32 v8, v6;
	v17 =	vld.idx.msk [tilespmem:v37+s23+$0x0], $0xffff;
	v7 =	vadd.f32 v7, v4;
	v18 =	vmul.f32 v18, v24  }
0xa2: {  	v5 =	vadd.f32 v10, v5;
	v9 =	vadd.f32 v12, v9;
	v8 =	vld [tilespmem:s20+$0x2340];
	v12 =	vmul.f32 v19, v23  }
0xa3: {  	v6 =	vadd.f32 v14, v6;
	v4 =	vld [tilespmem:s20+$0x2350];
	v7 =	vadd.f32 v18, v7;
	v14 =	vmul.f32 v16, v23  }
0xa4: {  	v5 =	vadd.f32 v29, v5;
	v9 =	vadd.f32 v11, v9;
	v10 =	vld [tilespmem:s20+$0x2300];
	v16 =	vmul.f32 v13, v3  }
0xa5: {  	v6 =	vadd.f32 v12, v6;
	v11 =	vld [tilespmem:s20+$0x2310];
	v7 =	vadd.f32 v14, v7;
	v14 =	vmul.f32 v15, v3  }
0xa6: {  	v5 =	vadd.f32 v31, v5;
	v9 =	vadd.f32 v32, v9;
	v12 =	vld [tilespmem:s20+$0x1F40]  }
0xa7: {  	v6 =	vadd.f32 v16, v6;
	v3 =	vmov v17;
	v13 =	vld [tilespmem:s20+$0x1F50];
	v7 =	vadd.f32 v14, v7  }
0xa8: {  	v14 =	vld [tilespmem:s20+$0x1F00]  }
0xa9: {  	s21 =	sadd.s32 $0xFFFFFFFF, s6;
	v15 =	vld [tilespmem:s20+$0x1F10]  }
0xaa: {  	s22 =	sadd.s32 $0xFFFFFFFE, s6;
	v18 =	vmov s21;
	v16 =	vld [tilespmem:s20+$0x1B40]  }
0xab: {  	v19 =	vmov s22;
	s21 =	sadd.s32 $0xFFFFFFFD, s6;
	v20 =	vand.u32 $0xFFFFFFFE, v18;
	v17 =	vld [tilespmem:s20+$0x1B50]  }
.Ltmp2:
0xac: {  	s22 =	sadd.s32 $0xFFFFFFFC, s6;
	v22 =	vand.u32 $0xFFFFFFFD, v19;
	v21 =	vmov s21;
	v23 =	vbroadcast v20, $0x0;
	v18 =	vld [tilespmem:s20+$0x1B00];
	(pc) =	sbr.rel @p0 .LBB2_3-.Ltmp2, $4  }
0xad: {  	v25 =	vmov s22;
	s21 =	sadd.s32 $0xFFFFFFFB, s6;
	v24 =	vbroadcast v22, $0x0;
	v21 =	vand.u32 $0xFFFFFFFC, v21;
	v19 =	vld [tilespmem:s20+$0x1B10]  }
0xae: {  	s22 =	sadd.s32 $0xFFFFFFFA, s6;
	v26 =	vand.u32 $0xFFFFFFFB, v25;
	v22 =	vmov s21;
	v25 =	vbroadcast v21, $0x0;
	v20 =	vld [tilespmem:s20+$0x1740]  }
0xaf: {  	v27 =	vmov s22;
	s21 =	sadd.s32 $0xFFFFFFF9, s6;
	v26 =	vbroadcast v26, $0x0;
	v30 =	vand.u32 $0xFFFFFFFA, v22;
	v21 =	vld [tilespmem:s20+$0x1750]  }
0xb0: {  	v28 =	vand.u32 $0xFFFFFFF9, v27;
	s6 =	sadd.s32 $0x8, s6;
	v29 =	vmov s21;
	v27 =	vbroadcast v30, $0x0;
	v22 =	vld [tilespmem:s20+$0x1700]  }
0xb1: {  	_ =	sdelay $0x1  }
0xb2: {  	v29 =	vand.u32 $0xFFFFFFF8, v29  }
0xb3: {  	v30 =	vld [tilespmem:s20+$0x1710];
	v29 =	vbroadcast v29, $0x0  }
0xb4: {  	v23 =	vld.idx.msk [tilespmem:v23+s23+$0x0], $0xffff  }
0xb5: {  	v28 =	vbroadcast v28, $0x0;
	v24 =	vld.idx.msk [tilespmem:v24+s23+$0x0], $0xffff  }
0xb6: {  	v25 =	vld.idx.msk [tilespmem:v25+s23+$0x0], $0xffff  }
0xb7: {  	v26 =	vld.idx.msk [tilespmem:v26+s23+$0x0], $0xffff  }
0xb8: {  	v27 =	vld.idx.msk [tilespmem:v27+s23+$0x0], $0xffff  }
0xb9: {  	v8 =	vmul.f32 v8, v3;
	v4 =	vmul.f32 v4, v3;
	v29 =	vld.idx.msk [tilespmem:v29+s23+$0x0], $0xffff  }
0xba: {  	v31 =	vld [tilespmem:s20+$0x1720];
	v10 =	vmul.f32 v10, v23;
	v11 =	vmul.f32 v11, v23  }
0xbb: {  	v12 =	vmul.f32 v12, v24;
	v13 =	vmul.f32 v13, v24;
	v28 =	vld.idx.msk [tilespmem:v28+s23+$0x0], $0xffff  }
0xbc: {  	v32 =	vld [tilespmem:s20+$0x1730];
	v14 =	vmul.f32 v14, v25;
	v15 =	vmul.f32 v15, v25  }
0xbd: {  	v33 =	vld [tilespmem:s20+$0x1760];
	v16 =	vmul.f32 v16, v26;
	v17 =	vmul.f32 v17, v26  }
0xbe: {  	v34 =	vld [tilespmem:s20+$0x1770];
	v18 =	vmul.f32 v18, v27;
	v22 =	vmul.f32 v22, v29  }
0xbf: {  	v35 =	vld [tilespmem:s20+$0x1B20];
	v19 =	vmul.f32 v19, v27;
	v30 =	vmul.f32 v30, v29  }
0xc0: {  	v36 =	vld [tilespmem:s20+$0x1B30];
	v20 =	vmul.f32 v20, v28;
	v31 =	vmul.f32 v31, v29;
	v5 =	vadd.f32 v22, v5  }
0xc1: {  	v63 =	vld [tilespmem:s20+$0x1B60];
	v21 =	vmul.f32 v21, v28;
	v29 =	vmul.f32 v32, v29;
	v9 =	vadd.f32 v30, v9  }
0xc2: {  	v22 =	vmul.f32 v33, v28;
	v30 =	vld [tilespmem:s20+$0x1B70];
	v6 =	vadd.f32 v31, v6;
	v5 =	vadd.f32 v20, v5  }
0xc3: {  	v7 =	vadd.f32 v29, v7;
	v28 =	vmul.f32 v34, v28;
	v29 =	vld [tilespmem:s20+$0x1F20];
	v9 =	vadd.f32 v21, v9  }
0xc4: {  	v20 =	vmul.f32 v35, v27;
	v21 =	vld [tilespmem:s20+$0x1F30];
	v6 =	vadd.f32 v22, v6;
	v5 =	vadd.f32 v18, v5  }
0xc5: {  	v7 =	vadd.f32 v28, v7;
	v22 =	vmul.f32 v36, v27;
	v27 =	vld [tilespmem:s20+$0x1F60];
	v9 =	vadd.f32 v19, v9  }
0xc6: {  	v18 =	vmul.f32 v63, v26;
	v19 =	vld [tilespmem:s20+$0x1F70];
	v6 =	vadd.f32 v20, v6;
	v5 =	vadd.f32 v16, v5  }
0xc7: {  	v7 =	vadd.f32 v22, v7;
	v22 =	vld [tilespmem:s20+$0x2320];
	v20 =	vmul.f32 v30, v26;
	v9 =	vadd.f32 v17, v9  }
0xc8: {  	v16 =	vmul.f32 v29, v25;
	v17 =	vld [tilespmem:s20+$0x2330];
	v6 =	vadd.f32 v18, v6;
	v5 =	vadd.f32 v14, v5  }
0xc9: {  	v7 =	vadd.f32 v20, v7;
	v18 =	vmul.f32 v21, v25;
	v14 =	vld [tilespmem:s20+$0x2360];
	v9 =	vadd.f32 v15, v9  }
0xca: {  	v15 =	vmul.f32 v27, v24;
	v6 =	vadd.f32 v16, v6;
	v16 =	vld [tilespmem:s20+$0x2370];
	v5 =	vadd.f32 v12, v5  }
0xcb: {  	v7 =	vadd.f32 v18, v7;
	v18 =	vmul.f32 v19, v24;
	v9 =	vadd.f32 v13, v9  }
0xcc: {  	v12 =	vmul.f32 v22, v23;
	v6 =	vadd.f32 v15, v6;
	v5 =	vadd.f32 v10, v5  }
0xcd: {  	v7 =	vadd.f32 v18, v7;
	v13 =	vmul.f32 v17, v23;
	v9 =	vadd.f32 v11, v9  }
0xce: {  	s6 =	sshll.u32 s19, $0xB;
	v6 =	vadd.f32 v12, v6;
	v10 =	vmul.f32 v14, v3;
	v5 =	vadd.f32 v8, v5  }
0xcf: {  	s20 =	sshra.s32 s6, $0x2;
	v7 =	vadd.f32 v13, v7;
	v3 =	vmul.f32 v16, v3;
	v4 =	vadd.f32 v4, v9  }
0xd0: {  	v6 =	vadd.f32 v10, v6;
	[tilespmem:s20+$0xB700] =	vst v5  }
0xd1: {  	s22 =	simm.s32 $0xA00;
	s17 =	simm.s32 $0x2800;
	v3 =	vadd.f32 v3, v7;
	[tilespmem:s20+$0xB710] =	vst v4  }
0xd2: {  	s11 =	sand.u32 $0x7000, s17;
	s21 =	sand.u32 $0x380, s22;
	[tilespmem:s20+$0xB720] =	vst v6  }
0xd3: {  	s21 =	sor.u32 s21, s11;
	[tilespmem:s20+$0xB730] =	vst v3  }
0xd4: {  	v11 =	vld [tilespmem:s21+$0x2340]  }
0xd5: {  	v16 =	vld [tilespmem:s21+$0x2350]  }
0xd6: {  	v5 =	vld [tilespmem:s21+$0x2300]  }
0xd7: {  	s9 =	simm.s32 $0xA7;
	v6 =	vld [tilespmem:s21+$0x2310]  }
0xd8: {  	v8 =	vmov s9;
	v7 =	vld [tilespmem:s21+$0x1F40]  }
0xd9: {  	v10 =	vld [tilespmem:s21+$0x1F50]  }
0xda: {  	v12 =	vld [tilespmem:s21+$0x1F00]  }
0xdb: {  	v14 =	vld [tilespmem:s21+$0x1F10]  }
0xdc: {  	s10 =	simm.s32 $0xA6;
	s9 =	simm.s32 $0xA0;
	v15 =	vld [tilespmem:s21+$0x1B40]  }
0xdd: {  	v9 =	vmov s10;
	v3 =	vld.idx.msk [tilespmem:v8+s23+$0x0], $0xffff;
	v8 =	vmov s9  }
0xde: {  	s10 =	simm.s32 $0xA4;
	v9 =	vand.u32 $0xFFFFFFFE, v9;
	v17 =	vld [tilespmem:s21+$0x1B50];
	v8 =	vand.u32 $0xFFFFFFF8, v8  }
0xdf: {  	s11 =	simm.s32 $0xA5;
	v13 =	vmov s10;
	v4 =	vimm.f32 $0.0e+00;
	v18 =	vld [tilespmem:s21+$0x1B00];
	v21 =	vbroadcast v8, $0x0  }
0xe0: {  	v23 =	vbroadcast v9, $0x0;
	v13 =	vand.u32 $0xFFFFFFFC, v13;
	v19 =	vld [tilespmem:s21+$0x1B10];
	v8 =	vmov s11  }
0xe1: {  	s10 =	simm.s32 $0xA2;
	v27 =	vbroadcast v13, $0x0;
	v13 =	vimm.f32 $0.0e+00;
	v20 =	vld [tilespmem:s21+$0x1740];
	s11 =	simm.s32 $0xA3;
	v8 =	vand.u32 $0xFFFFFFFD, v8  }
0xe2: {  	v22 =	vld [tilespmem:s21+$0x1700];
	v9 =	vmov s11;
	s11 =	simm.s32 $0xA1;
	v26 =	vbroadcast v8, $0x0;
	v8 =	vmov s10  }
0xe3: {  	v24 =	vld [tilespmem:s21+$0x1710];
	v9 =	vand.u32 $0xFFFFFFFB, v9;
	v29 =	vmov s11;
	v30 =	vand.u32 $0xFFFFFFFA, v8  }
0xe4: {  	s6 =	simm.s32 $0xA8;
	v25 =	vld [tilespmem:s21+$0x1720];
	v28 =	vbroadcast v9, $0x0;
	v9 =	vimm.f32 $0.0e+00;
	v8 =	vimm.f32 $0.0e+00  }
.LBB2_5:
0xe5: {  	p0 =	sne.s32 s6, $0x138;
	v21 =	vld.idx.msk [tilespmem:v21+s23+$0x0], $0xffff;
	v29 =	vand.u32 $0xFFFFFFF9, v29;
	v30 =	vbroadcast v30, $0x0  }
0xe6: {  	v31 =	vld [tilespmem:s21+$0x1730];
	v29 =	vbroadcast v29, $0x0  }
0xe7: {  	v23 =	vld.idx.msk [tilespmem:v23+s23+$0x0], $0xffff  }
0xe8: {  	v26 =	vld.idx.msk [tilespmem:v26+s23+$0x0], $0xffff  }
0xe9: {  	v27 =	vld.idx.msk [tilespmem:v27+s23+$0x0], $0xffff  }
0xea: {  	v32 =	vmul.f32 v11, v3;
	v33 =	vmul.f32 v16, v3;
	v28 =	vld.idx.msk [tilespmem:v28+s23+$0x0], $0xffff  }
0xeb: {  	v11 =	vmul.f32 v22, v21;
	v16 =	vmul.f32 v24, v21;
	v22 =	vld.idx.msk [tilespmem:v30+s23+$0x0], $0xffff  }
0xec: {  	v24 =	vmul.f32 v25, v21;
	v21 =	vmul.f32 v31, v21;
	v25 =	vld.idx.msk [tilespmem:v29+s23+$0x0], $0xffff  }
0xed: {  	v30 =	vmul.f32 v5, v23;
	v6 =	vmul.f32 v6, v23;
	v29 =	vld [tilespmem:s21+$0x1750]  }
0xee: {  	v7 =	vmul.f32 v7, v26;
	v10 =	vmul.f32 v10, v26;
	v5 =	vld [tilespmem:s21+$0x1760]  }
0xef: {  	v12 =	vmul.f32 v12, v27;
	v14 =	vmul.f32 v14, v27;
	v31 =	vld [tilespmem:s21+$0x1770]  }
0xf0: {  	v15 =	vmul.f32 v15, v28;
	v17 =	vmul.f32 v17, v28;
	v34 =	vld [tilespmem:s21+$0x1B20]  }
0xf1: {  	s9 =	sadd.s32 $0x7, s6;
	v18 =	vmul.f32 v18, v22;
	v19 =	vmul.f32 v19, v22;
	v35 =	vld [tilespmem:s21+$0x1B30]  }
0xf2: {  	v36 =	vmov s9;
	v20 =	vmul.f32 v20, v25;
	v29 =	vmul.f32 v29, v25;
	v37 =	vld [tilespmem:s21+$0x1B60]  }
0xf3: {  	v4 =	vadd.f32 v11, v4;
	v11 =	vadd.f32 v16, v13;
	v5 =	vmul.f32 v5, v25;
	v13 =	vld [tilespmem:s21+$0x1B70]  }
0xf4: {  	v9 =	vadd.f32 v24, v9;
	v8 =	vadd.f32 v21, v8;
	v16 =	vmul.f32 v31, v25;
	v21 =	vld [tilespmem:s21+$0x1F20]  }
0xf5: {  	v4 =	vadd.f32 v20, v4;
	v11 =	vadd.f32 v29, v11;
	v20 =	vmul.f32 v34, v22;
	v24 =	vld [tilespmem:s21+$0x1F30]  }
0xf6: {  	v5 =	vadd.f32 v5, v9;
	v8 =	vadd.f32 v16, v8;
	v9 =	vmul.f32 v35, v22;
	v16 =	vld [tilespmem:s21+$0x1F60]  }
0xf7: {  	v4 =	vadd.f32 v18, v4;
	v11 =	vadd.f32 v19, v11;
	v18 =	vmul.f32 v37, v28;
	v19 =	vld [tilespmem:s21+$0x1F70]  }
0xf8: {  	v5 =	vadd.f32 v20, v5;
	v8 =	vadd.f32 v9, v8;
	v9 =	vmul.f32 v13, v28;
	v13 =	vld [tilespmem:s21+$0x2320]  }
0xf9: {  	v4 =	vadd.f32 v15, v4;
	v11 =	vadd.f32 v17, v11;
	v15 =	vmul.f32 v21, v27;
	v17 =	vld [tilespmem:s21+$0x2330]  }
0xfa: {  	s22 =	sadd.s32 $0x80, s22;
	s17 =	sadd.s32 $0x200, s17;
	v5 =	vadd.f32 v18, v5;
	v8 =	vadd.f32 v9, v8;
	v9 =	vmul.f32 v24, v27;
	v18 =	vld [tilespmem:s21+$0x2360]  }
0xfb: {  	s9 =	sand.u32 $0x7000, s17;
	s10 =	sand.u32 $0x380, s22;
	v4 =	vadd.f32 v12, v4;
	v12 =	vadd.f32 v14, v11;
	v14 =	vmul.f32 v16, v26;
	v20 =	vld [tilespmem:s21+$0x2370]  }
0xfc: {  	s21 =	sor.u32 s10, s9;
	v5 =	vadd.f32 v15, v5;
	v21 =	vld.idx.msk [tilespmem:v36+s23+$0x0], $0xffff;
	v8 =	vadd.f32 v9, v8;
	v9 =	vmul.f32 v19, v26  }
0xfd: {  	v4 =	vadd.f32 v7, v4;
	v7 =	vadd.f32 v10, v12;
	v11 =	vld [tilespmem:s21+$0x2340];
	v10 =	vmul.f32 v13, v23  }
0xfe: {  	v12 =	vadd.f32 v14, v5;
	v16 =	vld [tilespmem:s21+$0x2350];
	v8 =	vadd.f32 v9, v8;
	v9 =	vmul.f32 v17, v23  }
0xff: {  	v4 =	vadd.f32 v30, v4;
	v13 =	vadd.f32 v6, v7;
	v5 =	vld [tilespmem:s21+$0x2300];
	v14 =	vmul.f32 v18, v3  }
0x100: {  	v12 =	vadd.f32 v10, v12;
	v6 =	vld [tilespmem:s21+$0x2310];
	v8 =	vadd.f32 v9, v8;
	v15 =	vmul.f32 v20, v3  }
0x101: {  	v4 =	vadd.f32 v32, v4;
	v13 =	vadd.f32 v33, v13;
	v7 =	vld [tilespmem:s21+$0x1F40]  }
0x102: {  	v9 =	vadd.f32 v14, v12;
	v3 =	vmov v21;
	v10 =	vld [tilespmem:s21+$0x1F50];
	v8 =	vadd.f32 v15, v8  }
0x103: {  	v12 =	vld [tilespmem:s21+$0x1F00]  }
0x104: {  	v14 =	vld [tilespmem:s21+$0x1F10]  }
0x105: {  	v17 =	vmov s6;
	v15 =	vld [tilespmem:s21+$0x1B40]  }
0x106: {  	s9 =	sadd.s32 $0x6, s6;
	v18 =	vand.u32 $0xFFFFFFF8, v17;
	v17 =	vld [tilespmem:s21+$0x1B50]  }
0x107: {  	s10 =	sadd.s32 $0x5, s6;
	v20 =	vmov s9;
	v21 =	vbroadcast v18, $0x0;
	v18 =	vld [tilespmem:s21+$0x1B00]  }
.Ltmp3:
0x108: {  	v22 =	vmov s10;
	s9 =	sadd.s32 $0x4, s6;
	v23 =	vand.u32 $0xFFFFFFFE, v20;
	v19 =	vld [tilespmem:s21+$0x1B10];
	(pc) =	sbr.rel @p0 .LBB2_5-.Ltmp3, $4  }
0x109: {  	s10 =	sadd.s32 $0x3, s6;
	v25 =	vand.u32 $0xFFFFFFFD, v22;
	v24 =	vmov s9;
	v23 =	vbroadcast v23, $0x0;
	v20 =	vld [tilespmem:s21+$0x1740]  }
0x10a: {  	v27 =	vmov s10;
	v26 =	vbroadcast v25, $0x0;
	s9 =	sadd.s32 $0x2, s6;
	v28 =	vand.u32 $0xFFFFFFFC, v24;
	v22 =	vld [tilespmem:s21+$0x1700]  }
0x10b: {  	s10 =	sadd.s32 $0x1, s6;
	v31 =	vand.u32 $0xFFFFFFFB, v27;
	v30 =	vmov s9;
	v27 =	vbroadcast v28, $0x0;
	v24 =	vld [tilespmem:s21+$0x1710]  }
0x10c: {  	v29 =	vmov s10;
	s6 =	sadd.s32 $0x8, s6;
	v30 =	vand.u32 $0xFFFFFFFA, v30;
	v28 =	vbroadcast v31, $0x0;
	v25 =	vld [tilespmem:s21+$0x1720]  }
0x10d: {  	_ =	sdelay $0x3  }
0x10e: {  	v21 =	vld.idx.msk [tilespmem:v21+s23+$0x0], $0xffff;
	v29 =	vand.u32 $0xFFFFFFF9, v29  }
0x10f: {  	v31 =	vld [tilespmem:s21+$0x1730];
	v29 =	vbroadcast v29, $0x0  }
0x110: {  	v23 =	vld.idx.msk [tilespmem:v23+s23+$0x0], $0xffff  }
0x111: {  	v30 =	vbroadcast v30, $0x0;
	v26 =	vld.idx.msk [tilespmem:v26+s23+$0x0], $0xffff  }
0x112: {  	v27 =	vld.idx.msk [tilespmem:v27+s23+$0x0], $0xffff  }
0x113: {  	v11 =	vmul.f32 v11, v3;
	v16 =	vmul.f32 v16, v3;
	v32 =	vld [tilespmem:s21+$0x1760]  }
0x114: {  	v28 =	vld.idx.msk [tilespmem:v28+s23+$0x0], $0xffff;
	v22 =	vmul.f32 v22, v21;
	v24 =	vmul.f32 v24, v21  }
0x115: {  	v25 =	vmul.f32 v25, v21;
	v21 =	vmul.f32 v31, v21;
	v29 =	vld.idx.msk [tilespmem:v29+s23+$0x0], $0xffff  }
0x116: {  	v31 =	vld [tilespmem:s21+$0x1750];
	v5 =	vmul.f32 v5, v23;
	v6 =	vmul.f32 v6, v23  }
0x117: {  	v7 =	vmul.f32 v7, v26;
	v10 =	vmul.f32 v10, v26;
	v30 =	vld.idx.msk [tilespmem:v30+s23+$0x0], $0xffff  }
0x118: {  	v33 =	vld [tilespmem:s21+$0x1770];
	v12 =	vmul.f32 v12, v27;
	v14 =	vmul.f32 v14, v27  }
0x119: {  	v34 =	vld [tilespmem:s21+$0x1B20];
	v15 =	vmul.f32 v15, v28;
	v17 =	vmul.f32 v17, v28  }
0x11a: {  	v35 =	vld [tilespmem:s21+$0x1B30];
	v4 =	vadd.f32 v22, v4;
	v13 =	vadd.f32 v24, v13;
	v20 =	vmul.f32 v20, v29  }
0x11b: {  	v9 =	vadd.f32 v25, v9;
	v8 =	vadd.f32 v21, v8;
	v22 =	vmul.f32 v31, v29;
	v31 =	vld [tilespmem:s21+$0x1B60]  }
0x11c: {  	v63 =	vld [tilespmem:s21+$0x1B70];
	v18 =	vmul.f32 v18, v30;
	v24 =	vmul.f32 v32, v29;
	v4 =	vadd.f32 v20, v4  }
0x11d: {  	v21 =	vld [tilespmem:s21+$0x1F20];
	v19 =	vmul.f32 v19, v30;
	v20 =	vmul.f32 v33, v29;
	v13 =	vadd.f32 v22, v13  }
0x11e: {  	v25 =	vld [tilespmem:s21+$0x1F30];
	v22 =	vmul.f32 v34, v30;
	v9 =	vadd.f32 v24, v9;
	v4 =	vadd.f32 v18, v4  }
0x11f: {  	v8 =	vadd.f32 v20, v8;
	v18 =	vmul.f32 v35, v30;
	v20 =	vld [tilespmem:s21+$0x1F60];
	v13 =	vadd.f32 v19, v13  }
0x120: {  	v24 =	vld [tilespmem:s21+$0x1F70];
	v9 =	vadd.f32 v22, v9;
	v19 =	vmul.f32 v31, v28;
	v4 =	vadd.f32 v15, v4  }
0x121: {  	v8 =	vadd.f32 v18, v8;
	v15 =	vmul.f32 v63, v28;
	v18 =	vld [tilespmem:s21+$0x2320];
	v13 =	vadd.f32 v17, v13  }
0x122: {  	v17 =	vmul.f32 v21, v27;
	v21 =	vld [tilespmem:s21+$0x2330];
	v9 =	vadd.f32 v19, v9;
	v4 =	vadd.f32 v12, v4  }
0x123: {  	v8 =	vadd.f32 v15, v8;
	v12 =	vmul.f32 v25, v27;
	v15 =	vld [tilespmem:s21+$0x2360];
	v13 =	vadd.f32 v14, v13  }
0x124: {  	v19 =	vld [tilespmem:s21+$0x2370];
	v14 =	vmul.f32 v20, v26;
	v9 =	vadd.f32 v17, v9;
	v4 =	vadd.f32 v7, v4  }
0x125: {  	v7 =	vadd.f32 v12, v8;
	v8 =	vmul.f32 v24, v26;
	v10 =	vadd.f32 v10, v13  }
0x126: {  	v12 =	vmul.f32 v18, v23;
	v9 =	vadd.f32 v14, v9;
	v4 =	vadd.f32 v5, v4  }
0x127: {  	v5 =	vadd.f32 v8, v7;
	v7 =	vmul.f32 v21, v23;
	v6 =	vadd.f32 v6, v10  }
0x128: {  	v8 =	vmul.f32 v15, v3;
	v9 =	vadd.f32 v12, v9;
	v4 =	vadd.f32 v11, v4  }
0x129: {  	p0 =	seq.s32 s19, $0x3F;
	s21 =	sshll.u32 s19, $0x1;
	v3 =	vmul.f32 v19, v3;
	v5 =	vadd.f32 v7, v5;
	v6 =	vadd.f32 v16, v6  }
0x12a: {  	s6 =	sadd.s32 @!p0 $0x2, s21;
	v7 =	vadd.f32 v8, v9;
	[tilespmem:s20+$0xB780] =	vst v4  }
0x12b: {  	s9 =	smul.u32 @!p0 $0xA0, s6;
	v3 =	vadd.f32 v3, v5;
	[tilespmem:s20+$0xB790] =	vst v6  }
0x12c: {  	[tilespmem:s20+$0xB7A0] =	vst v7  }
0x12d: {  	s9 =	sshra.s32 @!p0 s9, $0x2;
	[tilespmem:s20+$0xB7B0] =	vst v3  }
0x12e: {  	v3 =	vld @!p0 [tilespmem:s9+$0x0];
	_ =	sdelay $0x4  }
0x12f: {  	v4 =	vshll.u32 @!p0 v3, $0x2  }
0x130: {  	v5 =	vlaneseq.u32 @!p0;
	v3 =	vand.u32 @!p0 $0x7, v3;
	v4 =	vand.u32 @!p0 $0xFFFFFFE0, v4  }
0x131: {  	v6 =	vshrl.u32 @!p0 v5, $0x3;
	v3 =	vor.u32 @!p0 v3, v4;
	v4 =	vand.u32 @!p0 $0x7, v5  }
0x132: {  	v6 =	vmul.u32 @!p0 $0x8, v6;
	v7 =	vperm.xlane @!p0 v3, v4;
	_ =	sdelay $0x1  }
0x133: {  	v7 =	vadd.s32 @!p0 v6, v7  }
0x134: {  	v5 =	vor.u32 @!p0 $0x8, v5  }
0x135: {  	v3 =	vperm.xlane @!p0 v3, v5;
	_ =	sdelay $0x1  }
0x136: {  	vm1 =	vmmov @!p0 $0xffff;
	s10 =	simm.s32 @!p0 $0x0;
	s17 =	simm.s32 @!p0 $0x1700;
	v3 =	vadd.s32 @!p0 v6, v3  }
0x137: {  	[tilespmem:s17], [sflag:$0x1] =	stream.indirect_vreg.gather @!p0 [hbm4b:s3+s10], $0x80, v7, vm1, $0xb8;
	[tilespmem:$0x13700] =	vst v63  }
0x138: {  	s17 =	simm.s32 @!p0 $0x1F00  }
0x139: {  	[tilespmem:s17], [sflag:$0x1] =	stream.indirect_vreg.gather @!p0 [hbm4b:s7+s10], $0x80, v7, vm1, $0xb8;
	[tilespmem:$0x13700] =	vst v63  }
0x13a: {  	s17 =	simm.s32 @!p0 $0x2700  }
0x13b: {  	[tilespmem:s17], [sflag:$0x1] =	stream.indirect_vreg.gather @!p0 [hbm4b:s3+s10], $0x80, v3, vm1, $0xb8;
	[tilespmem:$0x13700] =	vst v63  }
0x13c: {  	s17 =	simm.s32 @!p0 $0x2F00  }
0x13d: {  	[tilespmem:s17], [sflag:$0x1] =	stream.indirect_vreg.gather @!p0 [hbm4b:s7+s10], $0x80, v3, vm1, $0xb8;
	[tilespmem:$0x13700] =	vst v63  }
0x13e: {  	v3 =	vld @!p0 [tilespmem:s9+$0x10];
	_ =	sdelay $0x4  }
0x13f: {  	v7 =	vshll.u32 @!p0 v3, $0x2  }
0x140: {  	v3 =	vand.u32 @!p0 $0x7, v3;
	v7 =	vand.u32 @!p0 $0xFFFFFFE0, v7  }
0x141: {  	v3 =	vor.u32 @!p0 v3, v7  }
0x142: {  	v7 =	vperm.xlane @!p0 v3, v4;
	_ =	sdelay $0x1  }
0x143: {  	v7 =	vadd.s32 @!p0 v6, v7;
	_ =	sdelay $0x1  }
0x144: {  	v3 =	vperm.xlane @!p0 v3, v5;
	_ =	sdelay $0x1  }
0x145: {  	s17 =	simm.s32 @!p0 $0x3700;
	v3 =	vadd.s32 @!p0 v6, v3  }
0x146: {  	[tilespmem:s17], [sflag:$0x1] =	stream.indirect_vreg.gather @!p0 [hbm4b:s3+s10], $0x80, v7, vm1, $0xb8;
	[tilespmem:$0x13700] =	vst v63  }
0x147: {  	s17 =	simm.s32 @!p0 $0x3F00  }
0x148: {  	[tilespmem:s17], [sflag:$0x1] =	stream.indirect_vreg.gather @!p0 [hbm4b:s7+s10], $0x80, v7, vm1, $0xb8;
	[tilespmem:$0x13700] =	vst v63  }
0x149: {  	s17 =	simm.s32 @!p0 $0x4700  }
0x14a: {  	[tilespmem:s17], [sflag:$0x1] =	stream.indirect_vreg.gather @!p0 [hbm4b:s3+s10], $0x80, v3, vm1, $0xb8;
	[tilespmem:$0x13700] =	vst v63  }
0x14b: {  	s17 =	simm.s32 @!p0 $0x4F00  }
0x14c: {  	[tilespmem:s17], [sflag:$0x1] =	stream.indirect_vreg.gather @!p0 [hbm4b:s7+s10], $0x80, v3, vm1, $0xb8;
	[tilespmem:$0x13700] =	vst v63  }
0x14d: {  	v3 =	vld.msk @!p0 [tilespmem:s9+$0x20], $0xff;
	_ =	sdelay $0x4  }
0x14e: {  	v5 =	vshll.u32 @!p0 v3, $0x2  }
0x14f: {  	v3 =	vand.u32 @!p0 $0x7, v3;
	v5 =	vand.u32 @!p0 $0xFFFFFFE0, v5  }
0x150: {  	v3 =	vor.u32 @!p0 v3, v5  }
0x151: {  	v3 =	vperm.xlane @!p0 v3, v4;
	_ =	sdelay $0x1  }
0x152: {  	v3 =	vadd.s32 @!p0 v6, v3;
	_ =	sdelay $0x1  }
0x153: {  	s6 =	smul.u32 @!p0 $0x140, s6;
	_ =	sdelay $0x1  }
0x154: {  	s6 =	sadd.s32 @!p0 s5, s6;
	s9 =	simm.s32 @!p0 $0x5700  }
0x155: {  	[tilespmem:s9], [sflag:$0x1] =	stream.indirect_vreg.gather @!p0 [hbm4b:s3+s10], $0x80, v3, vm1, $0xb8;
	[tilespmem:$0x13700] =	vst v63  }
0x156: {  	s6 =	sshrl.u32 @!p0 s6, $0x3;
	s9 =	simm.s32 @!p0 $0x5F00  }
0x157: {  	[tilespmem:s9], [sflag:$0x1] =	stream.indirect_vreg.gather @!p0 [hbm4b:s7+s10], $0x80, v3, vm1, $0xb8;
	[tilespmem:$0x13700] =	vst v63  }
0x158: {  	s6 =	sadd.s32 @!p0 s4, s6;
	s9 =	simm.s32 @!p0 $0x1400  }
0x159: {  	[tilespmem:s9], [sflag:$0x1] =	stream.linear.gather @!p0 [hbm4b:s6+s10], $0x140, $0x38;
	[tilespmem:$0x13700] =	vst v63  }
0x15a: {  	s10 =	simm.s32 $0x7;
	_ =	swait.ge [sflag:s16], $0x5000  }
0x15b: {  	v3 =	vmov s10;
	[sflag:s16] =	ssyncset.done $0x0  }
0x15c: {  	[sflag:s16] =	ssyncadd.s32 $0xFFFFB000  }
0x15d: {  	_ =	swait.ge [sflag:s16], $0x140  }
0x15e: {  	s17 =	simm.s32 $0x0;
	[sflag:s16] =	ssyncset.done $0x0  }
0x15f: {  	s11 =	sand.u32 $0x3000, s17;
	s22 =	sand.u32 $0x380, s17;
	[sflag:s16] =	ssyncadd.s32 $0xFFFFFEC0  }
0x160: {  	s22 =	sor.u32 s22, s11;
	v3 =	vld.idx.msk [tilespmem:v3+s14+$0x0], $0xffff  }
0x161: {  	v8 =	vld [tilespmem:s22+$0x7340]  }
0x162: {  	v4 =	vld [tilespmem:s22+$0x7350]  }
0x163: {  	v10 =	vld [tilespmem:s22+$0x7300]  }
0x164: {  	v11 =	vld [tilespmem:s22+$0x7310]  }
0x165: {  	v12 =	vld [tilespmem:s22+$0x6F40]  }
0x166: {  	s11 =	simm.s32 $0x4;
	v13 =	vld [tilespmem:s22+$0x6F50]  }
0x167: {  	v9 =	vmov s11;
	v14 =	vld [tilespmem:s22+$0x6F00]  }
0x168: {  	v9 =	vand.u32 $0xFFFFFFFC, v9;
	s9 =	simm.s32 $0x6;
	v15 =	vld [tilespmem:s22+$0x6F10]  }
0x169: {  	v25 =	vbroadcast v9, $0x0;
	s10 =	simm.s32 $0x5;
	v6 =	vmov s9;
	v16 =	vld [tilespmem:s22+$0x6B40]  }
0x16a: {  	v5 =	vimm.f32 $0.0e+00;
	v7 =	vmov s10;
	v6 =	vand.u32 $0xFFFFFFFE, v6;
	s10 =	simm.s32 $0x3;
	v17 =	vld [tilespmem:s22+$0x6B50]  }
0x16b: {  	s11 =	simm.s32 $0x2;
	v7 =	vand.u32 $0xFFFFFFFD, v7;
	v23 =	vbroadcast v6, $0x0;
	v6 =	vmov s10;
	v18 =	vld [tilespmem:s22+$0x6B00]  }
0x16c: {  	s10 =	simm.s32 $0x1;
	v24 =	vbroadcast v7, $0x0;
	v7 =	vmov s11;
	v6 =	vand.u32 $0xFFFFFFFB, v6;
	v19 =	vld [tilespmem:s22+$0x6B10]  }
0x16d: {  	s11 =	simm.s32 $0x0;
	v9 =	vmov s10;
	v7 =	vand.u32 $0xFFFFFFFA, v7;
	v26 =	vbroadcast v6, $0x0;
	v20 =	vld [tilespmem:s22+$0x6740]  }
0x16e: {  	v29 =	vmov s11;
	v28 =	vand.u32 $0xFFFFFFF9, v9;
	v9 =	vimm.f32 $0.0e+00;
	v21 =	vld [tilespmem:s22+$0x6750]  }
0x16f: {  	s6 =	simm.s32 $0xF;
	s9 =	simm.s32 $0x0;
	v6 =	vimm.f32 $0.0e+00;
	v27 =	vbroadcast v7, $0x0;
	v7 =	vimm.f32 $0.0e+00;
	v22 =	vld [tilespmem:s22+$0x6700]  }
.LBB2_7:
0x170: {  	p1 =	sne.s32 s6, $0x9F;
	v29 =	vand.u32 $0xFFFFFFF8, v29;
	v30 =	vld [tilespmem:s22+$0x6710];
	v28 =	vbroadcast v28, $0x0  }
0x171: {  	v29 =	vbroadcast v29, $0x0;
	v23 =	vld.idx.msk [tilespmem:v23+s14+$0x0], $0xffff  }
0x172: {  	v24 =	vld.idx.msk [tilespmem:v24+s14+$0x0], $0xffff  }
0x173: {  	v25 =	vld.idx.msk [tilespmem:v25+s14+$0x0], $0xffff  }
0x174: {  	v26 =	vld.idx.msk [tilespmem:v26+s14+$0x0], $0xffff  }
0x175: {  	v27 =	vld.idx.msk [tilespmem:v27+s14+$0x0], $0xffff  }
0x176: {  	v31 =	vmul.f32 v8, v3;
	v32 =	vmul.f32 v4, v3;
	v28 =	vld.idx.msk [tilespmem:v28+s14+$0x0], $0xffff  }
0x177: {  	v11 =	vmul.f32 v11, v23;
	v4 =	vld.idx.msk [tilespmem:v29+s14+$0x0], $0xffff;
	v29 =	vmul.f32 v10, v23  }
0x178: {  	v10 =	vmul.f32 v12, v24;
	v12 =	vmul.f32 v13, v24;
	v8 =	vld [tilespmem:s22+$0x6720]  }
0x179: {  	v14 =	vmul.f32 v14, v25;
	v15 =	vmul.f32 v15, v25;
	v13 =	vld [tilespmem:s22+$0x6730]  }
0x17a: {  	v16 =	vmul.f32 v16, v26;
	v17 =	vmul.f32 v17, v26;
	v33 =	vld [tilespmem:s22+$0x6760]  }
0x17b: {  	v18 =	vmul.f32 v18, v27;
	v19 =	vmul.f32 v19, v27;
	v34 =	vld [tilespmem:s22+$0x6770]  }
0x17c: {  	v20 =	vmul.f32 v20, v28;
	v21 =	vmul.f32 v21, v28;
	v35 =	vld [tilespmem:s22+$0x6B20]  }
0x17d: {  	v22 =	vmul.f32 v22, v4;
	v30 =	vmul.f32 v30, v4;
	v36 =	vld [tilespmem:s22+$0x6B30]  }
0x17e: {  	v37 =	vmov s6;
	v8 =	vmul.f32 v8, v4;
	v4 =	vmul.f32 v13, v4;
	v13 =	vld [tilespmem:s22+$0x6B60]  }
0x17f: {  	v5 =	vadd.f32 v22, v5;
	v9 =	vadd.f32 v30, v9;
	v22 =	vmul.f32 v33, v28;
	v30 =	vld [tilespmem:s22+$0x6B70]  }
0x180: {  	v6 =	vadd.f32 v8, v6;
	v4 =	vadd.f32 v4, v7;
	v7 =	vmul.f32 v34, v28;
	v8 =	vld [tilespmem:s22+$0x6F20]  }
0x181: {  	v5 =	vadd.f32 v20, v5;
	v9 =	vadd.f32 v21, v9;
	v20 =	vmul.f32 v35, v27;
	v21 =	vld [tilespmem:s22+$0x6F30]  }
0x182: {  	v6 =	vadd.f32 v22, v6;
	v4 =	vadd.f32 v7, v4;
	v7 =	vmul.f32 v36, v27;
	v22 =	vld [tilespmem:s22+$0x6F60]  }
0x183: {  	v5 =	vadd.f32 v18, v5;
	v9 =	vadd.f32 v19, v9;
	v13 =	vmul.f32 v13, v26;
	v18 =	vld [tilespmem:s22+$0x6F70]  }
0x184: {  	v6 =	vadd.f32 v20, v6;
	v4 =	vadd.f32 v7, v4;
	v7 =	vmul.f32 v30, v26;
	v19 =	vld [tilespmem:s22+$0x7320]  }
0x185: {  	v5 =	vadd.f32 v16, v5;
	v9 =	vadd.f32 v17, v9;
	v8 =	vmul.f32 v8, v25;
	v16 =	vld [tilespmem:s22+$0x7330]  }
0x186: {  	s17 =	sadd.s32 $0x80, s17;
	s9 =	sadd.s32 $0x200, s9;
	v6 =	vadd.f32 v13, v6;
	v4 =	vadd.f32 v7, v4;
	v7 =	vmul.f32 v21, v25;
	v13 =	vld [tilespmem:s22+$0x7360]  }
0x187: {  	s10 =	sand.u32 $0x3000, s9;
	s11 =	sand.u32 $0x380, s17;
	v5 =	vadd.f32 v14, v5;
	v9 =	vadd.f32 v15, v9;
	v14 =	vmul.f32 v22, v24;
	v15 =	vld [tilespmem:s22+$0x7370]  }
0x188: {  	s22 =	sor.u32 s11, s10;
	v6 =	vadd.f32 v8, v6;
	v17 =	vld.idx.msk [tilespmem:v37+s14+$0x0], $0xffff;
	v7 =	vadd.f32 v7, v4;
	v18 =	vmul.f32 v18, v24  }
0x189: {  	v5 =	vadd.f32 v10, v5;
	v9 =	vadd.f32 v12, v9;
	v8 =	vld [tilespmem:s22+$0x7340];
	v12 =	vmul.f32 v19, v23  }
0x18a: {  	v6 =	vadd.f32 v14, v6;
	v4 =	vld [tilespmem:s22+$0x7350];
	v7 =	vadd.f32 v18, v7;
	v14 =	vmul.f32 v16, v23  }
0x18b: {  	v5 =	vadd.f32 v29, v5;
	v9 =	vadd.f32 v11, v9;
	v10 =	vld [tilespmem:s22+$0x7300];
	v16 =	vmul.f32 v13, v3  }
0x18c: {  	v6 =	vadd.f32 v12, v6;
	v11 =	vld [tilespmem:s22+$0x7310];
	v7 =	vadd.f32 v14, v7;
	v14 =	vmul.f32 v15, v3  }
0x18d: {  	v5 =	vadd.f32 v31, v5;
	v9 =	vadd.f32 v32, v9;
	v12 =	vld [tilespmem:s22+$0x6F40]  }
0x18e: {  	v6 =	vadd.f32 v16, v6;
	v3 =	vmov v17;
	v13 =	vld [tilespmem:s22+$0x6F50];
	v7 =	vadd.f32 v14, v7  }
0x18f: {  	v14 =	vld [tilespmem:s22+$0x6F00]  }
0x190: {  	s10 =	sadd.s32 $0xFFFFFFFF, s6;
	v15 =	vld [tilespmem:s22+$0x6F10]  }
0x191: {  	s11 =	sadd.s32 $0xFFFFFFFE, s6;
	v18 =	vmov s10;
	v16 =	vld [tilespmem:s22+$0x6B40]  }
0x192: {  	v19 =	vmov s11;
	s10 =	sadd.s32 $0xFFFFFFFD, s6;
	v20 =	vand.u32 $0xFFFFFFFE, v18;
	v17 =	vld [tilespmem:s22+$0x6B50]  }
.Ltmp4:
0x193: {  	s11 =	sadd.s32 $0xFFFFFFFC, s6;
	v22 =	vand.u32 $0xFFFFFFFD, v19;
	v21 =	vmov s10;
	v23 =	vbroadcast v20, $0x0;
	v18 =	vld [tilespmem:s22+$0x6B00];
	(pc) =	sbr.rel @p1 .LBB2_7-.Ltmp4, $4  }
0x194: {  	v25 =	vmov s11;
	s10 =	sadd.s32 $0xFFFFFFFB, s6;
	v24 =	vbroadcast v22, $0x0;
	v21 =	vand.u32 $0xFFFFFFFC, v21;
	v19 =	vld [tilespmem:s22+$0x6B10]  }
0x195: {  	s11 =	sadd.s32 $0xFFFFFFFA, s6;
	v26 =	vand.u32 $0xFFFFFFFB, v25;
	v22 =	vmov s10;
	v25 =	vbroadcast v21, $0x0;
	v20 =	vld [tilespmem:s22+$0x6740]  }
0x196: {  	v27 =	vmov s11;
	s10 =	sadd.s32 $0xFFFFFFF9, s6;
	v26 =	vbroadcast v26, $0x0;
	v30 =	vand.u32 $0xFFFFFFFA, v22;
	v21 =	vld [tilespmem:s22+$0x6750]  }
0x197: {  	v28 =	vand.u32 $0xFFFFFFF9, v27;
	s6 =	sadd.s32 $0x8, s6;
	v29 =	vmov s10;
	v27 =	vbroadcast v30, $0x0;
	v22 =	vld [tilespmem:s22+$0x6700]  }
0x198: {  	_ =	sdelay $0x1  }
0x199: {  	v29 =	vand.u32 $0xFFFFFFF8, v29  }
0x19a: {  	v30 =	vld [tilespmem:s22+$0x6710];
	v29 =	vbroadcast v29, $0x0  }
0x19b: {  	v23 =	vld.idx.msk [tilespmem:v23+s14+$0x0], $0xffff  }
0x19c: {  	v28 =	vbroadcast v28, $0x0;
	v24 =	vld.idx.msk [tilespmem:v24+s14+$0x0], $0xffff  }
0x19d: {  	v25 =	vld.idx.msk [tilespmem:v25+s14+$0x0], $0xffff  }
0x19e: {  	v26 =	vld.idx.msk [tilespmem:v26+s14+$0x0], $0xffff  }
0x19f: {  	v27 =	vld.idx.msk [tilespmem:v27+s14+$0x0], $0xffff  }
0x1a0: {  	v8 =	vmul.f32 v8, v3;
	v4 =	vmul.f32 v4, v3;
	v29 =	vld.idx.msk [tilespmem:v29+s14+$0x0], $0xffff  }
0x1a1: {  	v31 =	vld [tilespmem:s22+$0x6720];
	v10 =	vmul.f32 v10, v23;
	v11 =	vmul.f32 v11, v23  }
0x1a2: {  	v12 =	vmul.f32 v12, v24;
	v13 =	vmul.f32 v13, v24;
	v28 =	vld.idx.msk [tilespmem:v28+s14+$0x0], $0xffff  }
0x1a3: {  	v32 =	vld [tilespmem:s22+$0x6730];
	v14 =	vmul.f32 v14, v25;
	v15 =	vmul.f32 v15, v25  }
0x1a4: {  	v33 =	vld [tilespmem:s22+$0x6760];
	v16 =	vmul.f32 v16, v26;
	v17 =	vmul.f32 v17, v26  }
0x1a5: {  	v34 =	vld [tilespmem:s22+$0x6770];
	v18 =	vmul.f32 v18, v27;
	v22 =	vmul.f32 v22, v29  }
0x1a6: {  	v35 =	vld [tilespmem:s22+$0x6B20];
	v19 =	vmul.f32 v19, v27;
	v30 =	vmul.f32 v30, v29  }
0x1a7: {  	v36 =	vld [tilespmem:s22+$0x6B30];
	v20 =	vmul.f32 v20, v28;
	v31 =	vmul.f32 v31, v29;
	v5 =	vadd.f32 v22, v5  }
0x1a8: {  	v63 =	vld [tilespmem:s22+$0x6B60];
	v21 =	vmul.f32 v21, v28;
	v29 =	vmul.f32 v32, v29;
	v9 =	vadd.f32 v30, v9  }
0x1a9: {  	v22 =	vmul.f32 v33, v28;
	v30 =	vld [tilespmem:s22+$0x6B70];
	v6 =	vadd.f32 v31, v6;
	v5 =	vadd.f32 v20, v5  }
0x1aa: {  	v7 =	vadd.f32 v29, v7;
	v28 =	vmul.f32 v34, v28;
	v29 =	vld [tilespmem:s22+$0x6F20];
	v9 =	vadd.f32 v21, v9  }
0x1ab: {  	v20 =	vmul.f32 v35, v27;
	v21 =	vld [tilespmem:s22+$0x6F30];
	v6 =	vadd.f32 v22, v6;
	v5 =	vadd.f32 v18, v5  }
0x1ac: {  	v7 =	vadd.f32 v28, v7;
	v22 =	vmul.f32 v36, v27;
	v27 =	vld [tilespmem:s22+$0x6F60];
	v9 =	vadd.f32 v19, v9  }
0x1ad: {  	v18 =	vmul.f32 v63, v26;
	v19 =	vld [tilespmem:s22+$0x6F70];
	v6 =	vadd.f32 v20, v6;
	v5 =	vadd.f32 v16, v5  }
0x1ae: {  	v7 =	vadd.f32 v22, v7;
	v22 =	vld [tilespmem:s22+$0x7320];
	v20 =	vmul.f32 v30, v26;
	v9 =	vadd.f32 v17, v9  }
0x1af: {  	v16 =	vmul.f32 v29, v25;
	v17 =	vld [tilespmem:s22+$0x7330];
	v6 =	vadd.f32 v18, v6;
	v5 =	vadd.f32 v14, v5  }
0x1b0: {  	v7 =	vadd.f32 v20, v7;
	v18 =	vmul.f32 v21, v25;
	v14 =	vld [tilespmem:s22+$0x7360];
	v9 =	vadd.f32 v15, v9  }
0x1b1: {  	v15 =	vmul.f32 v27, v24;
	v6 =	vadd.f32 v16, v6;
	v16 =	vld [tilespmem:s22+$0x7370];
	v5 =	vadd.f32 v12, v5  }
0x1b2: {  	v7 =	vadd.f32 v18, v7;
	v18 =	vmul.f32 v19, v24;
	v9 =	vadd.f32 v13, v9  }
0x1b3: {  	v12 =	vmul.f32 v22, v23;
	v6 =	vadd.f32 v15, v6;
	v5 =	vadd.f32 v10, v5  }
0x1b4: {  	v7 =	vadd.f32 v18, v7;
	v13 =	vmul.f32 v17, v23;
	v9 =	vadd.f32 v11, v9  }
0x1b5: {  	v6 =	vadd.f32 v12, v6;
	v10 =	vmul.f32 v14, v3;
	v5 =	vadd.f32 v8, v5  }
0x1b6: {  	v7 =	vadd.f32 v13, v7;
	v3 =	vmul.f32 v16, v3;
	v4 =	vadd.f32 v4, v9  }
0x1b7: {  	s6 =	simm.s32 $0xA7;
	v6 =	vadd.f32 v10, v6;
	[tilespmem:s20+$0xB800] =	vst v5  }
0x1b8: {  	s17 =	simm.s32 $0xA00;
	v8 =	vmov s6;
	s6 =	simm.s32 $0x2800;
	v3 =	vadd.f32 v3, v7;
	[tilespmem:s20+$0xB810] =	vst v4  }
0x1b9: {  	s10 =	sand.u32 $0x380, s17;
	s9 =	sand.u32 $0x7000, s6;
	[tilespmem:s20+$0xB820] =	vst v6  }
0x1ba: {  	s22 =	sor.u32 s10, s9;
	[tilespmem:s20+$0xB830] =	vst v3  }
0x1bb: {  	v11 =	vld [tilespmem:s22+$0x7340]  }
0x1bc: {  	v16 =	vld [tilespmem:s22+$0x7350]  }
0x1bd: {  	v5 =	vld [tilespmem:s22+$0x7300]  }
0x1be: {  	v6 =	vld [tilespmem:s22+$0x7310]  }
0x1bf: {  	v7 =	vld [tilespmem:s22+$0x6F40]  }
0x1c0: {  	v10 =	vld [tilespmem:s22+$0x6F50]  }
0x1c1: {  	v12 =	vld [tilespmem:s22+$0x6F00]  }
0x1c2: {  	v14 =	vld [tilespmem:s22+$0x6F10]  }
0x1c3: {  	s11 =	simm.s32 $0xA0;
	v15 =	vld [tilespmem:s22+$0x6B40]  }
0x1c4: {  	s10 =	simm.s32 $0xA6;
	v3 =	vld.idx.msk [tilespmem:v8+s14+$0x0], $0xffff;
	v8 =	vmov s11  }
0x1c5: {  	v4 =	vimm.f32 $0.0e+00;
	s9 =	simm.s32 $0xA4;
	v9 =	vmov s10;
	v17 =	vld [tilespmem:s22+$0x6B50];
	v8 =	vand.u32 $0xFFFFFFF8, v8  }
0x1c6: {  	v13 =	vmov s9;
	v18 =	vld [tilespmem:s22+$0x6B00];
	v9 =	vand.u32 $0xFFFFFFFE, v9;
	s11 =	simm.s32 $0xA5;
	v21 =	vbroadcast v8, $0x0  }
0x1c7: {  	v19 =	vld [tilespmem:s22+$0x6B10];
	v13 =	vand.u32 $0xFFFFFFFC, v13;
	v23 =	vbroadcast v9, $0x0;
	v8 =	vmov s11  }
0x1c8: {  	s9 =	simm.s32 $0xA2;
	v20 =	vld [tilespmem:s22+$0x6740];
	v27 =	vbroadcast v13, $0x0;
	v13 =	vimm.f32 $0.0e+00;
	s11 =	simm.s32 $0xA3;
	v8 =	vand.u32 $0xFFFFFFFD, v8  }
0x1c9: {  	v22 =	vld [tilespmem:s22+$0x6700];
	v9 =	vmov s11;
	s11 =	simm.s32 $0xA1;
	v26 =	vbroadcast v8, $0x0;
	v8 =	vmov s9  }
0x1ca: {  	v24 =	vld [tilespmem:s22+$0x6710];
	v9 =	vand.u32 $0xFFFFFFFB, v9;
	v29 =	vmov s11;
	v30 =	vand.u32 $0xFFFFFFFA, v8  }
0x1cb: {  	v25 =	vld [tilespmem:s22+$0x6720];
	s9 =	simm.s32 $0xA8;
	v28 =	vbroadcast v9, $0x0;
	v9 =	vimm.f32 $0.0e+00;
	v8 =	vimm.f32 $0.0e+00  }
.LBB2_9:
0x1cc: {  	p1 =	sne.s32 s9, $0x138;
	v21 =	vld.idx.msk [tilespmem:v21+s14+$0x0], $0xffff;
	v29 =	vand.u32 $0xFFFFFFF9, v29;
	v30 =	vbroadcast v30, $0x0  }
0x1cd: {  	v31 =	vld [tilespmem:s22+$0x6730];
	v29 =	vbroadcast v29, $0x0  }
0x1ce: {  	v23 =	vld.idx.msk [tilespmem:v23+s14+$0x0], $0xffff  }
0x1cf: {  	v26 =	vld.idx.msk [tilespmem:v26+s14+$0x0], $0xffff  }
0x1d0: {  	v27 =	vld.idx.msk [tilespmem:v27+s14+$0x0], $0xffff  }
0x1d1: {  	v32 =	vmul.f32 v11, v3;
	v33 =	vmul.f32 v16, v3;
	v28 =	vld.idx.msk [tilespmem:v28+s14+$0x0], $0xffff  }
0x1d2: {  	v11 =	vmul.f32 v22, v21;
	v16 =	vmul.f32 v24, v21;
	v22 =	vld.idx.msk [tilespmem:v30+s14+$0x0], $0xffff  }
0x1d3: {  	v24 =	vmul.f32 v25, v21;
	v21 =	vmul.f32 v31, v21;
	v25 =	vld.idx.msk [tilespmem:v29+s14+$0x0], $0xffff  }
0x1d4: {  	v30 =	vmul.f32 v5, v23;
	v6 =	vmul.f32 v6, v23;
	v29 =	vld [tilespmem:s22+$0x6750]  }
0x1d5: {  	v7 =	vmul.f32 v7, v26;
	v10 =	vmul.f32 v10, v26;
	v5 =	vld [tilespmem:s22+$0x6760]  }
0x1d6: {  	v12 =	vmul.f32 v12, v27;
	v14 =	vmul.f32 v14, v27;
	v31 =	vld [tilespmem:s22+$0x6770]  }
0x1d7: {  	v15 =	vmul.f32 v15, v28;
	v17 =	vmul.f32 v17, v28;
	v34 =	vld [tilespmem:s22+$0x6B20]  }
0x1d8: {  	s10 =	sadd.s32 $0x7, s9;
	v18 =	vmul.f32 v18, v22;
	v19 =	vmul.f32 v19, v22;
	v35 =	vld [tilespmem:s22+$0x6B30]  }
0x1d9: {  	v36 =	vmov s10;
	v20 =	vmul.f32 v20, v25;
	v29 =	vmul.f32 v29, v25;
	v37 =	vld [tilespmem:s22+$0x6B60]  }
0x1da: {  	v4 =	vadd.f32 v11, v4;
	v11 =	vadd.f32 v16, v13;
	v5 =	vmul.f32 v5, v25;
	v13 =	vld [tilespmem:s22+$0x6B70]  }
0x1db: {  	v9 =	vadd.f32 v24, v9;
	v8 =	vadd.f32 v21, v8;
	v16 =	vmul.f32 v31, v25;
	v21 =	vld [tilespmem:s22+$0x6F20]  }
0x1dc: {  	v4 =	vadd.f32 v20, v4;
	v11 =	vadd.f32 v29, v11;
	v20 =	vmul.f32 v34, v22;
	v24 =	vld [tilespmem:s22+$0x6F30]  }
0x1dd: {  	v5 =	vadd.f32 v5, v9;
	v8 =	vadd.f32 v16, v8;
	v9 =	vmul.f32 v35, v22;
	v16 =	vld [tilespmem:s22+$0x6F60]  }
0x1de: {  	v4 =	vadd.f32 v18, v4;
	v11 =	vadd.f32 v19, v11;
	v18 =	vmul.f32 v37, v28;
	v19 =	vld [tilespmem:s22+$0x6F70]  }
0x1df: {  	v5 =	vadd.f32 v20, v5;
	v8 =	vadd.f32 v9, v8;
	v9 =	vmul.f32 v13, v28;
	v13 =	vld [tilespmem:s22+$0x7320]  }
0x1e0: {  	v4 =	vadd.f32 v15, v4;
	v11 =	vadd.f32 v17, v11;
	v15 =	vmul.f32 v21, v27;
	v17 =	vld [tilespmem:s22+$0x7330]  }
0x1e1: {  	s17 =	sadd.s32 $0x80, s17;
	s6 =	sadd.s32 $0x200, s6;
	v5 =	vadd.f32 v18, v5;
	v8 =	vadd.f32 v9, v8;
	v9 =	vmul.f32 v24, v27;
	v18 =	vld [tilespmem:s22+$0x7360]  }
0x1e2: {  	s10 =	sand.u32 $0x7000, s6;
	s11 =	sand.u32 $0x380, s17;
	v4 =	vadd.f32 v12, v4;
	v12 =	vadd.f32 v14, v11;
	v14 =	vmul.f32 v16, v26;
	v20 =	vld [tilespmem:s22+$0x7370]  }
0x1e3: {  	s22 =	sor.u32 s11, s10;
	v5 =	vadd.f32 v15, v5;
	v21 =	vld.idx.msk [tilespmem:v36+s14+$0x0], $0xffff;
	v8 =	vadd.f32 v9, v8;
	v9 =	vmul.f32 v19, v26  }
0x1e4: {  	v4 =	vadd.f32 v7, v4;
	v7 =	vadd.f32 v10, v12;
	v11 =	vld [tilespmem:s22+$0x7340];
	v10 =	vmul.f32 v13, v23  }
0x1e5: {  	v12 =	vadd.f32 v14, v5;
	v16 =	vld [tilespmem:s22+$0x7350];
	v8 =	vadd.f32 v9, v8;
	v9 =	vmul.f32 v17, v23  }
0x1e6: {  	v4 =	vadd.f32 v30, v4;
	v13 =	vadd.f32 v6, v7;
	v5 =	vld [tilespmem:s22+$0x7300];
	v14 =	vmul.f32 v18, v3  }
0x1e7: {  	v12 =	vadd.f32 v10, v12;
	v6 =	vld [tilespmem:s22+$0x7310];
	v8 =	vadd.f32 v9, v8;
	v15 =	vmul.f32 v20, v3  }
0x1e8: {  	v4 =	vadd.f32 v32, v4;
	v13 =	vadd.f32 v33, v13;
	v7 =	vld [tilespmem:s22+$0x6F40]  }
0x1e9: {  	v9 =	vadd.f32 v14, v12;
	v3 =	vmov v21;
	v10 =	vld [tilespmem:s22+$0x6F50];
	v8 =	vadd.f32 v15, v8  }
0x1ea: {  	v12 =	vld [tilespmem:s22+$0x6F00]  }
0x1eb: {  	v14 =	vld [tilespmem:s22+$0x6F10]  }
0x1ec: {  	v17 =	vmov s9;
	v15 =	vld [tilespmem:s22+$0x6B40]  }
0x1ed: {  	s10 =	sadd.s32 $0x6, s9;
	v18 =	vand.u32 $0xFFFFFFF8, v17;
	v17 =	vld [tilespmem:s22+$0x6B50]  }
0x1ee: {  	s11 =	sadd.s32 $0x5, s9;
	v20 =	vmov s10;
	v21 =	vbroadcast v18, $0x0;
	v18 =	vld [tilespmem:s22+$0x6B00]  }
.Ltmp5:
0x1ef: {  	v22 =	vmov s11;
	s10 =	sadd.s32 $0x4, s9;
	v23 =	vand.u32 $0xFFFFFFFE, v20;
	v19 =	vld [tilespmem:s22+$0x6B10];
	(pc) =	sbr.rel @p1 .LBB2_9-.Ltmp5, $4  }
0x1f0: {  	s11 =	sadd.s32 $0x3, s9;
	v25 =	vand.u32 $0xFFFFFFFD, v22;
	v24 =	vmov s10;
	v23 =	vbroadcast v23, $0x0;
	v20 =	vld [tilespmem:s22+$0x6740]  }
0x1f1: {  	v27 =	vmov s11;
	v26 =	vbroadcast v25, $0x0;
	s10 =	sadd.s32 $0x2, s9;
	v28 =	vand.u32 $0xFFFFFFFC, v24;
	v22 =	vld [tilespmem:s22+$0x6700]  }
0x1f2: {  	s11 =	sadd.s32 $0x1, s9;
	v31 =	vand.u32 $0xFFFFFFFB, v27;
	v30 =	vmov s10;
	v27 =	vbroadcast v28, $0x0;
	v24 =	vld [tilespmem:s22+$0x6710]  }
0x1f3: {  	v29 =	vmov s11;
	s9 =	sadd.s32 $0x8, s9;
	v30 =	vand.u32 $0xFFFFFFFA, v30;
	v28 =	vbroadcast v31, $0x0;
	v25 =	vld [tilespmem:s22+$0x6720]  }
0x1f4: {  	_ =	sdelay $0x3  }
0x1f5: {  	v21 =	vld.idx.msk [tilespmem:v21+s14+$0x0], $0xffff;
	v29 =	vand.u32 $0xFFFFFFF9, v29  }
0x1f6: {  	v31 =	vld [tilespmem:s22+$0x6730];
	v29 =	vbroadcast v29, $0x0  }
0x1f7: {  	v23 =	vld.idx.msk [tilespmem:v23+s14+$0x0], $0xffff  }
0x1f8: {  	v30 =	vbroadcast v30, $0x0;
	v26 =	vld.idx.msk [tilespmem:v26+s14+$0x0], $0xffff  }
0x1f9: {  	v27 =	vld.idx.msk [tilespmem:v27+s14+$0x0], $0xffff  }
0x1fa: {  	v11 =	vmul.f32 v11, v3;
	v16 =	vmul.f32 v16, v3;
	v36 =	vld [tilespmem:s22+$0x6750]  }
0x1fb: {  	v28 =	vld.idx.msk [tilespmem:v28+s14+$0x0], $0xffff;
	v22 =	vmul.f32 v22, v21;
	v24 =	vmul.f32 v24, v21  }
0x1fc: {  	v25 =	vmul.f32 v25, v21;
	v21 =	vmul.f32 v31, v21;
	v29 =	vld.idx.msk [tilespmem:v29+s14+$0x0], $0xffff  }
0x1fd: {  	v32 =	vld [tilespmem:s22+$0x6760];
	v5 =	vmul.f32 v5, v23;
	v6 =	vmul.f32 v6, v23  }
0x1fe: {  	v7 =	vmul.f32 v7, v26;
	v10 =	vmul.f32 v10, v26;
	v30 =	vld.idx.msk [tilespmem:v30+s14+$0x0], $0xffff  }
0x1ff: {  	v33 =	vld [tilespmem:s22+$0x6770];
	v12 =	vmul.f32 v12, v27;
	v14 =	vmul.f32 v14, v27  }
0x200: {  	v34 =	vld [tilespmem:s22+$0x6B20];
	v15 =	vmul.f32 v15, v28;
	v17 =	vmul.f32 v17, v28  }
0x201: {  	v35 =	vld [tilespmem:s22+$0x6B30];
	v4 =	vadd.f32 v22, v4;
	v13 =	vadd.f32 v24, v13;
	v20 =	vmul.f32 v20, v29  }
0x202: {  	v38 =	vld [tilespmem:s22+$0x6B60];
	v9 =	vadd.f32 v25, v9;
	v8 =	vadd.f32 v21, v8;
	v37 =	vmul.f32 v36, v29  }
0x203: {  	v40 =	vld [tilespmem:s22+$0x6B70];
	v18 =	vmul.f32 v18, v30;
	v39 =	vmul.f32 v32, v29;
	v4 =	vadd.f32 v20, v4  }
0x204: {  	v42 =	vld [tilespmem:s22+$0x6F20];
	v19 =	vmul.f32 v19, v30;
	v41 =	vmul.f32 v33, v29;
	v13 =	vadd.f32 v37, v13  }
0x205: {  	v44 =	vld [tilespmem:s22+$0x6F30];
	v43 =	vmul.f32 v34, v30;
	v9 =	vadd.f32 v39, v9;
	v4 =	vadd.f32 v18, v4  }
0x206: {  	v46 =	vld [tilespmem:s22+$0x6F60];
	v45 =	vmul.f32 v35, v30;
	v8 =	vadd.f32 v41, v8;
	v13 =	vadd.f32 v19, v13  }
0x207: {  	v48 =	vld [tilespmem:s22+$0x6F70];
	v47 =	vmul.f32 v38, v28;
	v9 =	vadd.f32 v43, v9;
	v4 =	vadd.f32 v15, v4  }
0x208: {  	v50 =	vld [tilespmem:s22+$0x7320];
	v49 =	vmul.f32 v40, v28;
	v8 =	vadd.f32 v45, v8;
	v13 =	vadd.f32 v17, v13  }
0x209: {  	v52 =	vld [tilespmem:s22+$0x7330];
	v51 =	vmul.f32 v42, v27;
	v9 =	vadd.f32 v47, v9;
	v4 =	vadd.f32 v12, v4  }
0x20a: {  	v54 =	vld [tilespmem:s22+$0x7360];
	v53 =	vmul.f32 v44, v27;
	v8 =	vadd.f32 v49, v8;
	v13 =	vadd.f32 v14, v13  }
0x20b: {  	v56 =	vld [tilespmem:s22+$0x7370];
	v55 =	vmul.f32 v46, v26;
	v9 =	vadd.f32 v51, v9;
	v4 =	vadd.f32 v7, v4  }
0x20c: {  	v58 =	vmul.f32 v48, v26;
	v57 =	vadd.f32 v53, v8;
	v10 =	vadd.f32 v10, v13  }
0x20d: {  	v59 =	vmul.f32 v50, v23;
	v9 =	vadd.f32 v55, v9;
	v4 =	vadd.f32 v5, v4  }
0x20e: {  	v61 =	vmul.f32 v52, v23;
	v60 =	vadd.f32 v58, v57;
	v6 =	vadd.f32 v6, v10  }
0x20f: {  	v62 =	vmul.f32 v54, v3;
	v9 =	vadd.f32 v59, v9;
	v4 =	vadd.f32 v11, v4  }
.Ltmp6:
0x210: {  	v3 =	vmul.f32 v56, v3;
	v5 =	vadd.f32 v61, v60;
	v6 =	vadd.f32 v16, v6;
	(pc) =	sbr.rel @p0 .LBB2_12-.Ltmp6, $4  }
0x211: {  	v63 =	vadd.f32 v62, v9;
	[tilespmem:s20+$0xB880] =	vst v4  }
0x212: {  	v3 =	vadd.f32 v3, v5;
	[tilespmem:s20+$0xB890] =	vst v6  }
0x213: {  	[tilespmem:s20+$0xB8A0] =	vst v63  }
0x214: {  	[tilespmem:s20+$0xB8B0] =	vst v3  }
0x215: {  	s6 =	sadd.s32 $0x3, s21  }
0x216: {  	s9 =	smul.u32 $0xA0, s6;
	_ =	sdelay $0x1  }
0x217: {  	s9 =	sshra.s32 s9, $0x2  }
0x218: {  	v3 =	vld [tilespmem:s9+$0x0];
	_ =	sdelay $0x4  }
0x219: {  	v4 =	vshll.u32 v3, $0x2  }
0x21a: {  	v3 =	vand.u32 $0x7, v3;
	v4 =	vand.u32 $0xFFFFFFE0, v4  }
0x21b: {  	v3 =	vor.u32 v3, v4  }
0x21c: {  	v4 =	vperm.xlane v3, v0;
	_ =	sdelay $0x1  }
0x21d: {  	v4 =	vadd.s32 v1, v4;
	_ =	sdelay $0x1  }
0x21e: {  	v3 =	vperm.xlane v3, v2;
	_ =	sdelay $0x1  }
0x21f: {  	v3 =	vadd.s32 v1, v3  }
0x220: {  	[tilespmem:s24], [sflag:$0x2] =	stream.indirect_vreg.gather [hbm4b:s3+s2], $0x80, v4, vm0, $0xb8;
	[tilespmem:$0x13700] =	vst v63  }
0x221: {  	_ = 	snop  }
0x222: {  	[tilespmem:s25], [sflag:$0x2] =	stream.indirect_vreg.gather [hbm4b:s7+s2], $0x80, v4, vm0, $0xb8;
	[tilespmem:$0x13700] =	vst v63  }
0x223: {  	_ = 	snop  }
0x224: {  	[tilespmem:s26], [sflag:$0x2] =	stream.indirect_vreg.gather [hbm4b:s3+s2], $0x80, v3, vm0, $0xb8;
	[tilespmem:$0x13700] =	vst v63  }
0x225: {  	_ = 	snop  }
0x226: {  	[tilespmem:s28], [sflag:$0x2] =	stream.indirect_vreg.gather [hbm4b:s7+s2], $0x80, v3, vm0, $0xb8;
	[tilespmem:$0x13700] =	vst v63  }
0x227: {  	v3 =	vld [tilespmem:s9+$0x10];
	_ =	sdelay $0x4  }
0x228: {  	v62 =	vshll.u32 v3, $0x2  }
0x229: {  	v3 =	vand.u32 $0x7, v3;
	v4 =	vand.u32 $0xFFFFFFE0, v62  }
0x22a: {  	v3 =	vor.u32 v3, v4  }
0x22b: {  	v4 =	vperm.xlane v3, v0;
	_ =	sdelay $0x1  }
0x22c: {  	v4 =	vadd.s32 v1, v4;
	_ =	sdelay $0x1  }
0x22d: {  	v3 =	vperm.xlane v3, v2;
	_ =	sdelay $0x1  }
0x22e: {  	v3 =	vadd.s32 v1, v3  }
0x22f: {  	[tilespmem:s29], [sflag:$0x2] =	stream.indirect_vreg.gather [hbm4b:s3+s2], $0x80, v4, vm0, $0xb8;
	[tilespmem:$0x13700] =	vst v63  }
0x230: {  	_ = 	snop  }
0x231: {  	[tilespmem:s30], [sflag:$0x2] =	stream.indirect_vreg.gather [hbm4b:s7+s2], $0x80, v4, vm0, $0xb8;
	[tilespmem:$0x13700] =	vst v63  }
0x232: {  	_ = 	snop  }
0x233: {  	[tilespmem:s31], [sflag:$0x2] =	stream.indirect_vreg.gather [hbm4b:s3+s2], $0x80, v3, vm0, $0xb8;
	[tilespmem:$0x13700] =	vst v63  }
0x234: {  	_ = 	snop  }
0x235: {  	[tilespmem:s0], [sflag:$0x2] =	stream.indirect_vreg.gather [hbm4b:s7+s2], $0x80, v3, vm0, $0xb8;
	[tilespmem:$0x13700] =	vst v63  }
0x236: {  	v3 =	vld.msk [tilespmem:s9+$0x20], $0xff;
	_ =	sdelay $0x4  }
0x237: {  	v63 =	vshll.u32 v3, $0x2  }
0x238: {  	v3 =	vand.u32 $0x7, v3;
	v4 =	vand.u32 $0xFFFFFFE0, v63  }
0x239: {  	v3 =	vor.u32 v3, v4  }
0x23a: {  	v3 =	vperm.xlane v3, v0;
	_ =	sdelay $0x1  }
0x23b: {  	v3 =	vadd.s32 v1, v3;
	_ =	sdelay $0x3  }
0x23c: {  	s6 =	smul.u32 $0x140, s6  }
0x23d: {  	[tilespmem:s1], [sflag:$0x2] =	stream.indirect_vreg.gather [hbm4b:s3+s2], $0x80, v3, vm0, $0xb8;
	[tilespmem:$0x13700] =	vst v63  }
.Ltmp7:
0x23e: {  	s6 =	sadd.s32 s5, s6;
	(pc) =	sbr.rel .LBB2_2-.Ltmp7, $4  }
0x23f: {  	s6 =	sshrl.u32 s6, $0x3  }
0x240: {  	[tilespmem:s13], [sflag:$0x2] =	stream.indirect_vreg.gather [hbm4b:s7+s2], $0x80, v3, vm0, $0xb8;
	[tilespmem:$0x13700] =	vst v63  }
0x241: {  	s19 =	sadd.s32 $0x1, s19;
	s6 =	sadd.s32 s4, s6  }
0x242: {  	[tilespmem:s14], [sflag:$0x2] =	stream.linear.gather [hbm4b:s6+s2], $0x140, $0x38;
	[tilespmem:$0x13700] =	vst v63  }
.LBB2_13:
0x243: {  	_ =	sfence.sel $0x180000  }
0x244: {  	[bflag:$0x0] =	sbarrier.arrive $0xFFFF  }
0x245: {  	_ =	strace $0x9000004A  }
0x246: {  	s0 =	stileid.u32;
	[bflag:$0x2] =	sbarrier.arrive $0xFFFF  }
0x247: {  	p0 =	sne.s32 s0, $0x0;
	s0 =	rddreg [dreg:$0x2]  }
0x248: {  	s0 =	sadd.s32 @!p0 $0x100000, s0  }
0x249: {  	[sflag:s0] =	ssyncadd.tile.s32 @!p0 $0x1;
	_ =	shalt  }
.Lfunc_end2:
_tile_overlayer_lowered:
.L_overlay_start_2:
0x24a: {  	(tag) =	ssettag $0x2  }
0x24b: {  	s0 =	rddreg [dreg:$0x0];
	s2 =	stileid.u32  }
0x24c: {  	s1 =	rddreg [dreg:$0x1];
	p0 =	sne.s32 s2, $0x0  }
0x24d: {  	s3 =	rddreg [dreg:$0x2];
	[bflag:$0x3] =	sbarrier.arrive $0xFFFF;
	s2 =	simm.s32 @!p0 $0x1C03  }
0x24e: {  	[timem:s3], [sflag:s2] =	dma.local @!p0 [hbm:s0], s1  }
0x24f: {  	s0 =	simm.s32 @!p0 $0x3  }
0x250: {  	_ =	swait.ge @!p0 [sflag:s0], s1  }
0x251: {  	s1 =	ssub.s32 @!p0 $0x0, s1;
	[sflag:s0] =	ssyncset.done @!p0 $0x0  }
0x252: {  	[sflag:s0] =	ssyncadd.s32 @!p0 s1  }
0x253: {  	[bflag:$0x3] =	sbarrier.arrive $0xFFFF  }
0x254: {  	_ =	shalt  }

</sc_bundles>
